<compile_context>
chip_gen: v7x
topology: tpu7x:2x2x1
jax: 0.10.2.dev20260603
libtpu: 0.0.44.dev20260713+nightly
codegen_flags: <defaults>
</compile_context>

<pallas_src>
import jax
import jax.numpy as jnp
from jax import lax
from jax.experimental import pallas as pl
from jax.experimental.pallas import tpu as pltpu
from jax.experimental.pallas import tpu_sc as plsc

N = 320000
D = 128
S = 10000
NC = 2
NS = 16
C = 80
NCHUNK = N // C
CPT = NCHUNK // NS
HALF = 5120
SPC = 5248
SPT = SPC // NS
ZR = 8
CNTW = 128


def _bounds_body(i_ref, o_ref):
    b = jnp.sum((i_ref[...] < HALF).astype(jnp.int32))
    bceil = (b + C - 1) // C
    bfloor = b // C
    sub = lax.broadcasted_iota(jnp.int32, (8, 128), 0)
    lane = lax.broadcasted_iota(jnp.int32, (8, 128), 1)
    o_ref[...] = jnp.where((sub == 0) & (lane == 0), bceil,
                           jnp.where((sub == 0) & (lane == 1), bfloor, 0))


_bounds = pl.pallas_call(
    _bounds_body,
    out_shape=jax.ShapeDtypeStruct((8, 128), jnp.int32),
)


def _pool_body(sig_hbm, idx_hbm, bnd_hbm, psum_hbm, pcnt_hbm,
               idx_b, idx_b1, idx_r, idx_r1, rows_v, rows1, ones_v, zsum_v,
               zcnt_v, bnd_v, ssum, scnt):
    c = lax.axis_index("c")
    s = lax.axis_index("s")

    for r in range(ZR):
        for jj in range(D // 16):
            zsum_v[r, pl.ds(jj * 16, 16)] = jnp.zeros((16,), jnp.float32)
        for jj in range(CNTW // 16):
            zcnt_v[r, pl.ds(jj * 16, 16)] = jnp.zeros((16,), jnp.float32)

    def fill_ones(r, carry):
        for jj in range(CNTW // 16):
            ones_v[r, pl.ds(jj * 16, 16)] = jnp.ones((16,), jnp.float32)
        return carry
    lax.fori_loop(0, C, fill_ones, 0)

    segbase = s * SPT

    def zstep(k, carry):
        pltpu.sync_copy(zsum_v, ssum.at[pl.ds(segbase + k * ZR, ZR)])
        pltpu.sync_copy(zcnt_v, scnt.at[pl.ds(segbase + k * ZR, ZR)])
        return carry

    lax.fori_loop(0, SPT // ZR, zstep, 0)
    plsc.subcore_barrier()

    pltpu.sync_copy(bnd_hbm, bnd_v)
    bv = bnd_v[0, pl.ds(0, 16)]
    bceil = bv[0]
    bfloor = bv[1]
    ci = jnp.int32(c)
    cb_lo = bfloor * ci
    cb_hi = bceil + (NCHUNK - bceil) * ci
    k_lo = lax.div(jnp.maximum(cb_lo - s + NS - 1, 0), NS)
    k_hi = lax.div(jnp.maximum(cb_hi - s + NS - 1, 0), NS)

    lo = c * HALF

    T = k_hi - k_lo
    odd = T - 2 * lax.div(T, 2)
    k_lo = k_lo - odd * ci
    k_hi = k_hi + odd * (1 - ci)
    npair = lax.div(k_hi - k_lo, 2)
    maxslot = NCHUNK // NS - 1

    def remap_scatter(ib, ir, rb):
        for jj in range(C // 16):
            v = ib[0, pl.ds(jj * 16, 16)]
            local = v - lo
            ok = (local >= 0) & (local < HALF)
            ir[pl.ds(jj * 16, 16)] = jnp.where(ok, local, HALF)
        pltpu.sync_copy(rb, ssum.at[ir], add=True)
        pltpu.sync_copy(ones_v, scnt.at[ir], add=True)

    def main(si0, si1, sr0, sr1):
        def load(slot, ib, rb, si, sr):
            chunk = s + jnp.minimum(slot, maxslot) * NS
            pltpu.async_copy(idx_hbm.at[chunk], ib, si)
            pltpu.async_copy(sig_hbm.at[pl.ds(chunk * C, C)], rb, sr)

        def wait(slot, ib, rb, si, sr):
            chunk = s + jnp.minimum(slot, maxslot) * NS
            pltpu.make_async_copy(idx_hbm.at[chunk], ib, si).wait()
            pltpu.make_async_copy(
                sig_hbm.at[pl.ds(chunk * C, C)], rb, sr).wait()

        load(k_lo, idx_b, rows_v, si0, sr0)

        def step(t, carry):
            k = k_lo + 2 * t
            load(k + 1, idx_b1, rows1, si1, sr1)
            wait(k, idx_b, rows_v, si0, sr0)
            remap_scatter(idx_b, idx_r, rows_v)
            load(k + 2, idx_b, rows_v, si0, sr0)
            wait(k + 1, idx_b1, rows1, si1, sr1)
            remap_scatter(idx_b1, idx_r1, rows1)
            return carry

        lax.fori_loop(0, npair, step, 0)
        wait(k_lo + 2 * npair, idx_b, rows_v, si0, sr0)

    pl.run_scoped(main,
                  pltpu.SemaphoreType.DMA, pltpu.SemaphoreType.DMA,
                  pltpu.SemaphoreType.DMA, pltpu.SemaphoreType.DMA)

    plsc.subcore_barrier()
    pltpu.sync_copy(ssum.at[pl.ds(segbase, SPT)],
                    psum_hbm.at[c, pl.ds(segbase, SPT)])
    pltpu.sync_copy(scnt.at[pl.ds(segbase, SPT)],
                    pcnt_hbm.at[c, pl.ds(segbase, SPT)])


_pool = pl.kernel(
    _pool_body,
    out_type=(jax.ShapeDtypeStruct((NC, SPC, D), jnp.float32),
              jax.ShapeDtypeStruct((NC, SPC, CNTW), jnp.float32)),
    mesh=plsc.VectorSubcoreMesh(core_axis_name="c", subcore_axis_name="s"),
    scratch_types=[
        pltpu.VMEM((1, C), jnp.int32),
        pltpu.VMEM((1, C), jnp.int32),
        pltpu.VMEM((C,), jnp.int32),
        pltpu.VMEM((C,), jnp.int32),
        pltpu.VMEM((C, D), jnp.float32),
        pltpu.VMEM((C, D), jnp.float32),
        pltpu.VMEM((C, CNTW), jnp.float32),
        pltpu.VMEM((ZR, D), jnp.float32),
        pltpu.VMEM((ZR, CNTW), jnp.float32),
        pltpu.VMEM((8, 128), jnp.int32),
        pltpu.VMEM_SHARED((SPC, D), jnp.float32),
        pltpu.VMEM_SHARED((SPC, CNTW), jnp.float32),
    ],
)


RB = 1280


def _combine_body(p_ref, c_ref, o_ref):
    sums = p_ref[0]
    cnt = c_ref[0]
    o_ref[...] = sums / jnp.maximum(cnt[:, 0:1], 1.0)


_combine = pl.pallas_call(
    _combine_body,
    grid=(pl.cdiv(S, RB),),
    in_specs=[
        pl.BlockSpec((1, RB, D), lambda i: (i // (HALF // RB), i % (HALF // RB), 0)),
        pl.BlockSpec((1, RB, CNTW), lambda i: (i // (HALF // RB), i % (HALF // RB), 0)),
    ],
    out_specs=pl.BlockSpec((RB, D), lambda i: (i, 0)),
    out_shape=jax.ShapeDtypeStruct((S, D), jnp.float32),
)


@jax.jit
def _impl(signal, cell_idx):
    bnd = _bounds(cell_idx.reshape(NCHUNK, C))
    idx3 = cell_idx.reshape(NCHUNK, 1, C)
    psum, pcnt = _pool(signal, idx3, bnd)
    return _combine(psum, pcnt)


def kernel(signal, cell_idx, num_cells):
    return _impl(signal, cell_idx)

# --- scband reference (transcript-rebuilt; emitter-appended) ---
"""Pipeline reference for scband-grid-pooling-65309272703442 (READ-ONLY COPY).

The authoritative reference and input builder live on the scoring server;
editing this copy changes nothing except your own understanding.
"""

import jax, jax.numpy as jnp
import numpy as np

N = 320000
D = 128
S = 10000

def setup_inputs(seed: int = 0) -> dict:
    key = jax.random.key(seed)
    k1, k2 = jax.random.split(key)
    signal = jax.random.normal(k1, (N, D), dtype=jnp.float32)
    cell_idx = jnp.sort(jax.random.randint(k2, (N,), 0, S, dtype=jnp.int32))
    return {"signal": signal, "cell_idx": cell_idx, "num_cells": S}

def reference(signal, cell_idx, num_cells):
    # Faithful translation of tf.math.unsorted_segment_mean(signal, cell_idx, num_segments=num_cells)
    sums = jax.ops.segment_sum(signal, cell_idx, num_segments=S)
    counts = jax.ops.segment_sum(jnp.ones((signal.shape[0],), dtype=signal.dtype), cell_idx, num_segments=S)
    counts = counts + jnp.zeros((), dtype=signal.dtype) * jnp.asarray(num_cells, dtype=signal.dtype)
    # TF returns 0 for empty segments; dividing 0-sum by max(count,1) reproduces that.
    return sums / jnp.maximum(counts, 1.0)[:, None]

if __name__ == "__main__":
    import jax
    _d = setup_inputs()
    print(jax.jit(kernel)(*tuple(_d.values())))

</pallas_src>

<mosaic_0001>
#map = affine_map<(d0, d1) -> (0, 0)>
#map1 = affine_map<(d0, d1) -> (0, 0, 0)>
module attributes {stable_mosaic.version = 14 : i64} {
  func.func @_pool_body(%arg0: i32, %arg1: i32, %arg2: memref<320000x128xf32, #tpu.memory_space<hbm>>, %arg3: memref<4000x1x80xi32, #tpu.memory_space<hbm>>, %arg4: memref<8x128xi32, #tpu.memory_space<hbm>>, %arg5: memref<2x5248x128xf32, #tpu.memory_space<hbm>>, %arg6: memref<2x5248x128xf32, #tpu.memory_space<hbm>>, %arg7: memref<1x80xi32, #tpu.memory_space<vmem>>, %arg8: memref<1x80xi32, #tpu.memory_space<vmem>>, %arg9: memref<80xi32, #tpu.memory_space<vmem>>, %arg10: memref<80xi32, #tpu.memory_space<vmem>>, %arg11: memref<80x128xf32, #tpu.memory_space<vmem>>, %arg12: memref<80x128xf32, #tpu.memory_space<vmem>>, %arg13: memref<80x128xf32, #tpu.memory_space<vmem>>, %arg14: memref<8x128xf32, #tpu.memory_space<vmem>>, %arg15: memref<8x128xf32, #tpu.memory_space<vmem>>, %arg16: memref<8x128xi32, #tpu.memory_space<vmem>>, %arg17: memref<5248x128xf32, #tpu.memory_space<vmem_shared>>, %arg18: memref<5248x128xf32, #tpu.memory_space<vmem_shared>>) attributes {dimension_semantics = [#tpu.dimension_semantics<core_parallel>, #tpu.dimension_semantics<subcore_parallel>], iteration_bounds = array<i64: 2, 16>, scalar_prefetch = 0 : i64, scratch_operands = 12 : i64, tpu.core_type = #tpu.core_type<sc_vector_subcore>, window_params = [{transform_indices = #map}, {transform_indices = #map1}, {transform_indices = #map}, {transform_indices = #map1}, {transform_indices = #map1}]} {
    %broadcast_in_dim3A = arith.constant 0.000000e+00 : f32
    %broadcast_in_dim3A_0 = vector.broadcast %broadcast_in_dim3A : f32 to vector<16xf32>
    %swap3A = arith.constant 0 : i32
    %swap3A_1 = arith.index_cast %swap3A : i32 to index
    %swap3A_2 = arith.constant 0 : index
    %swap3A_3 = tpu.vector_load %arg14[%swap3A_1, %swap3A_2] {strides = array<i32>} : memref<8x128xf32, #tpu.memory_space<vmem>>, vector<1x16xf32>,
    %swap3A_4 = vector.shape_cast %swap3A_3 : vector<1x16xf32> to vector<16xf32>
    %swap3A_5 = vector.shape_cast %broadcast_in_dim3A_0 : vector<16xf32> to vector<1x16xf32>
    tpu.vector_store %arg14[%swap3A_1, %swap3A_2], %swap3A_5 {strides = array<i32>} : memref<8x128xf32, #tpu.memory_space<vmem>>, vector<1x16xf32>,
    %broadcast_in_dim3A_6 = arith.constant 0.000000e+00 : f32
    %broadcast_in_dim3A_7 = vector.broadcast %broadcast_in_dim3A_6 : f32 to vector<16xf32>
    %swap3A_8 = arith.constant 0 : i32
    %swap3A_9 = arith.index_cast %swap3A_8 : i32 to index
    %swap3A_10 = arith.constant 16 : index
    %swap3A_11 = tpu.vector_load %arg14[%swap3A_9, %swap3A_10] {strides = array<i32>} : memref<8x128xf32, #tpu.memory_space<vmem>>, vector<1x16xf32>,
    %swap3A_12 = vector.shape_cast %swap3A_11 : vector<1x16xf32> to vector<16xf32>
    %swap3A_13 = vector.shape_cast %broadcast_in_dim3A_7 : vector<16xf32> to vector<1x16xf32>
    tpu.vector_store %arg14[%swap3A_9, %swap3A_10], %swap3A_13 {strides = array<i32>} : memref<8x128xf32, #tpu.memory_space<vmem>>, vector<1x16xf32>,
    %broadcast_in_dim3A_14 = arith.constant 0.000000e+00 : f32
    %broadcast_in_dim3A_15 = vector.broadcast %broadcast_in_dim3A_14 : f32 to vector<16xf32>
    %swap3A_16 = arith.constant 0 : i32
    %swap3A_17 = arith.index_cast %swap3A_16 : i32 to index
    %swap3A_18 = arith.constant 32 : index
    %swap3A_19 = tpu.vector_load %arg14[%swap3A_17, %swap3A_18] {strides = array<i32>} : memref<8x128xf32, #tpu.memory_space<vmem>>, vector<1x16xf32>,
    %swap3A_20 = vector.shape_cast %swap3A_19 : vector<1x16xf32> to vector<16xf32>
    %swap3A_21 = vector.shape_cast %broadcast_in_dim3A_15 : vector<16xf32> to vector<1x16xf32>
    tpu.vector_store %arg14[%swap3A_17, %swap3A_18], %swap3A_21 {strides = array<i32>} : memref<8x128xf32, #tpu.memory_space<vmem>>, vector<1x16xf32>,
    %broadcast_in_dim3A_22 = arith.constant 0.000000e+00 : f32
    %broadcast_in_dim3A_23 = vector.broadcast %broadcast_in_dim3A_22 : f32 to vector<16xf32>
    %swap3A_24 = arith.constant 0 : i32
    %swap3A_25 = arith.index_cast %swap3A_24 : i32 to index
    %swap3A_26 = arith.constant 48 : index
    %swap3A_27 = tpu.vector_load %arg14[%swap3A_25, %swap3A_26] {strides = array<i32>} : memref<8x128xf32, #tpu.memory_space<vmem>>, vector<1x16xf32>,
    %swap3A_28 = vector.shape_cast %swap3A_27 : vector<1x16xf32> to vector<16xf32>
    %swap3A_29 = vector.shape_cast %broadcast_in_dim3A_23 : vector<16xf32> to vector<1x16xf32>
    tpu.vector_store %arg14[%swap3A_25, %swap3A_26], %swap3A_29 {strides = array<i32>} : memref<8x128xf32, #tpu.memory_space<vmem>>, vector<1x16xf32>,
    %broadcast_in_dim3A_30 = arith.constant 0.000000e+00 : f32
    %broadcast_in_dim3A_31 = vector.broadcast %broadcast_in_dim3A_30 : f32 to vector<16xf32>
    %swap3A_32 = arith.constant 0 : i32
    %swap3A_33 = arith.index_cast %swap3A_32 : i32 to index
    %swap3A_34 = arith.constant 64 : index
    %swap3A_35 = tpu.vector_load %arg14[%swap3A_33, %swap3A_34] {strides = array<i32>} : memref<8x128xf32, #tpu.memory_space<vmem>>, vector<1x16xf32>,
    %swap3A_36 = vector.shape_cast %swap3A_35 : vector<1x16xf32> to vector<16xf32>
    %swap3A_37 = vector.shape_cast %broadcast_in_dim3A_31 : vector<16xf32> to vector<1x16xf32>
    tpu.vector_store %arg14[%swap3A_33, %swap3A_34], %swap3A_37 {strides = array<i32>} : memref<8x128xf32, #tpu.memory_space<vmem>>, vector<1x16xf32>,
    %broadcast_in_dim3A_38 = arith.constant 0.000000e+00 : f32
    %broadcast_in_dim3A_39 = vector.broadcast %broadcast_in_dim3A_38 : f32 to vector<16xf32>
    %swap3A_40 = arith.constant 0 : i32
    %swap3A_41 = arith.index_cast %swap3A_40 : i32 to index
    %swap3A_42 = arith.constant 80 : index
    %swap3A_43 = tpu.vector_load %arg14[%swap3A_41, %swap3A_42] {strides = array<i32>} : memref<8x128xf32, #tpu.memory_space<vmem>>, vector<1x16xf32>,
    %swap3A_44 = vector.shape_cast %swap3A_43 : vector<1x16xf32> to vector<16xf32>
    %swap3A_45 = vector.shape_cast %broadcast_in_dim3A_39 : vector<16xf32> to vector<1x16xf32>
    tpu.vector_store %arg14[%swap3A_41, %swap3A_42], %swap3A_45 {strides = array<i32>} : memref<8x128xf32, #tpu.memory_space<vmem>>, vector<1x16xf32>,
    %broadcast_in_dim3A_46 = arith.constant 0.000000e+00 : f32
    %broadcast_in_dim3A_47 = vector.broadcast %broadcast_in_dim3A_46 : f32 to vector<16xf32>
    %swap3A_48 = arith.constant 0 : i32
    %swap3A_49 = arith.index_cast %swap3A_48 : i32 to index
    %swap3A_50 = arith.constant 96 : index
    %swap3A_51 = tpu.vector_load %arg14[%swap3A_49, %swap3A_50] {strides = array<i32>} : memref<8x128xf32, #tpu.memory_space<vmem>>, vector<1x16xf32>,
    %swap3A_52 = vector.shape_cast %swap3A_51 : vector<1x16xf32> to vector<16xf32>
    %swap3A_53 = vector.shape_cast %broadcast_in_dim3A_47 : vector<16xf32> to vector<1x16xf32>
    tpu.vector_store %arg14[%swap3A_49, %swap3A_50], %swap3A_53 {strides = array<i32>} : memref<8x128xf32, #tpu.memory_space<vmem>>, vector<1x16xf32>,
    %broadcast_in_dim3A_54 = arith.constant 0.000000e+00 : f32
    %broadcast_in_dim3A_55 = vector.broadcast %broadcast_in_dim3A_54 : f32 to vector<16xf32>
    %swap3A_56 = arith.constant 0 : i32
    %swap3A_57 = arith.index_cast %swap3A_56 : i32 to index
    %swap3A_58 = arith.constant 112 : index
    %swap3A_59 = tpu.vector_load %arg14[%swap3A_57, %swap3A_58] {strides = array<i32>} : memref<8x128xf32, #tpu.memory_space<vmem>>, vector<1x16xf32>,
    %swap3A_60 = vector.shape_cast %swap3A_59 : vector<1x16xf32> to vector<16xf32>
    %swap3A_61 = vector.shape_cast %broadcast_in_dim3A_55 : vector<16xf32> to vector<1x16xf32>
    tpu.vector_store %arg14[%swap3A_57, %swap3A_58], %swap3A_61 {strides = array<i32>} : memref<8x128xf32, #tpu.memory_space<vmem>>, vector<1x16xf32>,
    %broadcast_in_dim3A_62 = arith.constant 0.000000e+00 : f32
    %broadcast_in_dim3A_63 = vector.broadcast %broadcast_in_dim3A_62 : f32 to vector<16xf32>
    %swap3A_64 = arith.constant 0 : i32
    %swap3A_65 = arith.index_cast %swap3A_64 : i32 to index
    %swap3A_66 = arith.constant 0 : index
    %swap3A_67 = tpu.vector_load %arg15[%swap3A_65, %swap3A_66] {strides = array<i32>} : memref<8x128xf32, #tpu.memory_space<vmem>>, vector<1x16xf32>,
    %swap3A_68 = vector.shape_cast %swap3A_67 : vector<1x16xf32> to vector<16xf32>
    %swap3A_69 = vector.shape_cast %broadcast_in_dim3A_63 : vector<16xf32> to vector<1x16xf32>
    tpu.vector_store %arg15[%swap3A_65, %swap3A_66], %swap3A_69 {strides = array<i32>} : memref<8x128xf32, #tpu.memory_space<vmem>>, vector<1x16xf32>,
    %broadcast_in_dim3A_70 = arith.constant 0.000000e+00 : f32
    %broadcast_in_dim3A_71 = vector.broadcast %broadcast_in_dim3A_70 : f32 to vector<16xf32>
    %swap3A_72 = arith.constant 0 : i32
    %swap3A_73 = arith.index_cast %swap3A_72 : i32 to index
    %swap3A_74 = arith.constant 16 : index
    %swap3A_75 = tpu.vector_load %arg15[%swap3A_73, %swap3A_74] {strides = array<i32>} : memref<8x128xf32, #tpu.memory_space<vmem>>, vector<1x16xf32>,
    %swap3A_76 = vector.shape_cast %swap3A_75 : vector<1x16xf32> to vector<16xf32>
    %swap3A_77 = vector.shape_cast %broadcast_in_dim3A_71 : vector<16xf32> to vector<1x16xf32>
    tpu.vector_store %arg15[%swap3A_73, %swap3A_74], %swap3A_77 {strides = array<i32>} : memref<8x128xf32, #tpu.memory_space<vmem>>, vector<1x16xf32>,
    %broadcast_in_dim3A_78 = arith.constant 0.000000e+00 : f32
    %broadcast_in_dim3A_79 = vector.broadcast %broadcast_in_dim3A_78 : f32 to vector<16xf32>
    %swap3A_80 = arith.constant 0 : i32
    %swap3A_81 = arith.index_cast %swap3A_80 : i32 to index
    %swap3A_82 = arith.constant 32 : index
    %swap3A_83 = tpu.vector_load %arg15[%swap3A_81, %swap3A_82] {strides = array<i32>} : memref<8x128xf32, #tpu.memory_space<vmem>>, vector<1x16xf32>,
    %swap3A_84 = vector.shape_cast %swap3A_83 : vector<1x16xf32> to vector<16xf32>
    %swap3A_85 = vector.shape_cast %broadcast_in_dim3A_79 : vector<16xf32> to vector<1x16xf32>
    tpu.vector_store %arg15[%swap3A_81, %swap3A_82], %swap3A_85 {strides = array<i32>} : memref<8x128xf32, #tpu.memory_space<vmem>>, vector<1x16xf32>,
    %broadcast_in_dim3A_86 = arith.constant 0.000000e+00 : f32
    %broadcast_in_dim3A_87 = vector.broadcast %broadcast_in_dim3A_86 : f32 to vector<16xf32>
    %swap3A_88 = arith.constant 0 : i32
    %swap3A_89 = arith.index_cast %swap3A_88 : i32 to index
    %swap3A_90 = arith.constant 48 : index
    %swap3A_91 = tpu.vector_load %arg15[%swap3A_89, %swap3A_90] {strides = array<i32>} : memref<8x128xf32, #tpu.memory_space<vmem>>, vector<1x16xf32>,
    %swap3A_92 = vector.shape_cast %swap3A_91 : vector<1x16xf32> to vector<16xf32>
    %swap3A_93 = vector.shape_cast %broadcast_in_dim3A_87 : vector<16xf32> to vector<1x16xf32>
    tpu.vector_store %arg15[%swap3A_89, %swap3A_90], %swap3A_93 {strides = array<i32>} : memref<8x128xf32, #tpu.memory_space<vmem>>, vector<1x16xf32>,
    %broadcast_in_dim3A_94 = arith.constant 0.000000e+00 : f32
    %broadcast_in_dim3A_95 = vector.broadcast %broadcast_in_dim3A_94 : f32 to vector<16xf32>
    %swap3A_96 = arith.constant 0 : i32
    %swap3A_97 = arith.index_cast %swap3A_96 : i32 to index
    %swap3A_98 = arith.constant 64 : index
    %swap3A_99 = tpu.vector_load %arg15[%swap3A_97, %swap3A_98] {strides = array<i32>} : memref<8x128xf32, #tpu.memory_space<vmem>>, vector<1x16xf32>,
    %swap3A_100 = vector.shape_cast %swap3A_99 : vector<1x16xf32> to vector<16xf32>
    %swap3A_101 = vector.shape_cast %broadcast_in_dim3A_95 : vector<16xf32> to vector<1x16xf32>
    tpu.vector_store %arg15[%swap3A_97, %swap3A_98], %swap3A_101 {strides = array<i32>} : memref<8x128xf32, #tpu.memory_space<vmem>>, vector<1x16xf32>,
    %broadcast_in_dim3A_102 = arith.constant 0.000000e+00 : f32
    %broadcast_in_dim3A_103 = vector.broadcast %broadcast_in_dim3A_102 : f32 to vector<16xf32>
    %swap3A_104 = arith.constant 0 : i32
    %swap3A_105 = arith.index_cast %swap3A_104 : i32 to index
    %swap3A_106 = arith.constant 80 : index
    %swap3A_107 = tpu.vector_load %arg15[%swap3A_105, %swap3A_106] {strides = array<i32>} : memref<8x128xf32, #tpu.memory_space<vmem>>, vector<1x16xf32>,
    %swap3A_108 = vector.shape_cast %swap3A_107 : vector<1x16xf32> to vector<16xf32>
    %swap3A_109 = vector.shape_cast %broadcast_in_dim3A_103 : vector<16xf32> to vector<1x16xf32>
    tpu.vector_store %arg15[%swap3A_105, %swap3A_106], %swap3A_109 {strides = array<i32>} : memref<8x128xf32, #tpu.memory_space<vmem>>, vector<1x16xf32>,
    %broadcast_in_dim3A_110 = arith.constant 0.000000e+00 : f32
    %broadcast_in_dim3A_111 = vector.broadcast %broadcast_in_dim3A_110 : f32 to vector<16xf32>
    %swap3A_112 = arith.constant 0 : i32
    %swap3A_113 = arith.index_cast %swap3A_112 : i32 to index
    %swap3A_114 = arith.constant 96 : index
    %swap3A_115 = tpu.vector_load %arg15[%swap3A_113, %swap3A_114] {strides = array<i32>} : memref<8x128xf32, #tpu.memory_space<vmem>>, vector<1x16xf32>,
    %swap3A_116 = vector.shape_cast %swap3A_115 : vector<1x16xf32> to vector<16xf32>
    %swap3A_117 = vector.shape_cast %broadcast_in_dim3A_111 : vector<16xf32> to vector<1x16xf32>
    tpu.vector_store %arg15[%swap3A_113, %swap3A_114], %swap3A_117 {strides = array<i32>} : memref<8x128xf32, #tpu.memory_space<vmem>>, vector<1x16xf32>,
    %broadcast_in_dim3A_118 = arith.constant 0.000000e+00 : f32
    %broadcast_in_dim3A_119 = vector.broadcast %broadcast_in_dim3A_118 : f32 to vector<16xf32>
    %swap3A_120 = arith.constant 0 : i32
    %swap3A_121 = arith.index_cast %swap3A_120 : i32 to index
    %swap3A_122 = arith.constant 112 : index
    %swap3A_123 = tpu.vector_load %arg15[%swap3A_121, %swap3A_122] {strides = array<i32>} : memref<8x128xf32, #tpu.memory_space<vmem>>, vector<1x16xf32>,
    %swap3A_124 = vector.shape_cast %swap3A_123 : vector<1x16xf32> to vector<16xf32>
    %swap3A_125 = vector.shape_cast %broadcast_in_dim3A_119 : vector<16xf32> to vector<1x16xf32>
    tpu.vector_store %arg15[%swap3A_121, %swap3A_122], %swap3A_125 {strides = array<i32>} : memref<8x128xf32, #tpu.memory_space<vmem>>, vector<1x16xf32>,
    %broadcast_in_dim3A_126 = arith.constant 0.000000e+00 : f32
    %broadcast_in_dim3A_127 = vector.broadcast %broadcast_in_dim3A_126 : f32 to vector<16xf32>
    %swap3A_128 = arith.constant 1 : i32
    %swap3A_129 = arith.index_cast %swap3A_128 : i32 to index
    %swap3A_130 = arith.constant 0 : index
    %swap3A_131 = tpu.vector_load %arg14[%swap3A_129, %swap3A_130] {strides = array<i32>} : memref<8x128xf32, #tpu.memory_space<vmem>>, vector<1x16xf32>,
    %swap3A_132 = vector.shape_cast %swap3A_131 : vector<1x16xf32> to vector<16xf32>
    %swap3A_133 = vector.shape_cast %broadcast_in_dim3A_127 : vector<16xf32> to vector<1x16xf32>
    tpu.vector_store %arg14[%swap3A_129, %swap3A_130], %swap3A_133 {strides = array<i32>} : memref<8x128xf32, #tpu.memory_space<vmem>>, vector<1x16xf32>,
    %broadcast_in_dim3A_134 = arith.constant 0.000000e+00 : f32
    %broadcast_in_dim3A_135 = vector.broadcast %broadcast_in_dim3A_134 : f32 to vector<16xf32>
    %swap3A_136 = arith.constant 1 : i32
    %swap3A_137 = arith.index_cast %swap3A_136 : i32 to index
    %swap3A_138 = arith.constant 16 : index
    %swap3A_139 = tpu.vector_load %arg14[%swap3A_137, %swap3A_138] {strides = array<i32>} : memref<8x128xf32, #tpu.memory_space<vmem>>, vector<1x16xf32>,
    %swap3A_140 = vector.shape_cast %swap3A_139 : vector<1x16xf32> to vector<16xf32>
    %swap3A_141 = vector.shape_cast %broadcast_in_dim3A_135 : vector<16xf32> to vector<1x16xf32>
    tpu.vector_store %arg14[%swap3A_137, %swap3A_138], %swap3A_141 {strides = array<i32>} : memref<8x128xf32, #tpu.memory_space<vmem>>, vector<1x16xf32>,
    %broadcast_in_dim3A_142 = arith.constant 0.000000e+00 : f32
    %broadcast_in_dim3A_143 = vector.broadcast %broadcast_in_dim3A_142 : f32 to vector<16xf32>
    %swap3A_144 = arith.constant 1 : i32
    %swap3A_145 = arith.index_cast %swap3A_144 : i32 to index
    %swap3A_146 = arith.constant 32 : index
    %swap3A_147 = tpu.vector_load %arg14[%swap3A_145, %swap3A_146] {strides = array<i32>} : memref<8x128xf32, #tpu.memory_space<vmem>>, vector<1x16xf32>,
    %swap3A_148 = vector.shape_cast %swap3A_147 : vector<1x16xf32> to vector<16xf32>
    %swap3A_149 = vector.shape_cast %broadcast_in_dim3A_143 : vector<16xf32> to vector<1x16xf32>
    tpu.vector_store %arg14[%swap3A_145, %swap3A_146], %swap3A_149 {strides = array<i32>} : memref<8x128xf32, #tpu.memory_space<vmem>>, vector<1x16xf32>,
    %broadcast_in_dim3A_150 = arith.constant 0.000000e+00 : f32
    %broadcast_in_dim3A_151 = vector.broadcast %broadcast_in_dim3A_150 : f32 to vector<16xf32>
    %swap3A_152 = arith.constant 1 : i32
    %swap3A_153 = arith.index_cast %swap3A_152 : i32 to index
    %swap3A_154 = arith.constant 48 : index
    %swap3A_155 = tpu.vector_load %arg14[%swap3A_153, %swap3A_154] {strides = array<i32>} : memref<8x128xf32, #tpu.memory_space<vmem>>, vector<1x16xf32>,
    %swap3A_156 = vector.shape_cast %swap3A_155 : vector<1x16xf32> to vector<16xf32>
    %swap3A_157 = vector.shape_cast %broadcast_in_dim3A_151 : vector<16xf32> to vector<1x16xf32>
    tpu.vector_store %arg14[%swap3A_153, %swap3A_154], %swap3A_157 {strides = array<i32>} : memref<8x128xf32, #tpu.memory_space<vmem>>, vector<1x16xf32>,
    %broadcast_in_dim3A_158 = arith.constant 0.000000e+00 : f32
    %broadcast_in_dim3A_159 = vector.broadcast %broadcast_in_dim3A_158 : f32 to vector<16xf32>
    %swap3A_160 = arith.constant 1 : i32
    %swap3A_161 = arith.index_cast %swap3A_160 : i32 to index
    %swap3A_162 = arith.constant 64 : index
    %swap3A_163 = tpu.vector_load %arg14[%swap3A_161, %swap3A_162] {strides = array<i32>} : memref<8x128xf32, #tpu.memory_space<vmem>>, vector<1x16xf32>,
    %swap3A_164 = vector.shape_cast %swap3A_163 : vector<1x16xf32> to vector<16xf32>
    %swap3A_165 = vector.shape_cast %broadcast_in_dim3A_159 : vector<16xf32> to vector<1x16xf32>
    tpu.vector_store %arg14[%swap3A_161, %swap3A_162], %swap3A_165 {strides = array<i32>} : memref<8x128xf32, #tpu.memory_space<vmem>>, vector<1x16xf32>,
    %broadcast_in_dim3A_166 = arith.constant 0.000000e+00 : f32
    %broadcast_in_dim3A_167 = vector.broadcast %broadcast_in_dim3A_166 : f32 to vector<16xf32>
    %swap3A_168 = arith.constant 1 : i32
    %swap3A_169 = arith.index_cast %swap3A_168 : i32 to index
    %swap3A_170 = arith.constant 80 : index
    %swap3A_171 = tpu.vector_load %arg14[%swap3A_169, %swap3A_170] {strides = array<i32>} : memref<8x128xf32, #tpu.memory_space<vmem>>, vector<1x16xf32>,
    %swap3A_172 = vector.shape_cast %swap3A_171 : vector<1x16xf32> to vector<16xf32>
    %swap3A_173 = vector.shape_cast %broadcast_in_dim3A_167 : vector<16xf32> to vector<1x16xf32>
    tpu.vector_store %arg14[%swap3A_169, %swap3A_170], %swap3A_173 {strides = array<i32>} : memref<8x128xf32, #tpu.memory_space<vmem>>, vector<1x16xf32>,
    %broadcast_in_dim3A_174 = arith.constant 0.000000e+00 : f32
    %broadcast_in_dim3A_175 = vector.broadcast %broadcast_in_dim3A_174 : f32 to vector<16xf32>
    %swap3A_176 = arith.constant 1 : i32
    %swap3A_177 = arith.index_cast %swap3A_176 : i32 to index
    %swap3A_178 = arith.constant 96 : index
    %swap3A_179 = tpu.vector_load %arg14[%swap3A_177, %swap3A_178] {strides = array<i32>} : memref<8x128xf32, #tpu.memory_space<vmem>>, vector<1x16xf32>,
    %swap3A_180 = vector.shape_cast %swap3A_179 : vector<1x16xf32> to vector<16xf32>
    %swap3A_181 = vector.shape_cast %broadcast_in_dim3A_175 : vector<16xf32> to vector<1x16xf32>
    tpu.vector_store %arg14[%swap3A_177, %swap3A_178], %swap3A_181 {strides = array<i32>} : memref<8x128xf32, #tpu.memory_space<vmem>>, vector<1x16xf32>,
    %broadcast_in_dim3A_182 = arith.constant 0.000000e+00 : f32
    %broadcast_in_dim3A_183 = vector.broadcast %broadcast_in_dim3A_182 : f32 to vector<16xf32>
    %swap3A_184 = arith.constant 1 : i32
    %swap3A_185 = arith.index_cast %swap3A_184 : i32 to index
    %swap3A_186 = arith.constant 112 : index
    %swap3A_187 = tpu.vector_load %arg14[%swap3A_185, %swap3A_186] {strides = array<i32>} : memref<8x128xf32, #tpu.memory_space<vmem>>, vector<1x16xf32>,
    %swap3A_188 = vector.shape_cast %swap3A_187 : vector<1x16xf32> to vector<16xf32>
    %swap3A_189 = vector.shape_cast %broadcast_in_dim3A_183 : vector<16xf32> to vector<1x16xf32>
    tpu.vector_store %arg14[%swap3A_185, %swap3A_186], %swap3A_189 {strides = array<i32>} : memref<8x128xf32, #tpu.memory_space<vmem>>, vector<1x16xf32>,
    %broadcast_in_dim3A_190 = arith.constant 0.000000e+00 : f32
    %broadcast_in_dim3A_191 = vector.broadcast %broadcast_in_dim3A_190 : f32 to vector<16xf32>
    %swap3A_192 = arith.constant 1 : i32
    %swap3A_193 = arith.index_cast %swap3A_192 : i32 to index
    %swap3A_194 = arith.constant 0 : index
    %swap3A_195 = tpu.vector_load %arg15[%swap3A_193, %swap3A_194] {strides = array<i32>} : memref<8x128xf32, #tpu.memory_space<vmem>>, vector<1x16xf32>,
    %swap3A_196 = vector.shape_cast %swap3A_195 : vector<1x16xf32> to vector<16xf32>
    %swap3A_197 = vector.shape_cast %broadcast_in_dim3A_191 : vector<16xf32> to vector<1x16xf32>
    tpu.vector_store %arg15[%swap3A_193, %swap3A_194], %swap3A_197 {strides = array<i32>} : memref<8x128xf32, #tpu.memory_space<vmem>>, vector<1x16xf32>,
    %broadcast_in_dim3A_198 = arith.constant 0.000000e+00 : f32
    %broadcast_in_dim3A_199 = vector.broadcast %broadcast_in_dim3A_198 : f32 to vector<16xf32>
    %swap3A_200 = arith.constant 1 : i32
    %swap3A_201 = arith.index_cast %swap3A_200 : i32 to index
    %swap3A_202 = arith.constant 16 : index
    %swap3A_203 = tpu.vector_load %arg15[%swap3A_201, %swap3A_202] {strides = array<i32>} : memref<8x128xf32, #tpu.memory_space<vmem>>, vector<1x16xf32>,
    %swap3A_204 = vector.shape_cast %swap3A_203 : vector<1x16xf32> to vector<16xf32>
    %swap3A_205 = vector.shape_cast %broadcast_in_dim3A_199 : vector<16xf32> to vector<1x16xf32>
    tpu.vector_store %arg15[%swap3A_201, %swap3A_202], %swap3A_205 {strides = array<i32>} : memref<8x128xf32, #tpu.memory_space<vmem>>, vector<1x16xf32>,
    %broadcast_in_dim3A_206 = arith.constant 0.000000e+00 : f32
    %broadcast_in_dim3A_207 = vector.broadcast %broadcast_in_dim3A_206 : f32 to vector<16xf32>
    %swap3A_208 = arith.constant 1 : i32
    %swap3A_209 = arith.index_cast %swap3A_208 : i32 to index
    %swap3A_210 = arith.constant 32 : index
    %swap3A_211 = tpu.vector_load %arg15[%swap3A_209, %swap3A_210] {strides = array<i32>} : memref<8x128xf32, #tpu.memory_space<vmem>>, vector<1x16xf32>,
    %swap3A_212 = vector.shape_cast %swap3A_211 : vector<1x16xf32> to vector<16xf32>
    %swap3A_213 = vector.shape_cast %broadcast_in_dim3A_207 : vector<16xf32> to vector<1x16xf32>
    tpu.vector_store %arg15[%swap3A_209, %swap3A_210], %swap3A_213 {strides = array<i32>} : memref<8x128xf32, #tpu.memory_space<vmem>>, vector<1x16xf32>,
    %broadcast_in_dim3A_214 = arith.constant 0.000000e+00 : f32
    %broadcast_in_dim3A_215 = vector.broadcast %broadcast_in_dim3A_214 : f32 to vector<16xf32>
    %swap3A_216 = arith.constant 1 : i32
    %swap3A_217 = arith.index_cast %swap3A_216 : i32 to index
    %swap3A_218 = arith.constant 48 : index
    %swap3A_219 = tpu.vector_load %arg15[%swap3A_217, %swap3A_218] {strides = array<i32>} : memref<8x128xf32, #tpu.memory_space<vmem>>, vector<1x16xf32>,
    %swap3A_220 = vector.shape_cast %swap3A_219 : vector<1x16xf32> to vector<16xf32>
    %swap3A_221 = vector.shape_cast %broadcast_in_dim3A_215 : vector<16xf32> to vector<1x16xf32>
    tpu.vector_store %arg15[%swap3A_217, %swap3A_218], %swap3A_221 {strides = array<i32>} : memref<8x128xf32, #tpu.memory_space<vmem>>, vector<1x16xf32>,
    %broadcast_in_dim3A_222 = arith.constant 0.000000e+00 : f32
    %broadcast_in_dim3A_223 = vector.broadcast %broadcast_in_dim3A_222 : f32 to vector<16xf32>
    %swap3A_224 = arith.constant 1 : i32
    %swap3A_225 = arith.index_cast %swap3A_224 : i32 to index
    %swap3A_226 = arith.constant 64 : index
    %swap3A_227 = tpu.vector_load %arg15[%swap3A_225, %swap3A_226] {strides = array<i32>} : memref<8x128xf32, #tpu.memory_space<vmem>>, vector<1x16xf32>,
    %swap3A_228 = vector.shape_cast %swap3A_227 : vector<1x16xf32> to vector<16xf32>
    %swap3A_229 = vector.shape_cast %broadcast_in_dim3A_223 : vector<16xf32> to vector<1x16xf32>
    tpu.vector_store %arg15[%swap3A_225, %swap3A_226], %swap3A_229 {strides = array<i32>} : memref<8x128xf32, #tpu.memory_space<vmem>>, vector<1x16xf32>,
    %broadcast_in_dim3A_230 = arith.constant 0.000000e+00 : f32
    %broadcast_in_dim3A_231 = vector.broadcast %broadcast_in_dim3A_230 : f32 to vector<16xf32>
    %swap3A_232 = arith.constant 1 : i32
    %swap3A_233 = arith.index_cast %swap3A_232 : i32 to index
    %swap3A_234 = arith.constant 80 : index
    %swap3A_235 = tpu.vector_load %arg15[%swap3A_233, %swap3A_234] {strides = array<i32>} : memref<8x128xf32, #tpu.memory_space<vmem>>, vector<1x16xf32>,
    %swap3A_236 = vector.shape_cast %swap3A_235 : vector<1x16xf32> to vector<16xf32>
    %swap3A_237 = vector.shape_cast %broadcast_in_dim3A_231 : vector<16xf32> to vector<1x16xf32>
    tpu.vector_store %arg15[%swap3A_233, %swap3A_234], %swap3A_237 {strides = array<i32>} : memref<8x128xf32, #tpu.memory_space<vmem>>, vector<1x16xf32>,
    %broadcast_in_dim3A_238 = arith.constant 0.000000e+00 : f32
    %broadcast_in_dim3A_239 = vector.broadcast %broadcast_in_dim3A_238 : f32 to vector<16xf32>
    %swap3A_240 = arith.constant 1 : i32
    %swap3A_241 = arith.index_cast %swap3A_240 : i32 to index
    %swap3A_242 = arith.constant 96 : index
    %swap3A_243 = tpu.vector_load %arg15[%swap3A_241, %swap3A_242] {strides = array<i32>} : memref<8x128xf32, #tpu.memory_space<vmem>>, vector<1x16xf32>,
    %swap3A_244 = vector.shape_cast %swap3A_243 : vector<1x16xf32> to vector<16xf32>
    %swap3A_245 = vector.shape_cast %broadcast_in_dim3A_239 : vector<16xf32> to vector<1x16xf32>
    tpu.vector_store %arg15[%swap3A_241, %swap3A_242], %swap3A_245 {strides = array<i32>} : memref<8x128xf32, #tpu.memory_space<vmem>>, vector<1x16xf32>,
    %broadcast_in_dim3A_246 = arith.constant 0.000000e+00 : f32
    %broadcast_in_dim3A_247 = vector.broadcast %broadcast_in_dim3A_246 : f32 to vector<16xf32>
    %swap3A_248 = arith.constant 1 : i32
    %swap3A_249 = arith.index_cast %swap3A_248 : i32 to index
    %swap3A_250 = arith.constant 112 : index
    %swap3A_251 = tpu.vector_load %arg15[%swap3A_249, %swap3A_250] {strides = array<i32>} : memref<8x128xf32, #tpu.memory_space<vmem>>, vector<1x16xf32>,
    %swap3A_252 = vector.shape_cast %swap3A_251 : vector<1x16xf32> to vector<16xf32>
    %swap3A_253 = vector.shape_cast %broadcast_in_dim3A_247 : vector<16xf32> to vector<1x16xf32>
    tpu.vector_store %arg15[%swap3A_249, %swap3A_250], %swap3A_253 {strides = array<i32>} : memref<8x128xf32, #tpu.memory_space<vmem>>, vector<1x16xf32>,
    %broadcast_in_dim3A_254 = arith.constant 0.000000e+00 : f32
    %broadcast_in_dim3A_255 = vector.broadcast %broadcast_in_dim3A_254 : f32 to vector<16xf32>
    %swap3A_256 = arith.constant 2 : i32
    %swap3A_257 = arith.index_cast %swap3A_256 : i32 to index
    %swap3A_258 = arith.constant 0 : index
    %swap3A_259 = tpu.vector_load %arg14[%swap3A_257, %swap3A_258] {strides = array<i32>} : memref<8x128xf32, #tpu.memory_space<vmem>>, vector<1x16xf32>,
    %swap3A_260 = vector.shape_cast %swap3A_259 : vector<1x16xf32> to vector<16xf32>
    %swap3A_261 = vector.shape_cast %broadcast_in_dim3A_255 : vector<16xf32> to vector<1x16xf32>
    tpu.vector_store %arg14[%swap3A_257, %swap3A_258], %swap3A_261 {strides = array<i32>} : memref<8x128xf32, #tpu.memory_space<vmem>>, vector<1x16xf32>,
    %broadcast_in_dim3A_262 = arith.constant 0.000000e+00 : f32
    %broadcast_in_dim3A_263 = vector.broadcast %broadcast_in_dim3A_262 : f32 to vector<16xf32>
    %swap3A_264 = arith.constant 2 : i32
    %swap3A_265 = arith.index_cast %swap3A_264 : i32 to index
    %swap3A_266 = arith.constant 16 : index
    %swap3A_267 = tpu.vector_load %arg14[%swap3A_265, %swap3A_266] {strides = array<i32>} : memref<8x128xf32, #tpu.memory_space<vmem>>, vector<1x16xf32>,
    %swap3A_268 = vector.shape_cast %swap3A_267 : vector<1x16xf32> to vector<16xf32>
    %swap3A_269 = vector.shape_cast %broadcast_in_dim3A_263 : vector<16xf32> to vector<1x16xf32>
    tpu.vector_store %arg14[%swap3A_265, %swap3A_266], %swap3A_269 {strides = array<i32>} : memref<8x128xf32, #tpu.memory_space<vmem>>, vector<1x16xf32>,
    %broadcast_in_dim3A_270 = arith.constant 0.000000e+00 : f32
    %broadcast_in_dim3A_271 = vector.broadcast %broadcast_in_dim3A_270 : f32 to vector<16xf32>
    %swap3A_272 = arith.constant 2 : i32
    %swap3A_273 = arith.index_cast %swap3A_272 : i32 to index
    %swap3A_274 = arith.constant 32 : index
    %swap3A_275 = tpu.vector_load %arg14[%swap3A_273, %swap3A_274] {strides = array<i32>} : memref<8x128xf32, #tpu.memory_space<vmem>>, vector<1x16xf32>,
    %swap3A_276 = vector.shape_cast %swap3A_275 : vector<1x16xf32> to vector<16xf32>
    %swap3A_277 = vector.shape_cast %broadcast_in_dim3A_271 : vector<16xf32> to vector<1x16xf32>
    tpu.vector_store %arg14[%swap3A_273, %swap3A_274], %swap3A_277 {strides = array<i32>} : memref<8x128xf32, #tpu.memory_space<vmem>>, vector<1x16xf32>,
    %broadcast_in_dim3A_278 = arith.constant 0.000000e+00 : f32
    %broadcast_in_dim3A_279 = vector.broadcast %broadcast_in_dim3A_278 : f32 to vector<16xf32>
    %swap3A_280 = arith.constant 2 : i32
    %swap3A_281 = arith.index_cast %swap3A_280 : i32 to index
    %swap3A_282 = arith.constant 48 : index
    %swap3A_283 = tpu.vector_load %arg14[%swap3A_281, %swap3A_282] {strides = array<i32>} : memref<8x128xf32, #tpu.memory_space<vmem>>, vector<1x16xf32>,
    %swap3A_284 = vector.shape_cast %swap3A_283 : vector<1x16xf32> to vector<16xf32>
    %swap3A_285 = vector.shape_cast %broadcast_in_dim3A_279 : vector<16xf32> to vector<1x16xf32>
    tpu.vector_store %arg14[%swap3A_281, %swap3A_282], %swap3A_285 {strides = array<i32>} : memref<8x128xf32, #tpu.memory_space<vmem>>, vector<1x16xf32>,
    %broadcast_in_dim3A_286 = arith.constant 0.000000e+00 : f32
    %broadcast_in_dim3A_287 = vector.broadcast %broadcast_in_dim3A_286 : f32 to vector<16xf32>
    %swap3A_288 = arith.constant 2 : i32
    %swap3A_289 = arith.index_cast %swap3A_288 : i32 to index
    %swap3A_290 = arith.constant 64 : index
    %swap3A_291 = tpu.vector_load %arg14[%swap3A_289, %swap3A_290] {strides = array<i32>} : memref<8x128xf32, #tpu.memory_space<vmem>>, vector<1x16xf32>,
    %swap3A_292 = vector.shape_cast %swap3A_291 : vector<1x16xf32> to vector<16xf32>
    %swap3A_293 = vector.shape_cast %broadcast_in_dim3A_287 : vector<16xf32> to vector<1x16xf32>
    tpu.vector_store %arg14[%swap3A_289, %swap3A_290], %swap3A_293 {strides = array<i32>} : memref<8x128xf32, #tpu.memory_space<vmem>>, vector<1x16xf32>,
    %broadcast_in_dim3A_294 = arith.constant 0.000000e+00 : f32
    %broadcast_in_dim3A_295 = vector.broadcast %broadcast_in_dim3A_294 : f32 to vector<16xf32>
    %swap3A_296 = arith.constant 2 : i32
    %swap3A_297 = arith.index_cast %swap3A_296 : i32 to index
    %swap3A_298 = arith.constant 80 : index
    %swap3A_299 = tpu.vector_load %arg14[%swap3A_297, %swap3A_298] {strides = array<i32>} : memref<8x128xf32, #tpu.memory_space<vmem>>, vector<1x16xf32>,
    %swap3A_300 = vector.shape_cast %swap3A_299 : vector<1x16xf32> to vector<16xf32>
    %swap3A_301 = vector.shape_cast %broadcast_in_dim3A_295 : vector<16xf32> to vector<1x16xf32>
    tpu.vector_store %arg14[%swap3A_297, %swap3A_298], %swap3A_301 {strides = array<i32>} : memref<8x128xf32, #tpu.memory_space<vmem>>, vector<1x16xf32>,
    %broadcast_in_dim3A_302 = arith.constant 0.000000e+00 : f32
    %broadcast_in_dim3A_303 = vector.broadcast %broadcast_in_dim3A_302 : f32 to vector<16xf32>
    %swap3A_304 = arith.constant 2 : i32
    %swap3A_305 = arith.index_cast %swap3A_304 : i32 to index
    %swap3A_306 = arith.constant 96 : index
    %swap3A_307 = tpu.vector_load %arg14[%swap3A_305, %swap3A_306] {strides = array<i32>} : memref<8x128xf32, #tpu.memory_space<vmem>>, vector<1x16xf32>,
    %swap3A_308 = vector.shape_cast %swap3A_307 : vector<1x16xf32> to vector<16xf32>
    %swap3A_309 = vector.shape_cast %broadcast_in_dim3A_303 : vector<16xf32> to vector<1x16xf32>
    tpu.vector_store %arg14[%swap3A_305, %swap3A_306], %swap3A_309 {strides = array<i32>} : memref<8x128xf32, #tpu.memory_space<vmem>>, vector<1x16xf32>,
    %broadcast_in_dim3A_310 = arith.constant 0.000000e+00 : f32
    %broadcast_in_dim3A_311 = vector.broadcast %broadcast_in_dim3A_310 : f32 to vector<16xf32>
    %swap3A_312 = arith.constant 2 : i32
    %swap3A_313 = arith.index_cast %swap3A_312 : i32 to index
    %swap3A_314 = arith.constant 112 : index
    %swap3A_315 = tpu.vector_load %arg14[%swap3A_313, %swap3A_314] {strides = array<i32>} : memref<8x128xf32, #tpu.memory_space<vmem>>, vector<1x16xf32>,
    %swap3A_316 = vector.shape_cast %swap3A_315 : vector<1x16xf32> to vector<16xf32>
    %swap3A_317 = vector.shape_cast %broadcast_in_dim3A_311 : vector<16xf32> to vector<1x16xf32>
    tpu.vector_store %arg14[%swap3A_313, %swap3A_314], %swap3A_317 {strides = array<i32>} : memref<8x128xf32, #tpu.memory_space<vmem>>, vector<1x16xf32>,
    %broadcast_in_dim3A_318 = arith.constant 0.000000e+00 : f32
    %broadcast_in_dim3A_319 = vector.broadcast %broadcast_in_dim3A_318 : f32 to vector<16xf32>
    %swap3A_320 = arith.constant 2 : i32
    %swap3A_321 = arith.index_cast %swap3A_320 : i32 to index
    %swap3A_322 = arith.constant 0 : index
    %swap3A_323 = tpu.vector_load %arg15[%swap3A_321, %swap3A_322] {strides = array<i32>} : memref<8x128xf32, #tpu.memory_space<vmem>>, vector<1x16xf32>,
    %swap3A_324 = vector.shape_cast %swap3A_323 : vector<1x16xf32> to vector<16xf32>
    %swap3A_325 = vector.shape_cast %broadcast_in_dim3A_319 : vector<16xf32> to vector<1x16xf32>
    tpu.vector_store %arg15[%swap3A_321, %swap3A_322], %swap3A_325 {strides = array<i32>} : memref<8x128xf32, #tpu.memory_space<vmem>>, vector<1x16xf32>,
    %broadcast_in_dim3A_326 = arith.constant 0.000000e+00 : f32
    %broadcast_in_dim3A_327 = vector.broadcast %broadcast_in_dim3A_326 : f32 to vector<16xf32>
    %swap3A_328 = arith.constant 2 : i32
    %swap3A_329 = arith.index_cast %swap3A_328 : i32 to index
    %swap3A_330 = arith.constant 16 : index
    %swap3A_331 = tpu.vector_load %arg15[%swap3A_329, %swap3A_330] {strides = array<i32>} : memref<8x128xf32, #tpu.memory_space<vmem>>, vector<1x16xf32>,
    %swap3A_332 = vector.shape_cast %swap3A_331 : vector<1x16xf32> to vector<16xf32>
    %swap3A_333 = vector.shape_cast %broadcast_in_dim3A_327 : vector<16xf32> to vector<1x16xf32>
    tpu.vector_store %arg15[%swap3A_329, %swap3A_330], %swap3A_333 {strides = array<i32>} : memref<8x128xf32, #tpu.memory_space<vmem>>, vector<1x16xf32>,
    %broadcast_in_dim3A_334 = arith.constant 0.000000e+00 : f32
    %broadcast_in_dim3A_335 = vector.broadcast %broadcast_in_dim3A_334 : f32 to vector<16xf32>
    %swap3A_336 = arith.constant 2 : i32
    %swap3A_337 = arith.index_cast %swap3A_336 : i32 to index
    %swap3A_338 = arith.constant 32 : index
    %swap3A_339 = tpu.vector_load %arg15[%swap3A_337, %swap3A_338] {strides = array<i32>} : memref<8x128xf32, #tpu.memory_space<vmem>>, vector<1x16xf32>,
    %swap3A_340 = vector.shape_cast %swap3A_339 : vector<1x16xf32> to vector<16xf32>
    %swap3A_341 = vector.shape_cast %broadcast_in_dim3A_335 : vector<16xf32> to vector<1x16xf32>
    tpu.vector_store %arg15[%swap3A_337, %swap3A_338], %swap3A_341 {strides = array<i32>} : memref<8x128xf32, #tpu.memory_space<vmem>>, vector<1x16xf32>,
    %broadcast_in_dim3A_342 = arith.constant 0.000000e+00 : f32
    %broadcast_in_dim3A_343 = vector.broadcast %broadcast_in_dim3A_342 : f32 to vector<16xf32>
    %swap3A_344 = arith.constant 2 : i32
    %swap3A_345 = arith.index_cast %swap3A_344 : i32 to index
    %swap3A_346 = arith.constant 48 : index
    %swap3A_347 = tpu.vector_load %arg15[%swap3A_345, %swap3A_346] {strides = array<i32>} : memref<8x128xf32, #tpu.memory_space<vmem>>, vector<1x16xf32>,
    %swap3A_348 = vector.shape_cast %swap3A_347 : vector<1x16xf32> to vector<16xf32>
    %swap3A_349 = vector.shape_cast %broadcast_in_dim3A_343 : vector<16xf32> to vector<1x16xf32>
    tpu.vector_store %arg15[%swap3A_345, %swap3A_346], %swap3A_349 {strides = array<i32>} : memref<8x128xf32, #tpu.memory_space<vmem>>, vector<1x16xf32>,
    %broadcast_in_dim3A_350 = arith.constant 0.000000e+00 : f32
    %broadcast_in_dim3A_351 = vector.broadcast %broadcast_in_dim3A_350 : f32 to vector<16xf32>
    %swap3A_352 = arith.constant 2 : i32
    %swap3A_353 = arith.index_cast %swap3A_352 : i32 to index
    %swap3A_354 = arith.constant 64 : index
    %swap3A_355 = tpu.vector_load %arg15[%swap3A_353, %swap3A_354] {strides = array<i32>} : memref<8x128xf32, #tpu.memory_space<vmem>>, vector<1x16xf32>,
    %swap3A_356 = vector.shape_cast %swap3A_355 : vector<1x16xf32> to vector<16xf32>
    %swap3A_357 = vector.shape_cast %broadcast_in_dim3A_351 : vector<16xf32> to vector<1x16xf32>
    tpu.vector_store %arg15[%swap3A_353, %swap3A_354], %swap3A_357 {strides = array<i32>} : memref<8x128xf32, #tpu.memory_space<vmem>>, vector<1x16xf32>,
    %broadcast_in_dim3A_358 = arith.constant 0.000000e+00 : f32
    %broadcast_in_dim3A_359 = vector.broadcast %broadcast_in_dim3A_358 : f32 to vector<16xf32>
    %swap3A_360 = arith.constant 2 : i32
    %swap3A_361 = arith.index_cast %swap3A_360 : i32 to index
    %swap3A_362 = arith.constant 80 : index
    %swap3A_363 = tpu.vector_load %arg15[%swap3A_361, %swap3A_362] {strides = array<i32>} : memref<8x128xf32, #tpu.memory_space<vmem>>, vector<1x16xf32>,
    %swap3A_364 = vector.shape_cast %swap3A_363 : vector<1x16xf32> to vector<16xf32>
    %swap3A_365 = vector.shape_cast %broadcast_in_dim3A_359 : vector<16xf32> to vector<1x16xf32>
    tpu.vector_store %arg15[%swap3A_361, %swap3A_362], %swap3A_365 {strides = array<i32>} : memref<8x128xf32, #tpu.memory_space<vmem>>, vector<1x16xf32>,
    %broadcast_in_dim3A_366 = arith.constant 0.000000e+00 : f32
    %broadcast_in_dim3A_367 = vector.broadcast %broadcast_in_dim3A_366 : f32 to vector<16xf32>
    %swap3A_368 = arith.constant 2 : i32
    %swap3A_369 = arith.index_cast %swap3A_368 : i32 to index
    %swap3A_370 = arith.constant 96 : index
    %swap3A_371 = tpu.vector_load %arg15[%swap3A_369, %swap3A_370] {strides = array<i32>} : memref<8x128xf32, #tpu.memory_space<vmem>>, vector<1x16xf32>,
    %swap3A_372 = vector.shape_cast %swap3A_371 : vector<1x16xf32> to vector<16xf32>
    %swap3A_373 = vector.shape_cast %broadcast_in_dim3A_367 : vector<16xf32> to vector<1x16xf32>
    tpu.vector_store %arg15[%swap3A_369, %swap3A_370], %swap3A_373 {strides = array<i32>} : memref<8x128xf32, #tpu.memory_space<vmem>>, vector<1x16xf32>,
    %broadcast_in_dim3A_374 = arith.constant 0.000000e+00 : f32
    %broadcast_in_dim3A_375 = vector.broadcast %broadcast_in_dim3A_374 : f32 to vector<16xf32>
    %swap3A_376 = arith.constant 2 : i32
    %swap3A_377 = arith.index_cast %swap3A_376 : i32 to index
    %swap3A_378 = arith.constant 112 : index
    %swap3A_379 = tpu.vector_load %arg15[%swap3A_377, %swap3A_378] {strides = array<i32>} : memref<8x128xf32, #tpu.memory_space<vmem>>, vector<1x16xf32>,
    %swap3A_380 = vector.shape_cast %swap3A_379 : vector<1x16xf32> to vector<16xf32>
    %swap3A_381 = vector.shape_cast %broadcast_in_dim3A_375 : vector<16xf32> to vector<1x16xf32>
    tpu.vector_store %arg15[%swap3A_377, %swap3A_378], %swap3A_381 {strides = array<i32>} : memref<8x128xf32, #tpu.memory_space<vmem>>, vector<1x16xf32>,
    %broadcast_in_dim3A_382 = arith.constant 0.000000e+00 : f32
    %broadcast_in_dim3A_383 = vector.broadcast %broadcast_in_dim3A_382 : f32 to vector<16xf32>
    %swap3A_384 = arith.constant 3 : i32
    %swap3A_385 = arith.index_cast %swap3A_384 : i32 to index
    %swap3A_386 = arith.constant 0 : index
    %swap3A_387 = tpu.vector_load %arg14[%swap3A_385, %swap3A_386] {strides = array<i32>} : memref<8x128xf32, #tpu.memory_space<vmem>>, vector<1x16xf32>,
    %swap3A_388 = vector.shape_cast %swap3A_387 : vector<1x16xf32> to vector<16xf32>
    %swap3A_389 = vector.shape_cast %broadcast_in_dim3A_383 : vector<16xf32> to vector<1x16xf32>
    tpu.vector_store %arg14[%swap3A_385, %swap3A_386], %swap3A_389 {strides = array<i32>} : memref<8x128xf32, #tpu.memory_space<vmem>>, vector<1x16xf32>,
    %broadcast_in_dim3A_390 = arith.constant 0.000000e+00 : f32
    %broadcast_in_dim3A_391 = vector.broadcast %broadcast_in_dim3A_390 : f32 to vector<16xf32>
    %swap3A_392 = arith.constant 3 : i32
    %swap3A_393 = arith.index_cast %swap3A_392 : i32 to index
    %swap3A_394 = arith.constant 16 : index
    %swap3A_395 = tpu.vector_load %arg14[%swap3A_393, %swap3A_394] {strides = array<i32>} : memref<8x128xf32, #tpu.memory_space<vmem>>, vector<1x16xf32>,
    %swap3A_396 = vector.shape_cast %swap3A_395 : vector<1x16xf32> to vector<16xf32>
    %swap3A_397 = vector.shape_cast %broadcast_in_dim3A_391 : vector<16xf32> to vector<1x16xf32>
    tpu.vector_store %arg14[%swap3A_393, %swap3A_394], %swap3A_397 {strides = array<i32>} : memref<8x128xf32, #tpu.memory_space<vmem>>, vector<1x16xf32>,
    %broadcast_in_dim3A_398 = arith.constant 0.000000e+00 : f32
    %broadcast_in_dim3A_399 = vector.broadcast %broadcast_in_dim3A_398 : f32 to vector<16xf32>
    %swap3A_400 = arith.constant 3 : i32
    %swap3A_401 = arith.index_cast %swap3A_400 : i32 to index
    %swap3A_402 = arith.constant 32 : index
    %swap3A_403 = tpu.vector_load %arg14[%swap3A_401, %swap3A_402] {strides = array<i32>} : memref<8x128xf32, #tpu.memory_space<vmem>>, vector<1x16xf32>,
    %swap3A_404 = vector.shape_cast %swap3A_403 : vector<1x16xf32> to vector<16xf32>
    %swap3A_405 = vector.shape_cast %broadcast_in_dim3A_399 : vector<16xf32> to vector<1x16xf32>
    tpu.vector_store %arg14[%swap3A_401, %swap3A_402], %swap3A_405 {strides = array<i32>} : memref<8x128xf32, #tpu.memory_space<vmem>>, vector<1x16xf32>,
    %broadcast_in_dim3A_406 = arith.constant 0.000000e+00 : f32
    %broadcast_in_dim3A_407 = vector.broadcast %broadcast_in_dim3A_406 : f32 to vector<16xf32>
    %swap3A_408 = arith.constant 3 : i32
    %swap3A_409 = arith.index_cast %swap3A_408 : i32 to index
    %swap3A_410 = arith.constant 48 : index
    %swap3A_411 = tpu.vector_load %arg14[%swap3A_409, %swap3A_410] {strides = array<i32>} : memref<8x128xf32, #tpu.memory_space<vmem>>, vector<1x16xf32>,
    %swap3A_412 = vector.shape_cast %swap3A_411 : vector<1x16xf32> to vector<16xf32>
    %swap3A_413 = vector.shape_cast %broadcast_in_dim3A_407 : vector<16xf32> to vector<1x16xf32>
    tpu.vector_store %arg14[%swap3A_409, %swap3A_410], %swap3A_413 {strides = array<i32>} : memref<8x128xf32, #tpu.memory_space<vmem>>, vector<1x16xf32>,
    %broadcast_in_dim3A_414 = arith.constant 0.000000e+00 : f32
    %broadcast_in_dim3A_415 = vector.broadcast %broadcast_in_dim3A_414 : f32 to vector<16xf32>
    %swap3A_416 = arith.constant 3 : i32
    %swap3A_417 = arith.index_cast %swap3A_416 : i32 to index
    %swap3A_418 = arith.constant 64 : index
    %swap3A_419 = tpu.vector_load %arg14[%swap3A_417, %swap3A_418] {strides = array<i32>} : memref<8x128xf32, #tpu.memory_space<vmem>>, vector<1x16xf32>,
    %swap3A_420 = vector.shape_cast %swap3A_419 : vector<1x16xf32> to vector<16xf32>
    %swap3A_421 = vector.shape_cast %broadcast_in_dim3A_415 : vector<16xf32> to vector<1x16xf32>
    tpu.vector_store %arg14[%swap3A_417, %swap3A_418], %swap3A_421 {strides = array<i32>} : memref<8x128xf32, #tpu.memory_space<vmem>>, vector<1x16xf32>,
    %broadcast_in_dim3A_422 = arith.constant 0.000000e+00 : f32
    %broadcast_in_dim3A_423 = vector.broadcast %broadcast_in_dim3A_422 : f32 to vector<16xf32>
    %swap3A_424 = arith.constant 3 : i32
    %swap3A_425 = arith.index_cast %swap3A_424 : i32 to index
    %swap3A_426 = arith.constant 80 : index
    %swap3A_427 = tpu.vector_load %arg14[%swap3A_425, %swap3A_426] {strides = array<i32>} : memref<8x128xf32, #tpu.memory_space<vmem>>, vector<1x16xf32>,
    %swap3A_428 = vector.shape_cast %swap3A_427 : vector<1x16xf32> to vector<16xf32>
    %swap3A_429 = vector.shape_cast %broadcast_in_dim3A_423 : vector<16xf32> to vector<1x16xf32>
    tpu.vector_store %arg14[%swap3A_425, %swap3A_426], %swap3A_429 {strides = array<i32>} : memref<8x128xf32, #tpu.memory_space<vmem>>, vector<1x16xf32>,
    %broadcast_in_dim3A_430 = arith.constant 0.000000e+00 : f32
    %broadcast_in_dim3A_431 = vector.broadcast %broadcast_in_dim3A_430 : f32 to vector<16xf32>
    %swap3A_432 = arith.constant 3 : i32
    %swap3A_433 = arith.index_cast %swap3A_432 : i32 to index
    %swap3A_434 = arith.constant 96 : index
    %swap3A_435 = tpu.vector_load %arg14[%swap3A_433, %swap3A_434] {strides = array<i32>} : memref<8x128xf32, #tpu.memory_space<vmem>>, vector<1x16xf32>,
    %swap3A_436 = vector.shape_cast %swap3A_435 : vector<1x16xf32> to vector<16xf32>
    %swap3A_437 = vector.shape_cast %broadcast_in_dim3A_431 : vector<16xf32> to vector<1x16xf32>
    tpu.vector_store %arg14[%swap3A_433, %swap3A_434], %swap3A_437 {strides = array<i32>} : memref<8x128xf32, #tpu.memory_space<vmem>>, vector<1x16xf32>,
    %broadcast_in_dim3A_438 = arith.constant 0.000000e+00 : f32
    %broadcast_in_dim3A_439 = vector.broadcast %broadcast_in_dim3A_438 : f32 to vector<16xf32>
    %swap3A_440 = arith.constant 3 : i32
    %swap3A_441 = arith.index_cast %swap3A_440 : i32 to index
    %swap3A_442 = arith.constant 112 : index
    %swap3A_443 = tpu.vector_load %arg14[%swap3A_441, %swap3A_442] {strides = array<i32>} : memref<8x128xf32, #tpu.memory_space<vmem>>, vector<1x16xf32>,
    %swap3A_444 = vector.shape_cast %swap3A_443 : vector<1x16xf32> to vector<16xf32>
    %swap3A_445 = vector.shape_cast %broadcast_in_dim3A_439 : vector<16xf32> to vector<1x16xf32>
    tpu.vector_store %arg14[%swap3A_441, %swap3A_442], %swap3A_445 {strides = array<i32>} : memref<8x128xf32, #tpu.memory_space<vmem>>, vector<1x16xf32>,
    %broadcast_in_dim3A_446 = arith.constant 0.000000e+00 : f32
    %broadcast_in_dim3A_447 = vector.broadcast %broadcast_in_dim3A_446 : f32 to vector<16xf32>
    %swap3A_448 = arith.constant 3 : i32
    %swap3A_449 = arith.index_cast %swap3A_448 : i32 to index
    %swap3A_450 = arith.constant 0 : index
    %swap3A_451 = tpu.vector_load %arg15[%swap3A_449, %swap3A_450] {strides = array<i32>} : memref<8x128xf32, #tpu.memory_space<vmem>>, vector<1x16xf32>,
    %swap3A_452 = vector.shape_cast %swap3A_451 : vector<1x16xf32> to vector<16xf32>
    %swap3A_453 = vector.shape_cast %broadcast_in_dim3A_447 : vector<16xf32> to vector<1x16xf32>
    tpu.vector_store %arg15[%swap3A_449, %swap3A_450], %swap3A_453 {strides = array<i32>} : memref<8x128xf32, #tpu.memory_space<vmem>>, vector<1x16xf32>,
    %broadcast_in_dim3A_454 = arith.constant 0.000000e+00 : f32
    %broadcast_in_dim3A_455 = vector.broadcast %broadcast_in_dim3A_454 : f32 to vector<16xf32>
    %swap3A_456 = arith.constant 3 : i32
    %swap3A_457 = arith.index_cast %swap3A_456 : i32 to index
    %swap3A_458 = arith.constant 16 : index
    %swap3A_459 = tpu.vector_load %arg15[%swap3A_457, %swap3A_458] {strides = array<i32>} : memref<8x128xf32, #tpu.memory_space<vmem>>, vector<1x16xf32>,
    %swap3A_460 = vector.shape_cast %swap3A_459 : vector<1x16xf32> to vector<16xf32>
    %swap3A_461 = vector.shape_cast %broadcast_in_dim3A_455 : vector<16xf32> to vector<1x16xf32>
    tpu.vector_store %arg15[%swap3A_457, %swap3A_458], %swap3A_461 {strides = array<i32>} : memref<8x128xf32, #tpu.memory_space<vmem>>, vector<1x16xf32>,
    %broadcast_in_dim3A_462 = arith.constant 0.000000e+00 : f32
    %broadcast_in_dim3A_463 = vector.broadcast %broadcast_in_dim3A_462 : f32 to vector<16xf32>
    %swap3A_464 = arith.constant 3 : i32
    %swap3A_465 = arith.index_cast %swap3A_464 : i32 to index
    %swap3A_466 = arith.constant 32 : index
    %swap3A_467 = tpu.vector_load %arg15[%swap3A_465, %swap3A_466] {strides = array<i32>} : memref<8x128xf32, #tpu.memory_space<vmem>>, vector<1x16xf32>,
    %swap3A_468 = vector.shape_cast %swap3A_467 : vector<1x16xf32> to vector<16xf32>
    %swap3A_469 = vector.shape_cast %broadcast_in_dim3A_463 : vector<16xf32> to vector<1x16xf32>
    tpu.vector_store %arg15[%swap3A_465, %swap3A_466], %swap3A_469 {strides = array<i32>} : memref<8x128xf32, #tpu.memory_space<vmem>>, vector<1x16xf32>,
    %broadcast_in_dim3A_470 = arith.constant 0.000000e+00 : f32
    %broadcast_in_dim3A_471 = vector.broadcast %broadcast_in_dim3A_470 : f32 to vector<16xf32>
    %swap3A_472 = arith.constant 3 : i32
    %swap3A_473 = arith.index_cast %swap3A_472 : i32 to index
    %swap3A_474 = arith.constant 48 : index
    %swap3A_475 = tpu.vector_load %arg15[%swap3A_473, %swap3A_474] {strides = array<i32>} : memref<8x128xf32, #tpu.memory_space<vmem>>, vector<1x16xf32>,
    %swap3A_476 = vector.shape_cast %swap3A_475 : vector<1x16xf32> to vector<16xf32>
    %swap3A_477 = vector.shape_cast %broadcast_in_dim3A_471 : vector<16xf32> to vector<1x16xf32>
    tpu.vector_store %arg15[%swap3A_473, %swap3A_474], %swap3A_477 {strides = array<i32>} : memref<8x128xf32, #tpu.memory_space<vmem>>, vector<1x16xf32>,
    %broadcast_in_dim3A_478 = arith.constant 0.000000e+00 : f32
    %broadcast_in_dim3A_479 = vector.broadcast %broadcast_in_dim3A_478 : f32 to vector<16xf32>
    %swap3A_480 = arith.constant 3 : i32
    %swap3A_481 = arith.index_cast %swap3A_480 : i32 to index
    %swap3A_482 = arith.constant 64 : index
    %swap3A_483 = tpu.vector_load %arg15[%swap3A_481, %swap3A_482] {strides = array<i32>} : memref<8x128xf32, #tpu.memory_space<vmem>>, vector<1x16xf32>,
    %swap3A_484 = vector.shape_cast %swap3A_483 : vector<1x16xf32> to vector<16xf32>
    %swap3A_485 = vector.shape_cast %broadcast_in_dim3A_479 : vector<16xf32> to vector<1x16xf32>
    tpu.vector_store %arg15[%swap3A_481, %swap3A_482], %swap3A_485 {strides = array<i32>} : memref<8x128xf32, #tpu.memory_space<vmem>>, vector<1x16xf32>,
    %broadcast_in_dim3A_486 = arith.constant 0.000000e+00 : f32
    %broadcast_in_dim3A_487 = vector.broadcast %broadcast_in_dim3A_486 : f32 to vector<16xf32>
    %swap3A_488 = arith.constant 3 : i32
    %swap3A_489 = arith.index_cast %swap3A_488 : i32 to index
    %swap3A_490 = arith.constant 80 : index
    %swap3A_491 = tpu.vector_load %arg15[%swap3A_489, %swap3A_490] {strides = array<i32>} : memref<8x128xf32, #tpu.memory_space<vmem>>, vector<1x16xf32>,
    %swap3A_492 = vector.shape_cast %swap3A_491 : vector<1x16xf32> to vector<16xf32>
    %swap3A_493 = vector.shape_cast %broadcast_in_dim3A_487 : vector<16xf32> to vector<1x16xf32>
    tpu.vector_store %arg15[%swap3A_489, %swap3A_490], %swap3A_493 {strides = array<i32>} : memref<8x128xf32, #tpu.memory_space<vmem>>, vector<1x16xf32>,
    %broadcast_in_dim3A_494 = arith.constant 0.000000e+00 : f32
    %broadcast_in_dim3A_495 = vector.broadcast %broadcast_in_dim3A_494 : f32 to vector<16xf32>
    %swap3A_496 = arith.constant 3 : i32
    %swap3A_497 = arith.index_cast %swap3A_496 : i32 to index
    %swap3A_498 = arith.constant 96 : index
    %swap3A_499 = tpu.vector_load %arg15[%swap3A_497, %swap3A_498] {strides = array<i32>} : memref<8x128xf32, #tpu.memory_space<vmem>>, vector<1x16xf32>,
    %swap3A_500 = vector.shape_cast %swap3A_499 : vector<1x16xf32> to vector<16xf32>
    %swap3A_501 = vector.shape_cast %broadcast_in_dim3A_495 : vector<16xf32> to vector<1x16xf32>
    tpu.vector_store %arg15[%swap3A_497, %swap3A_498], %swap3A_501 {strides = array<i32>} : memref<8x128xf32, #tpu.memory_space<vmem>>, vector<1x16xf32>,
    %broadcast_in_dim3A_502 = arith.constant 0.000000e+00 : f32
    %broadcast_in_dim3A_503 = vector.broadcast %broadcast_in_dim3A_502 : f32 to vector<16xf32>
    %swap3A_504 = arith.constant 3 : i32
    %swap3A_505 = arith.index_cast %swap3A_504 : i32 to index
    %swap3A_506 = arith.constant 112 : index
    %swap3A_507 = tpu.vector_load %arg15[%swap3A_505, %swap3A_506] {strides = array<i32>} : memref<8x128xf32, #tpu.memory_space<vmem>>, vector<1x16xf32>,
    %swap3A_508 = vector.shape_cast %swap3A_507 : vector<1x16xf32> to vector<16xf32>
    %swap3A_509 = vector.shape_cast %broadcast_in_dim3A_503 : vector<16xf32> to vector<1x16xf32>
    tpu.vector_store %arg15[%swap3A_505, %swap3A_506], %swap3A_509 {strides = array<i32>} : memref<8x128xf32, #tpu.memory_space<vmem>>, vector<1x16xf32>,
    %broadcast_in_dim3A_510 = arith.constant 0.000000e+00 : f32
    %broadcast_in_dim3A_511 = vector.broadcast %broadcast_in_dim3A_510 : f32 to vector<16xf32>
    %swap3A_512 = arith.constant 4 : i32
    %swap3A_513 = arith.index_cast %swap3A_512 : i32 to index
    %swap3A_514 = arith.constant 0 : index
    %swap3A_515 = tpu.vector_load %arg14[%swap3A_513, %swap3A_514] {strides = array<i32>} : memref<8x128xf32, #tpu.memory_space<vmem>>, vector<1x16xf32>,
    %swap3A_516 = vector.shape_cast %swap3A_515 : vector<1x16xf32> to vector<16xf32>
    %swap3A_517 = vector.shape_cast %broadcast_in_dim3A_511 : vector<16xf32> to vector<1x16xf32>
    tpu.vector_store %arg14[%swap3A_513, %swap3A_514], %swap3A_517 {strides = array<i32>} : memref<8x128xf32, #tpu.memory_space<vmem>>, vector<1x16xf32>,
    %broadcast_in_dim3A_518 = arith.constant 0.000000e+00 : f32
    %broadcast_in_dim3A_519 = vector.broadcast %broadcast_in_dim3A_518 : f32 to vector<16xf32>
    %swap3A_520 = arith.constant 4 : i32
    %swap3A_521 = arith.index_cast %swap3A_520 : i32 to index
    %swap3A_522 = arith.constant 16 : index
    %swap3A_523 = tpu.vector_load %arg14[%swap3A_521, %swap3A_522] {strides = array<i32>} : memref<8x128xf32, #tpu.memory_space<vmem>>, vector<1x16xf32>,
    %swap3A_524 = vector.shape_cast %swap3A_523 : vector<1x16xf32> to vector<16xf32>
    %swap3A_525 = vector.shape_cast %broadcast_in_dim3A_519 : vector<16xf32> to vector<1x16xf32>
    tpu.vector_store %arg14[%swap3A_521, %swap3A_522], %swap3A_525 {strides = array<i32>} : memref<8x128xf32, #tpu.memory_space<vmem>>, vector<1x16xf32>,
    %broadcast_in_dim3A_526 = arith.constant 0.000000e+00 : f32
    %broadcast_in_dim3A_527 = vector.broadcast %broadcast_in_dim3A_526 : f32 to vector<16xf32>
    %swap3A_528 = arith.constant 4 : i32
    %swap3A_529 = arith.index_cast %swap3A_528 : i32 to index
    %swap3A_530 = arith.constant 32 : index
    %swap3A_531 = tpu.vector_load %arg14[%swap3A_529, %swap3A_530] {strides = array<i32>} : memref<8x128xf32, #tpu.memory_space<vmem>>, vector<1x16xf32>,
    %swap3A_532 = vector.shape_cast %swap3A_531 : vector<1x16xf32> to vector<16xf32>
    %swap3A_533 = vector.shape_cast %broadcast_in_dim3A_527 : vector<16xf32> to vector<1x16xf32>
    tpu.vector_store %arg14[%swap3A_529, %swap3A_530], %swap3A_533 {strides = array<i32>} : memref<8x128xf32, #tpu.memory_space<vmem>>, vector<1x16xf32>,
    %broadcast_in_dim3A_534 = arith.constant 0.000000e+00 : f32
    %broadcast_in_dim3A_535 = vector.broadcast %broadcast_in_dim3A_534 : f32 to vector<16xf32>
    %swap3A_536 = arith.constant 4 : i32
    %swap3A_537 = arith.index_cast %swap3A_536 : i32 to index
    %swap3A_538 = arith.constant 48 : index
    %swap3A_539 = tpu.vector_load %arg14[%swap3A_537, %swap3A_538] {strides = array<i32>} : memref<8x128xf32, #tpu.memory_space<vmem>>, vector<1x16xf32>,
    %swap3A_540 = vector.shape_cast %swap3A_539 : vector<1x16xf32> to vector<16xf32>
    %swap3A_541 = vector.shape_cast %broadcast_in_dim3A_535 : vector<16xf32> to vector<1x16xf32>
    tpu.vector_store %arg14[%swap3A_537, %swap3A_538], %swap3A_541 {strides = array<i32>} : memref<8x128xf32, #tpu.memory_space<vmem>>, vector<1x16xf32>,
    %broadcast_in_dim3A_542 = arith.constant 0.000000e+00 : f32
    %broadcast_in_dim3A_543 = vector.broadcast %broadcast_in_dim3A_542 : f32 to vector<16xf32>
    %swap3A_544 = arith.constant 4 : i32
    %swap3A_545 = arith.index_cast %swap3A_544 : i32 to index
    %swap3A_546 = arith.constant 64 : index
    %swap3A_547 = tpu.vector_load %arg14[%swap3A_545, %swap3A_546] {strides = array<i32>} : memref<8x128xf32, #tpu.memory_space<vmem>>, vector<1x16xf32>,
    %swap3A_548 = vector.shape_cast %swap3A_547 : vector<1x16xf32> to vector<16xf32>
    %swap3A_549 = vector.shape_cast %broadcast_in_dim3A_543 : vector<16xf32> to vector<1x16xf32>
    tpu.vector_store %arg14[%swap3A_545, %swap3A_546], %swap3A_549 {strides = array<i32>} : memref<8x128xf32, #tpu.memory_space<vmem>>, vector<1x16xf32>,
    %broadcast_in_dim3A_550 = arith.constant 0.000000e+00 : f32
    %broadcast_in_dim3A_551 = vector.broadcast %broadcast_in_dim3A_550 : f32 to vector<16xf32>
    %swap3A_552 = arith.constant 4 : i32
    %swap3A_553 = arith.index_cast %swap3A_552 : i32 to index
    %swap3A_554 = arith.constant 80 : index
    %swap3A_555 = tpu.vector_load %arg14[%swap3A_553, %swap3A_554] {strides = array<i32>} : memref<8x128xf32, #tpu.memory_space<vmem>>, vector<1x16xf32>,
    %swap3A_556 = vector.shape_cast %swap3A_555 : vector<1x16xf32> to vector<16xf32>
    %swap3A_557 = vector.shape_cast %broadcast_in_dim3A_551 : vector<16xf32> to vector<1x16xf32>
    tpu.vector_store %arg14[%swap3A_553, %swap3A_554], %swap3A_557 {strides = array<i32>} : memref<8x128xf32, #tpu.memory_space<vmem>>, vector<1x16xf32>,
    %broadcast_in_dim3A_558 = arith.constant 0.000000e+00 : f32
    %broadcast_in_dim3A_559 = vector.broadcast %broadcast_in_dim3A_558 : f32 to vector<16xf32>
    %swap3A_560 = arith.constant 4 : i32
    %swap3A_561 = arith.index_cast %swap3A_560 : i32 to index
    %swap3A_562 = arith.constant 96 : index
    %swap3A_563 = tpu.vector_load %arg14[%swap3A_561, %swap3A_562] {strides = array<i32>} : memref<8x128xf32, #tpu.memory_space<vmem>>, vector<1x16xf32>,
    %swap3A_564 = vector.shape_cast %swap3A_563 : vector<1x16xf32> to vector<16xf32>
    %swap3A_565 = vector.shape_cast %broadcast_in_dim3A_559 : vector<16xf32> to vector<1x16xf32>
    tpu.vector_store %arg14[%swap3A_561, %swap3A_562], %swap3A_565 {strides = array<i32>} : memref<8x128xf32, #tpu.memory_space<vmem>>, vector<1x16xf32>,
    %broadcast_in_dim3A_566 = arith.constant 0.000000e+00 : f32
    %broadcast_in_dim3A_567 = vector.broadcast %broadcast_in_dim3A_566 : f32 to vector<16xf32>
    %swap3A_568 = arith.constant 4 : i32
    %swap3A_569 = arith.index_cast %swap3A_568 : i32 to index
    %swap3A_570 = arith.constant 112 : index
    %swap3A_571 = tpu.vector_load %arg14[%swap3A_569, %swap3A_570] {strides = array<i32>} : memref<8x128xf32, #tpu.memory_space<vmem>>, vector<1x16xf32>,
    %swap3A_572 = vector.shape_cast %swap3A_571 : vector<1x16xf32> to vector<16xf32>
    %swap3A_573 = vector.shape_cast %broadcast_in_dim3A_567 : vector<16xf32> to vector<1x16xf32>
    tpu.vector_store %arg14[%swap3A_569, %swap3A_570], %swap3A_573 {strides = array<i32>} : memref<8x128xf32, #tpu.memory_space<vmem>>, vector<1x16xf32>,
    %broadcast_in_dim3A_574 = arith.constant 0.000000e+00 : f32
    %broadcast_in_dim3A_575 = vector.broadcast %broadcast_in_dim3A_574 : f32 to vector<16xf32>
    %swap3A_576 = arith.constant 4 : i32
    %swap3A_577 = arith.index_cast %swap3A_576 : i32 to index
    %swap3A_578 = arith.constant 0 : index
    %swap3A_579 = tpu.vector_load %arg15[%swap3A_577, %swap3A_578] {strides = array<i32>} : memref<8x128xf32, #tpu.memory_space<vmem>>, vector<1x16xf32>,
    %swap3A_580 = vector.shape_cast %swap3A_579 : vector<1x16xf32> to vector<16xf32>
    %swap3A_581 = vector.shape_cast %broadcast_in_dim3A_575 : vector<16xf32> to vector<1x16xf32>
    tpu.vector_store %arg15[%swap3A_577, %swap3A_578], %swap3A_581 {strides = array<i32>} : memref<8x128xf32, #tpu.memory_space<vmem>>, vector<1x16xf32>,
    %broadcast_in_dim3A_582 = arith.constant 0.000000e+00 : f32
    %broadcast_in_dim3A_583 = vector.broadcast %broadcast_in_dim3A_582 : f32 to vector<16xf32>
    %swap3A_584 = arith.constant 4 : i32
    %swap3A_585 = arith.index_cast %swap3A_584 : i32 to index
    %swap3A_586 = arith.constant 16 : index
    %swap3A_587 = tpu.vector_load %arg15[%swap3A_585, %swap3A_586] {strides = array<i32>} : memref<8x128xf32, #tpu.memory_space<vmem>>, vector<1x16xf32>,
    %swap3A_588 = vector.shape_cast %swap3A_587 : vector<1x16xf32> to vector<16xf32>
    %swap3A_589 = vector.shape_cast %broadcast_in_dim3A_583 : vector<16xf32> to vector<1x16xf32>
    tpu.vector_store %arg15[%swap3A_585, %swap3A_586], %swap3A_589 {strides = array<i32>} : memref<8x128xf32, #tpu.memory_space<vmem>>, vector<1x16xf32>,
    %broadcast_in_dim3A_590 = arith.constant 0.000000e+00 : f32
    %broadcast_in_dim3A_591 = vector.broadcast %broadcast_in_dim3A_590 : f32 to vector<16xf32>
    %swap3A_592 = arith.constant 4 : i32
    %swap3A_593 = arith.index_cast %swap3A_592 : i32 to index
    %swap3A_594 = arith.constant 32 : index
    %swap3A_595 = tpu.vector_load %arg15[%swap3A_593, %swap3A_594] {strides = array<i32>} : memref<8x128xf32, #tpu.memory_space<vmem>>, vector<1x16xf32>,
    %swap3A_596 = vector.shape_cast %swap3A_595 : vector<1x16xf32> to vector<16xf32>
    %swap3A_597 = vector.shape_cast %broadcast_in_dim3A_591 : vector<16xf32> to vector<1x16xf32>
    tpu.vector_store %arg15[%swap3A_593, %swap3A_594], %swap3A_597 {strides = array<i32>} : memref<8x128xf32, #tpu.memory_space<vmem>>, vector<1x16xf32>,
    %broadcast_in_dim3A_598 = arith.constant 0.000000e+00 : f32
    %broadcast_in_dim3A_599 = vector.broadcast %broadcast_in_dim3A_598 : f32 to vector<16xf32>
    %swap3A_600 = arith.constant 4 : i32
    %swap3A_601 = arith.index_cast %swap3A_600 : i32 to index
    %swap3A_602 = arith.constant 48 : index
    %swap3A_603 = tpu.vector_load %arg15[%swap3A_601, %swap3A_602] {strides = array<i32>} : memref<8x128xf32, #tpu.memory_space<vmem>>, vector<1x16xf32>,
    %swap3A_604 = vector.shape_cast %swap3A_603 : vector<1x16xf32> to vector<16xf32>
    %swap3A_605 = vector.shape_cast %broadcast_in_dim3A_599 : vector<16xf32> to vector<1x16xf32>
    tpu.vector_store %arg15[%swap3A_601, %swap3A_602], %swap3A_605 {strides = array<i32>} : memref<8x128xf32, #tpu.memory_space<vmem>>, vector<1x16xf32>,
    %broadcast_in_dim3A_606 = arith.constant 0.000000e+00 : f32
    %broadcast_in_dim3A_607 = vector.broadcast %broadcast_in_dim3A_606 : f32 to vector<16xf32>
    %swap3A_608 = arith.constant 4 : i32
    %swap3A_609 = arith.index_cast %swap3A_608 : i32 to index
    %swap3A_610 = arith.constant 64 : index
    %swap3A_611 = tpu.vector_load %arg15[%swap3A_609, %swap3A_610] {strides = array<i32>} : memref<8x128xf32, #tpu.memory_space<vmem>>, vector<1x16xf32>,
    %swap3A_612 = vector.shape_cast %swap3A_611 : vector<1x16xf32> to vector<16xf32>
    %swap3A_613 = vector.shape_cast %broadcast_in_dim3A_607 : vector<16xf32> to vector<1x16xf32>
    tpu.vector_store %arg15[%swap3A_609, %swap3A_610], %swap3A_613 {strides = array<i32>} : memref<8x128xf32, #tpu.memory_space<vmem>>, vector<1x16xf32>,
    %broadcast_in_dim3A_614 = arith.constant 0.000000e+00 : f32
    %broadcast_in_dim3A_615 = vector.broadcast %broadcast_in_dim3A_614 : f32 to vector<16xf32>
    %swap3A_616 = arith.constant 4 : i32
    %swap3A_617 = arith.index_cast %swap3A_616 : i32 to index
    %swap3A_618 = arith.constant 80 : index
    %swap3A_619 = tpu.vector_load %arg15[%swap3A_617, %swap3A_618] {strides = array<i32>} : memref<8x128xf32, #tpu.memory_space<vmem>>, vector<1x16xf32>,
    %swap3A_620 = vector.shape_cast %swap3A_619 : vector<1x16xf32> to vector<16xf32>
    %swap3A_621 = vector.shape_cast %broadcast_in_dim3A_615 : vector<16xf32> to vector<1x16xf32>
    tpu.vector_store %arg15[%swap3A_617, %swap3A_618], %swap3A_621 {strides = array<i32>} : memref<8x128xf32, #tpu.memory_space<vmem>>, vector<1x16xf32>,
    %broadcast_in_dim3A_622 = arith.constant 0.000000e+00 : f32
    %broadcast_in_dim3A_623 = vector.broadcast %broadcast_in_dim3A_622 : f32 to vector<16xf32>
    %swap3A_624 = arith.constant 4 : i32
    %swap3A_625 = arith.index_cast %swap3A_624 : i32 to index
    %swap3A_626 = arith.constant 96 : index
    %swap3A_627 = tpu.vector_load %arg15[%swap3A_625, %swap3A_626] {strides = array<i32>} : memref<8x128xf32, #tpu.memory_space<vmem>>, vector<1x16xf32>,
    %swap3A_628 = vector.shape_cast %swap3A_627 : vector<1x16xf32> to vector<16xf32>
    %swap3A_629 = vector.shape_cast %broadcast_in_dim3A_623 : vector<16xf32> to vector<1x16xf32>
    tpu.vector_store %arg15[%swap3A_625, %swap3A_626], %swap3A_629 {strides = array<i32>} : memref<8x128xf32, #tpu.memory_space<vmem>>, vector<1x16xf32>,
    %broadcast_in_dim3A_630 = arith.constant 0.000000e+00 : f32
    %broadcast_in_dim3A_631 = vector.broadcast %broadcast_in_dim3A_630 : f32 to vector<16xf32>
    %swap3A_632 = arith.constant 4 : i32
    %swap3A_633 = arith.index_cast %swap3A_632 : i32 to index
    %swap3A_634 = arith.constant 112 : index
    %swap3A_635 = tpu.vector_load %arg15[%swap3A_633, %swap3A_634] {strides = array<i32>} : memref<8x128xf32, #tpu.memory_space<vmem>>, vector<1x16xf32>,
    %swap3A_636 = vector.shape_cast %swap3A_635 : vector<1x16xf32> to vector<16xf32>
    %swap3A_637 = vector.shape_cast %broadcast_in_dim3A_631 : vector<16xf32> to vector<1x16xf32>
    tpu.vector_store %arg15[%swap3A_633, %swap3A_634], %swap3A_637 {strides = array<i32>} : memref<8x128xf32, #tpu.memory_space<vmem>>, vector<1x16xf32>,
    %broadcast_in_dim3A_638 = arith.constant 0.000000e+00 : f32
    %broadcast_in_dim3A_639 = vector.broadcast %broadcast_in_dim3A_638 : f32 to vector<16xf32>
    %swap3A_640 = arith.constant 5 : i32
    %swap3A_641 = arith.index_cast %swap3A_640 : i32 to index
    %swap3A_642 = arith.constant 0 : index
    %swap3A_643 = tpu.vector_load %arg14[%swap3A_641, %swap3A_642] {strides = array<i32>} : memref<8x128xf32, #tpu.memory_space<vmem>>, vector<1x16xf32>,
    %swap3A_644 = vector.shape_cast %swap3A_643 : vector<1x16xf32> to vector<16xf32>
    %swap3A_645 = vector.shape_cast %broadcast_in_dim3A_639 : vector<16xf32> to vector<1x16xf32>
    tpu.vector_store %arg14[%swap3A_641, %swap3A_642], %swap3A_645 {strides = array<i32>} : memref<8x128xf32, #tpu.memory_space<vmem>>, vector<1x16xf32>,
    %broadcast_in_dim3A_646 = arith.constant 0.000000e+00 : f32
    %broadcast_in_dim3A_647 = vector.broadcast %broadcast_in_dim3A_646 : f32 to vector<16xf32>
    %swap3A_648 = arith.constant 5 : i32
    %swap3A_649 = arith.index_cast %swap3A_648 : i32 to index
    %swap3A_650 = arith.constant 16 : index
    %swap3A_651 = tpu.vector_load %arg14[%swap3A_649, %swap3A_650] {strides = array<i32>} : memref<8x128xf32, #tpu.memory_space<vmem>>, vector<1x16xf32>,
    %swap3A_652 = vector.shape_cast %swap3A_651 : vector<1x16xf32> to vector<16xf32>
    %swap3A_653 = vector.shape_cast %broadcast_in_dim3A_647 : vector<16xf32> to vector<1x16xf32>
    tpu.vector_store %arg14[%swap3A_649, %swap3A_650], %swap3A_653 {strides = array<i32>} : memref<8x128xf32, #tpu.memory_space<vmem>>, vector<1x16xf32>,
    %broadcast_in_dim3A_654 = arith.constant 0.000000e+00 : f32
    %broadcast_in_dim3A_655 = vector.broadcast %broadcast_in_dim3A_654 : f32 to vector<16xf32>
    %swap3A_656 = arith.constant 5 : i32
    %swap3A_657 = arith.index_cast %swap3A_656 : i32 to index
    %swap3A_658 = arith.constant 32 : index
    %swap3A_659 = tpu.vector_load %arg14[%swap3A_657, %swap3A_658] {strides = array<i32>} : memref<8x128xf32, #tpu.memory_space<vmem>>, vector<1x16xf32>,
    %swap3A_660 = vector.shape_cast %swap3A_659 : vector<1x16xf32> to vector<16xf32>
    %swap3A_661 = vector.shape_cast %broadcast_in_dim3A_655 : vector<16xf32> to vector<1x16xf32>
    tpu.vector_store %arg14[%swap3A_657, %swap3A_658], %swap3A_661 {strides = array<i32>} : memref<8x128xf32, #tpu.memory_space<vmem>>, vector<1x16xf32>,
    %broadcast_in_dim3A_662 = arith.constant 0.000000e+00 : f32
    %broadcast_in_dim3A_663 = vector.broadcast %broadcast_in_dim3A_662 : f32 to vector<16xf32>
    %swap3A_664 = arith.constant 5 : i32
    %swap3A_665 = arith.index_cast %swap3A_664 : i32 to index
    %swap3A_666 = arith.constant 48 : index
    %swap3A_667 = tpu.vector_load %arg14[%swap3A_665, %swap3A_666] {strides = array<i32>} : memref<8x128xf32, #tpu.memory_space<vmem>>, vector<1x16xf32>,
    %swap3A_668 = vector.shape_cast %swap3A_667 : vector<1x16xf32> to vector<16xf32>
    %swap3A_669 = vector.shape_cast %broadcast_in_dim3A_663 : vector<16xf32> to vector<1x16xf32>
    tpu.vector_store %arg14[%swap3A_665, %swap3A_666], %swap3A_669 {strides = array<i32>} : memref<8x128xf32, #tpu.memory_space<vmem>>, vector<1x16xf32>,
    %broadcast_in_dim3A_670 = arith.constant 0.000000e+00 : f32
    %broadcast_in_dim3A_671 = vector.broadcast %broadcast_in_dim3A_670 : f32 to vector<16xf32>
    %swap3A_672 = arith.constant 5 : i32
    %swap3A_673 = arith.index_cast %swap3A_672 : i32 to index
    %swap3A_674 = arith.constant 64 : index
    %swap3A_675 = tpu.vector_load %arg14[%swap3A_673, %swap3A_674] {strides = array<i32>} : memref<8x128xf32, #tpu.memory_space<vmem>>, vector<1x16xf32>,
    %swap3A_676 = vector.shape_cast %swap3A_675 : vector<1x16xf32> to vector<16xf32>
    %swap3A_677 = vector.shape_cast %broadcast_in_dim3A_671 : vector<16xf32> to vector<1x16xf32>
    tpu.vector_store %arg14[%swap3A_673, %swap3A_674], %swap3A_677 {strides = array<i32>} : memref<8x128xf32, #tpu.memory_space<vmem>>, vector<1x16xf32>,
    %broadcast_in_dim3A_678 = arith.constant 0.000000e+00 : f32
    %broadcast_in_dim3A_679 = vector.broadcast %broadcast_in_dim3A_678 : f32 to vector<16xf32>
    %swap3A_680 = arith.constant 5 : i32
    %swap3A_681 = arith.index_cast %swap3A_680 : i32 to index
    %swap3A_682 = arith.constant 80 : index
    %swap3A_683 = tpu.vector_load %arg14[%swap3A_681, %swap3A_682] {strides = array<i32>} : memref<8x128xf32, #tpu.memory_space<vmem>>, vector<1x16xf32>,
    %swap3A_684 = vector.shape_cast %swap3A_683 : vector<1x16xf32> to vector<16xf32>
    %swap3A_685 = vector.shape_cast %broadcast_in_dim3A_679 : vector<16xf32> to vector<1x16xf32>
    tpu.vector_store %arg14[%swap3A_681, %swap3A_682], %swap3A_685 {strides = array<i32>} : memref<8x128xf32, #tpu.memory_space<vmem>>, vector<1x16xf32>,
    %broadcast_in_dim3A_686 = arith.constant 0.000000e+00 : f32
    %broadcast_in_dim3A_687 = vector.broadcast %broadcast_in_dim3A_686 : f32 to vector<16xf32>
    %swap3A_688 = arith.constant 5 : i32
    %swap3A_689 = arith.index_cast %swap3A_688 : i32 to index
    %swap3A_690 = arith.constant 96 : index
    %swap3A_691 = tpu.vector_load %arg14[%swap3A_689, %swap3A_690] {strides = array<i32>} : memref<8x128xf32, #tpu.memory_space<vmem>>, vector<1x16xf32>,
    %swap3A_692 = vector.shape_cast %swap3A_691 : vector<1x16xf32> to vector<16xf32>
    %swap3A_693 = vector.shape_cast %broadcast_in_dim3A_687 : vector<16xf32> to vector<1x16xf32>
    tpu.vector_store %arg14[%swap3A_689, %swap3A_690], %swap3A_693 {strides = array<i32>} : memref<8x128xf32, #tpu.memory_space<vmem>>, vector<1x16xf32>,
    %broadcast_in_dim3A_694 = arith.constant 0.000000e+00 : f32
    %broadcast_in_dim3A_695 = vector.broadcast %broadcast_in_dim3A_694 : f32 to vector<16xf32>
    %swap3A_696 = arith.constant 5 : i32
    %swap3A_697 = arith.index_cast %swap3A_696 : i32 to index
    %swap3A_698 = arith.constant 112 : index
    %swap3A_699 = tpu.vector_load %arg14[%swap3A_697, %swap3A_698] {strides = array<i32>} : memref<8x128xf32, #tpu.memory_space<vmem>>, vector<1x16xf32>,
    %swap3A_700 = vector.shape_cast %swap3A_699 : vector<1x16xf32> to vector<16xf32>
    %swap3A_701 = vector.shape_cast %broadcast_in_dim3A_695 : vector<16xf32> to vector<1x16xf32>
    tpu.vector_store %arg14[%swap3A_697, %swap3A_698], %swap3A_701 {strides = array<i32>} : memref<8x128xf32, #tpu.memory_space<vmem>>, vector<1x16xf32>,
    %broadcast_in_dim3A_702 = arith.constant 0.000000e+00 : f32
    %broadcast_in_dim3A_703 = vector.broadcast %broadcast_in_dim3A_702 : f32 to vector<16xf32>
    %swap3A_704 = arith.constant 5 : i32
    %swap3A_705 = arith.index_cast %swap3A_704 : i32 to index
    %swap3A_706 = arith.constant 0 : index
    %swap3A_707 = tpu.vector_load %arg15[%swap3A_705, %swap3A_706] {strides = array<i32>} : memref<8x128xf32, #tpu.memory_space<vmem>>, vector<1x16xf32>,
    %swap3A_708 = vector.shape_cast %swap3A_707 : vector<1x16xf32> to vector<16xf32>
    %swap3A_709 = vector.shape_cast %broadcast_in_dim3A_703 : vector<16xf32> to vector<1x16xf32>
    tpu.vector_store %arg15[%swap3A_705, %swap3A_706], %swap3A_709 {strides = array<i32>} : memref<8x128xf32, #tpu.memory_space<vmem>>, vector<1x16xf32>,
    %broadcast_in_dim3A_710 = arith.constant 0.000000e+00 : f32
    %broadcast_in_dim3A_711 = vector.broadcast %broadcast_in_dim3A_710 : f32 to vector<16xf32>
    %swap3A_712 = arith.constant 5 : i32
    %swap3A_713 = arith.index_cast %swap3A_712 : i32 to index
    %swap3A_714 = arith.constant 16 : index
    %swap3A_715 = tpu.vector_load %arg15[%swap3A_713, %swap3A_714] {strides = array<i32>} : memref<8x128xf32, #tpu.memory_space<vmem>>, vector<1x16xf32>,
    %swap3A_716 = vector.shape_cast %swap3A_715 : vector<1x16xf32> to vector<16xf32>
    %swap3A_717 = vector.shape_cast %broadcast_in_dim3A_711 : vector<16xf32> to vector<1x16xf32>
    tpu.vector_store %arg15[%swap3A_713, %swap3A_714], %swap3A_717 {strides = array<i32>} : memref<8x128xf32, #tpu.memory_space<vmem>>, vector<1x16xf32>,
    %broadcast_in_dim3A_718 = arith.constant 0.000000e+00 : f32
    %broadcast_in_dim3A_719 = vector.broadcast %broadcast_in_dim3A_718 : f32 to vector<16xf32>
    %swap3A_720 = arith.constant 5 : i32
    %swap3A_721 = arith.index_cast %swap3A_720 : i32 to index
    %swap3A_722 = arith.constant 32 : index
    %swap3A_723 = tpu.vector_load %arg15[%swap3A_721, %swap3A_722] {strides = array<i32>} : memref<8x128xf32, #tpu.memory_space<vmem>>, vector<1x16xf32>,
    %swap3A_724 = vector.shape_cast %swap3A_723 : vector<1x16xf32> to vector<16xf32>
    %swap3A_725 = vector.shape_cast %broadcast_in_dim3A_719 : vector<16xf32> to vector<1x16xf32>
    tpu.vector_store %arg15[%swap3A_721, %swap3A_722], %swap3A_725 {strides = array<i32>} : memref<8x128xf32, #tpu.memory_space<vmem>>, vector<1x16xf32>,
    %broadcast_in_dim3A_726 = arith.constant 0.000000e+00 : f32
    %broadcast_in_dim3A_727 = vector.broadcast %broadcast_in_dim3A_726 : f32 to vector<16xf32>
    %swap3A_728 = arith.constant 5 : i32
    %swap3A_729 = arith.index_cast %swap3A_728 : i32 to index
    %swap3A_730 = arith.constant 48 : index
    %swap3A_731 = tpu.vector_load %arg15[%swap3A_729, %swap3A_730] {strides = array<i32>} : memref<8x128xf32, #tpu.memory_space<vmem>>, vector<1x16xf32>,
    %swap3A_732 = vector.shape_cast %swap3A_731 : vector<1x16xf32> to vector<16xf32>
    %swap3A_733 = vector.shape_cast %broadcast_in_dim3A_727 : vector<16xf32> to vector<1x16xf32>
    tpu.vector_store %arg15[%swap3A_729, %swap3A_730], %swap3A_733 {strides = array<i32>} : memref<8x128xf32, #tpu.memory_space<vmem>>, vector<1x16xf32>,
    %broadcast_in_dim3A_734 = arith.constant 0.000000e+00 : f32
    %broadcast_in_dim3A_735 = vector.broadcast %broadcast_in_dim3A_734 : f32 to vector<16xf32>
    %swap3A_736 = arith.constant 5 : i32
    %swap3A_737 = arith.index_cast %swap3A_736 : i32 to index
    %swap3A_738 = arith.constant 64 : index
    %swap3A_739 = tpu.vector_load %arg15[%swap3A_737, %swap3A_738] {strides = array<i32>} : memref<8x128xf32, #tpu.memory_space<vmem>>, vector<1x16xf32>,
    %swap3A_740 = vector.shape_cast %swap3A_739 : vector<1x16xf32> to vector<16xf32>
    %swap3A_741 = vector.shape_cast %broadcast_in_dim3A_735 : vector<16xf32> to vector<1x16xf32>
    tpu.vector_store %arg15[%swap3A_737, %swap3A_738], %swap3A_741 {strides = array<i32>} : memref<8x128xf32, #tpu.memory_space<vmem>>, vector<1x16xf32>,
    %broadcast_in_dim3A_742 = arith.constant 0.000000e+00 : f32
    %broadcast_in_dim3A_743 = vector.broadcast %broadcast_in_dim3A_742 : f32 to vector<16xf32>
    %swap3A_744 = arith.constant 5 : i32
    %swap3A_745 = arith.index_cast %swap3A_744 : i32 to index
    %swap3A_746 = arith.constant 80 : index
    %swap3A_747 = tpu.vector_load %arg15[%swap3A_745, %swap3A_746] {strides = array<i32>} : memref<8x128xf32, #tpu.memory_space<vmem>>, vector<1x16xf32>,
    %swap3A_748 = vector.shape_cast %swap3A_747 : vector<1x16xf32> to vector<16xf32>
    %swap3A_749 = vector.shape_cast %broadcast_in_dim3A_743 : vector<16xf32> to vector<1x16xf32>
    tpu.vector_store %arg15[%swap3A_745, %swap3A_746], %swap3A_749 {strides = array<i32>} : memref<8x128xf32, #tpu.memory_space<vmem>>, vector<1x16xf32>,
    %broadcast_in_dim3A_750 = arith.constant 0.000000e+00 : f32
    %broadcast_in_dim3A_751 = vector.broadcast %broadcast_in_dim3A_750 : f32 to vector<16xf32>
    %swap3A_752 = arith.constant 5 : i32
    %swap3A_753 = arith.index_cast %swap3A_752 : i32 to index
    %swap3A_754 = arith.constant 96 : index
    %swap3A_755 = tpu.vector_load %arg15[%swap3A_753, %swap3A_754] {strides = array<i32>} : memref<8x128xf32, #tpu.memory_space<vmem>>, vector<1x16xf32>,
    %swap3A_756 = vector.shape_cast %swap3A_755 : vector<1x16xf32> to vector<16xf32>
    %swap3A_757 = vector.shape_cast %broadcast_in_dim3A_751 : vector<16xf32> to vector<1x16xf32>
    tpu.vector_store %arg15[%swap3A_753, %swap3A_754], %swap3A_757 {strides = array<i32>} : memref<8x128xf32, #tpu.memory_space<vmem>>, vector<1x16xf32>,
    %broadcast_in_dim3A_758 = arith.constant 0.000000e+00 : f32
    %broadcast_in_dim3A_759 = vector.broadcast %broadcast_in_dim3A_758 : f32 to vector<16xf32>
    %swap3A_760 = arith.constant 5 : i32
    %swap3A_761 = arith.index_cast %swap3A_760 : i32 to index
    %swap3A_762 = arith.constant 112 : index
    %swap3A_763 = tpu.vector_load %arg15[%swap3A_761, %swap3A_762] {strides = array<i32>} : memref<8x128xf32, #tpu.memory_space<vmem>>, vector<1x16xf32>,
    %swap3A_764 = vector.shape_cast %swap3A_763 : vector<1x16xf32> to vector<16xf32>
    %swap3A_765 = vector.shape_cast %broadcast_in_dim3A_759 : vector<16xf32> to vector<1x16xf32>
    tpu.vector_store %arg15[%swap3A_761, %swap3A_762], %swap3A_765 {strides = array<i32>} : memref<8x128xf32, #tpu.memory_space<vmem>>, vector<1x16xf32>,
    %broadcast_in_dim3A_766 = arith.constant 0.000000e+00 : f32
    %broadcast_in_dim3A_767 = vector.broadcast %broadcast_in_dim3A_766 : f32 to vector<16xf32>
    %swap3A_768 = arith.constant 6 : i32
    %swap3A_769 = arith.index_cast %swap3A_768 : i32 to index
    %swap3A_770 = arith.constant 0 : index
    %swap3A_771 = tpu.vector_load %arg14[%swap3A_769, %swap3A_770] {strides = array<i32>} : memref<8x128xf32, #tpu.memory_space<vmem>>, vector<1x16xf32>,
    %swap3A_772 = vector.shape_cast %swap3A_771 : vector<1x16xf32> to vector<16xf32>
    %swap3A_773 = vector.shape_cast %broadcast_in_dim3A_767 : vector<16xf32> to vector<1x16xf32>
    tpu.vector_store %arg14[%swap3A_769, %swap3A_770], %swap3A_773 {strides = array<i32>} : memref<8x128xf32, #tpu.memory_space<vmem>>, vector<1x16xf32>,
    %broadcast_in_dim3A_774 = arith.constant 0.000000e+00 : f32
    %broadcast_in_dim3A_775 = vector.broadcast %broadcast_in_dim3A_774 : f32 to vector<16xf32>
    %swap3A_776 = arith.constant 6 : i32
    %swap3A_777 = arith.index_cast %swap3A_776 : i32 to index
    %swap3A_778 = arith.constant 16 : index
    %swap3A_779 = tpu.vector_load %arg14[%swap3A_777, %swap3A_778] {strides = array<i32>} : memref<8x128xf32, #tpu.memory_space<vmem>>, vector<1x16xf32>,
    %swap3A_780 = vector.shape_cast %swap3A_779 : vector<1x16xf32> to vector<16xf32>
    %swap3A_781 = vector.shape_cast %broadcast_in_dim3A_775 : vector<16xf32> to vector<1x16xf32>
    tpu.vector_store %arg14[%swap3A_777, %swap3A_778], %swap3A_781 {strides = array<i32>} : memref<8x128xf32, #tpu.memory_space<vmem>>, vector<1x16xf32>,
    %broadcast_in_dim3A_782 = arith.constant 0.000000e+00 : f32
    %broadcast_in_dim3A_783 = vector.broadcast %broadcast_in_dim3A_782 : f32 to vector<16xf32>
    %swap3A_784 = arith.constant 6 : i32
    %swap3A_785 = arith.index_cast %swap3A_784 : i32 to index
    %swap3A_786 = arith.constant 32 : index
    %swap3A_787 = tpu.vector_load %arg14[%swap3A_785, %swap3A_786] {strides = array<i32>} : memref<8x128xf32, #tpu.memory_space<vmem>>, vector<1x16xf32>,
    %swap3A_788 = vector.shape_cast %swap3A_787 : vector<1x16xf32> to vector<16xf32>
    %swap3A_789 = vector.shape_cast %broadcast_in_dim3A_783 : vector<16xf32> to vector<1x16xf32>
    tpu.vector_store %arg14[%swap3A_785, %swap3A_786], %swap3A_789 {strides = array<i32>} : memref<8x128xf32, #tpu.memory_space<vmem>>, vector<1x16xf32>,
    %broadcast_in_dim3A_790 = arith.constant 0.000000e+00 : f32
    %broadcast_in_dim3A_791 = vector.broadcast %broadcast_in_dim3A_790 : f32 to vector<16xf32>
    %swap3A_792 = arith.constant 6 : i32
    %swap3A_793 = arith.index_cast %swap3A_792 : i32 to index
    %swap3A_794 = arith.constant 48 : index
    %swap3A_795 = tpu.vector_load %arg14[%swap3A_793, %swap3A_794] {strides = array<i32>} : memref<8x128xf32, #tpu.memory_space<vmem>>, vector<1x16xf32>,
    %swap3A_796 = vector.shape_cast %swap3A_795 : vector<1x16xf32> to vector<16xf32>
    %swap3A_797 = vector.shape_cast %broadcast_in_dim3A_791 : vector<16xf32> to vector<1x16xf32>
    tpu.vector_store %arg14[%swap3A_793, %swap3A_794], %swap3A_797 {strides = array<i32>} : memref<8x128xf32, #tpu.memory_space<vmem>>, vector<1x16xf32>,
    %broadcast_in_dim3A_798 = arith.constant 0.000000e+00 : f32
    %broadcast_in_dim3A_799 = vector.broadcast %broadcast_in_dim3A_798 : f32 to vector<16xf32>
    %swap3A_800 = arith.constant 6 : i32
    %swap3A_801 = arith.index_cast %swap3A_800 : i32 to index
    %swap3A_802 = arith.constant 64 : index
    %swap3A_803 = tpu.vector_load %arg14[%swap3A_801, %swap3A_802] {strides = array<i32>} : memref<8x128xf32, #tpu.memory_space<vmem>>, vector<1x16xf32>,
    %swap3A_804 = vector.shape_cast %swap3A_803 : vector<1x16xf32> to vector<16xf32>
    %swap3A_805 = vector.shape_cast %broadcast_in_dim3A_799 : vector<16xf32> to vector<1x16xf32>
    tpu.vector_store %arg14[%swap3A_801, %swap3A_802], %swap3A_805 {strides = array<i32>} : memref<8x128xf32, #tpu.memory_space<vmem>>, vector<1x16xf32>,
    %broadcast_in_dim3A_806 = arith.constant 0.000000e+00 : f32
    %broadcast_in_dim3A_807 = vector.broadcast %broadcast_in_dim3A_806 : f32 to vector<16xf32>
    %swap3A_808 = arith.constant 6 : i32
    %swap3A_809 = arith.index_cast %swap3A_808 : i32 to index
    %swap3A_810 = arith.constant 80 : index
    %swap3A_811 = tpu.vector_load %arg14[%swap3A_809, %swap3A_810] {strides = array<i32>} : memref<8x128xf32, #tpu.memory_space<vmem>>, vector<1x16xf32>,
    %swap3A_812 = vector.shape_cast %swap3A_811 : vector<1x16xf32> to vector<16xf32>
    %swap3A_813 = vector.shape_cast %broadcast_in_dim3A_807 : vector<16xf32> to vector<1x16xf32>
    tpu.vector_store %arg14[%swap3A_809, %swap3A_810], %swap3A_813 {strides = array<i32>} : memref<8x128xf32, #tpu.memory_space<vmem>>, vector<1x16xf32>,
    %broadcast_in_dim3A_814 = arith.constant 0.000000e+00 : f32
    %broadcast_in_dim3A_815 = vector.broadcast %broadcast_in_dim3A_814 : f32 to vector<16xf32>
    %swap3A_816 = arith.constant 6 : i32
    %swap3A_817 = arith.index_cast %swap3A_816 : i32 to index
    %swap3A_818 = arith.constant 96 : index
    %swap3A_819 = tpu.vector_load %arg14[%swap3A_817, %swap3A_818] {strides = array<i32>} : memref<8x128xf32, #tpu.memory_space<vmem>>, vector<1x16xf32>,
    %swap3A_820 = vector.shape_cast %swap3A_819 : vector<1x16xf32> to vector<16xf32>
    %swap3A_821 = vector.shape_cast %broadcast_in_dim3A_815 : vector<16xf32> to vector<1x16xf32>
    tpu.vector_store %arg14[%swap3A_817, %swap3A_818], %swap3A_821 {strides = array<i32>} : memref<8x128xf32, #tpu.memory_space<vmem>>, vector<1x16xf32>,
    %broadcast_in_dim3A_822 = arith.constant 0.000000e+00 : f32
    %broadcast_in_dim3A_823 = vector.broadcast %broadcast_in_dim3A_822 : f32 to vector<16xf32>
    %swap3A_824 = arith.constant 6 : i32
    %swap3A_825 = arith.index_cast %swap3A_824 : i32 to index
    %swap3A_826 = arith.constant 112 : index
    %swap3A_827 = tpu.vector_load %arg14[%swap3A_825, %swap3A_826] {strides = array<i32>} : memref<8x128xf32, #tpu.memory_space<vmem>>, vector<1x16xf32>,
    %swap3A_828 = vector.shape_cast %swap3A_827 : vector<1x16xf32> to vector<16xf32>
    %swap3A_829 = vector.shape_cast %broadcast_in_dim3A_823 : vector<16xf32> to vector<1x16xf32>
    tpu.vector_store %arg14[%swap3A_825, %swap3A_826], %swap3A_829 {strides = array<i32>} : memref<8x128xf32, #tpu.memory_space<vmem>>, vector<1x16xf32>,
    %broadcast_in_dim3A_830 = arith.constant 0.000000e+00 : f32
    %broadcast_in_dim3A_831 = vector.broadcast %broadcast_in_dim3A_830 : f32 to vector<16xf32>
    %swap3A_832 = arith.constant 6 : i32
    %swap3A_833 = arith.index_cast %swap3A_832 : i32 to index
    %swap3A_834 = arith.constant 0 : index
    %swap3A_835 = tpu.vector_load %arg15[%swap3A_833, %swap3A_834] {strides = array<i32>} : memref<8x128xf32, #tpu.memory_space<vmem>>, vector<1x16xf32>,
    %swap3A_836 = vector.shape_cast %swap3A_835 : vector<1x16xf32> to vector<16xf32>
    %swap3A_837 = vector.shape_cast %broadcast_in_dim3A_831 : vector<16xf32> to vector<1x16xf32>
    tpu.vector_store %arg15[%swap3A_833, %swap3A_834], %swap3A_837 {strides = array<i32>} : memref<8x128xf32, #tpu.memory_space<vmem>>, vector<1x16xf32>,
    %broadcast_in_dim3A_838 = arith.constant 0.000000e+00 : f32
    %broadcast_in_dim3A_839 = vector.broadcast %broadcast_in_dim3A_838 : f32 to vector<16xf32>
    %swap3A_840 = arith.constant 6 : i32
    %swap3A_841 = arith.index_cast %swap3A_840 : i32 to index
    %swap3A_842 = arith.constant 16 : index
    %swap3A_843 = tpu.vector_load %arg15[%swap3A_841, %swap3A_842] {strides = array<i32>} : memref<8x128xf32, #tpu.memory_space<vmem>>, vector<1x16xf32>,
    %swap3A_844 = vector.shape_cast %swap3A_843 : vector<1x16xf32> to vector<16xf32>
    %swap3A_845 = vector.shape_cast %broadcast_in_dim3A_839 : vector<16xf32> to vector<1x16xf32>
    tpu.vector_store %arg15[%swap3A_841, %swap3A_842], %swap3A_845 {strides = array<i32>} : memref<8x128xf32, #tpu.memory_space<vmem>>, vector<1x16xf32>,
    %broadcast_in_dim3A_846 = arith.constant 0.000000e+00 : f32
    %broadcast_in_dim3A_847 = vector.broadcast %broadcast_in_dim3A_846 : f32 to vector<16xf32>
    %swap3A_848 = arith.constant 6 : i32
    %swap3A_849 = arith.index_cast %swap3A_848 : i32 to index
    %swap3A_850 = arith.constant 32 : index
    %swap3A_851 = tpu.vector_load %arg15[%swap3A_849, %swap3A_850] {strides = array<i32>} : memref<8x128xf32, #tpu.memory_space<vmem>>, vector<1x16xf32>,
    %swap3A_852 = vector.shape_cast %swap3A_851 : vector<1x16xf32> to vector<16xf32>
    %swap3A_853 = vector.shape_cast %broadcast_in_dim3A_847 : vector<16xf32> to vector<1x16xf32>
    tpu.vector_store %arg15[%swap3A_849, %swap3A_850], %swap3A_853 {strides = array<i32>} : memref<8x128xf32, #tpu.memory_space<vmem>>, vector<1x16xf32>,
    %broadcast_in_dim3A_854 = arith.constant 0.000000e+00 : f32
    %broadcast_in_dim3A_855 = vector.broadcast %broadcast_in_dim3A_854 : f32 to vector<16xf32>
    %swap3A_856 = arith.constant 6 : i32
    %swap3A_857 = arith.index_cast %swap3A_856 : i32 to index
    %swap3A_858 = arith.constant 48 : index
    %swap3A_859 = tpu.vector_load %arg15[%swap3A_857, %swap3A_858] {strides = array<i32>} : memref<8x128xf32, #tpu.memory_space<vmem>>, vector<1x16xf32>,
    %swap3A_860 = vector.shape_cast %swap3A_859 : vector<1x16xf32> to vector<16xf32>
    %swap3A_861 = vector.shape_cast %broadcast_in_dim3A_855 : vector<16xf32> to vector<1x16xf32>
    tpu.vector_store %arg15[%swap3A_857, %swap3A_858], %swap3A_861 {strides = array<i32>} : memref<8x128xf32, #tpu.memory_space<vmem>>, vector<1x16xf32>,
    %broadcast_in_dim3A_862 = arith.constant 0.000000e+00 : f32
    %broadcast_in_dim3A_863 = vector.broadcast %broadcast_in_dim3A_862 : f32 to vector<16xf32>
    %swap3A_864 = arith.constant 6 : i32
    %swap3A_865 = arith.index_cast %swap3A_864 : i32 to index
    %swap3A_866 = arith.constant 64 : index
    %swap3A_867 = tpu.vector_load %arg15[%swap3A_865, %swap3A_866] {strides = array<i32>} : memref<8x128xf32, #tpu.memory_space<vmem>>, vector<1x16xf32>,
    %swap3A_868 = vector.shape_cast %swap3A_867 : vector<1x16xf32> to vector<16xf32>
    %swap3A_869 = vector.shape_cast %broadcast_in_dim3A_863 : vector<16xf32> to vector<1x16xf32>
    tpu.vector_store %arg15[%swap3A_865, %swap3A_866], %swap3A_869 {strides = array<i32>} : memref<8x128xf32, #tpu.memory_space<vmem>>, vector<1x16xf32>,
    %broadcast_in_dim3A_870 = arith.constant 0.000000e+00 : f32
    %broadcast_in_dim3A_871 = vector.broadcast %broadcast_in_dim3A_870 : f32 to vector<16xf32>
    %swap3A_872 = arith.constant 6 : i32
    %swap3A_873 = arith.index_cast %swap3A_872 : i32 to index
    %swap3A_874 = arith.constant 80 : index
    %swap3A_875 = tpu.vector_load %arg15[%swap3A_873, %swap3A_874] {strides = array<i32>} : memref<8x128xf32, #tpu.memory_space<vmem>>, vector<1x16xf32>,
    %swap3A_876 = vector.shape_cast %swap3A_875 : vector<1x16xf32> to vector<16xf32>
    %swap3A_877 = vector.shape_cast %broadcast_in_dim3A_871 : vector<16xf32> to vector<1x16xf32>
    tpu.vector_store %arg15[%swap3A_873, %swap3A_874], %swap3A_877 {strides = array<i32>} : memref<8x128xf32, #tpu.memory_space<vmem>>, vector<1x16xf32>,
    %broadcast_in_dim3A_878 = arith.constant 0.000000e+00 : f32
    %broadcast_in_dim3A_879 = vector.broadcast %broadcast_in_dim3A_878 : f32 to vector<16xf32>
    %swap3A_880 = arith.constant 6 : i32
    %swap3A_881 = arith.index_cast %swap3A_880 : i32 to index
    %swap3A_882 = arith.constant 96 : index
    %swap3A_883 = tpu.vector_load %arg15[%swap3A_881, %swap3A_882] {strides = array<i32>} : memref<8x128xf32, #tpu.memory_space<vmem>>, vector<1x16xf32>,
    %swap3A_884 = vector.shape_cast %swap3A_883 : vector<1x16xf32> to vector<16xf32>
    %swap3A_885 = vector.shape_cast %broadcast_in_dim3A_879 : vector<16xf32> to vector<1x16xf32>
    tpu.vector_store %arg15[%swap3A_881, %swap3A_882], %swap3A_885 {strides = array<i32>} : memref<8x128xf32, #tpu.memory_space<vmem>>, vector<1x16xf32>,
    %broadcast_in_dim3A_886 = arith.constant 0.000000e+00 : f32
    %broadcast_in_dim3A_887 = vector.broadcast %broadcast_in_dim3A_886 : f32 to vector<16xf32>
    %swap3A_888 = arith.constant 6 : i32
    %swap3A_889 = arith.index_cast %swap3A_888 : i32 to index
    %swap3A_890 = arith.constant 112 : index
    %swap3A_891 = tpu.vector_load %arg15[%swap3A_889, %swap3A_890] {strides = array<i32>} : memref<8x128xf32, #tpu.memory_space<vmem>>, vector<1x16xf32>,
    %swap3A_892 = vector.shape_cast %swap3A_891 : vector<1x16xf32> to vector<16xf32>
    %swap3A_893 = vector.shape_cast %broadcast_in_dim3A_887 : vector<16xf32> to vector<1x16xf32>
    tpu.vector_store %arg15[%swap3A_889, %swap3A_890], %swap3A_893 {strides = array<i32>} : memref<8x128xf32, #tpu.memory_space<vmem>>, vector<1x16xf32>,
    %broadcast_in_dim3A_894 = arith.constant 0.000000e+00 : f32
    %broadcast_in_dim3A_895 = vector.broadcast %broadcast_in_dim3A_894 : f32 to vector<16xf32>
    %swap3A_896 = arith.constant 7 : i32
    %swap3A_897 = arith.index_cast %swap3A_896 : i32 to index
    %swap3A_898 = arith.constant 0 : index
    %swap3A_899 = tpu.vector_load %arg14[%swap3A_897, %swap3A_898] {strides = array<i32>} : memref<8x128xf32, #tpu.memory_space<vmem>>, vector<1x16xf32>,
    %swap3A_900 = vector.shape_cast %swap3A_899 : vector<1x16xf32> to vector<16xf32>
    %swap3A_901 = vector.shape_cast %broadcast_in_dim3A_895 : vector<16xf32> to vector<1x16xf32>
    tpu.vector_store %arg14[%swap3A_897, %swap3A_898], %swap3A_901 {strides = array<i32>} : memref<8x128xf32, #tpu.memory_space<vmem>>, vector<1x16xf32>,
    %broadcast_in_dim3A_902 = arith.constant 0.000000e+00 : f32
    %broadcast_in_dim3A_903 = vector.broadcast %broadcast_in_dim3A_902 : f32 to vector<16xf32>
    %swap3A_904 = arith.constant 7 : i32
    %swap3A_905 = arith.index_cast %swap3A_904 : i32 to index
    %swap3A_906 = arith.constant 16 : index
    %swap3A_907 = tpu.vector_load %arg14[%swap3A_905, %swap3A_906] {strides = array<i32>} : memref<8x128xf32, #tpu.memory_space<vmem>>, vector<1x16xf32>,
    %swap3A_908 = vector.shape_cast %swap3A_907 : vector<1x16xf32> to vector<16xf32>
    %swap3A_909 = vector.shape_cast %broadcast_in_dim3A_903 : vector<16xf32> to vector<1x16xf32>
    tpu.vector_store %arg14[%swap3A_905, %swap3A_906], %swap3A_909 {strides = array<i32>} : memref<8x128xf32, #tpu.memory_space<vmem>>, vector<1x16xf32>,
    %broadcast_in_dim3A_910 = arith.constant 0.000000e+00 : f32
    %broadcast_in_dim3A_911 = vector.broadcast %broadcast_in_dim3A_910 : f32 to vector<16xf32>
    %swap3A_912 = arith.constant 7 : i32
    %swap3A_913 = arith.index_cast %swap3A_912 : i32 to index
    %swap3A_914 = arith.constant 32 : index
    %swap3A_915 = tpu.vector_load %arg14[%swap3A_913, %swap3A_914] {strides = array<i32>} : memref<8x128xf32, #tpu.memory_space<vmem>>, vector<1x16xf32>,
    %swap3A_916 = vector.shape_cast %swap3A_915 : vector<1x16xf32> to vector<16xf32>
    %swap3A_917 = vector.shape_cast %broadcast_in_dim3A_911 : vector<16xf32> to vector<1x16xf32>
    tpu.vector_store %arg14[%swap3A_913, %swap3A_914], %swap3A_917 {strides = array<i32>} : memref<8x128xf32, #tpu.memory_space<vmem>>, vector<1x16xf32>,
    %broadcast_in_dim3A_918 = arith.constant 0.000000e+00 : f32
    %broadcast_in_dim3A_919 = vector.broadcast %broadcast_in_dim3A_918 : f32 to vector<16xf32>
    %swap3A_920 = arith.constant 7 : i32
    %swap3A_921 = arith.index_cast %swap3A_920 : i32 to index
    %swap3A_922 = arith.constant 48 : index
    %swap3A_923 = tpu.vector_load %arg14[%swap3A_921, %swap3A_922] {strides = array<i32>} : memref<8x128xf32, #tpu.memory_space<vmem>>, vector<1x16xf32>,
    %swap3A_924 = vector.shape_cast %swap3A_923 : vector<1x16xf32> to vector<16xf32>
    %swap3A_925 = vector.shape_cast %broadcast_in_dim3A_919 : vector<16xf32> to vector<1x16xf32>
    tpu.vector_store %arg14[%swap3A_921, %swap3A_922], %swap3A_925 {strides = array<i32>} : memref<8x128xf32, #tpu.memory_space<vmem>>, vector<1x16xf32>,
    %broadcast_in_dim3A_926 = arith.constant 0.000000e+00 : f32
    %broadcast_in_dim3A_927 = vector.broadcast %broadcast_in_dim3A_926 : f32 to vector<16xf32>
    %swap3A_928 = arith.constant 7 : i32
    %swap3A_929 = arith.index_cast %swap3A_928 : i32 to index
    %swap3A_930 = arith.constant 64 : index
    %swap3A_931 = tpu.vector_load %arg14[%swap3A_929, %swap3A_930] {strides = array<i32>} : memref<8x128xf32, #tpu.memory_space<vmem>>, vector<1x16xf32>,
    %swap3A_932 = vector.shape_cast %swap3A_931 : vector<1x16xf32> to vector<16xf32>
    %swap3A_933 = vector.shape_cast %broadcast_in_dim3A_927 : vector<16xf32> to vector<1x16xf32>
    tpu.vector_store %arg14[%swap3A_929, %swap3A_930], %swap3A_933 {strides = array<i32>} : memref<8x128xf32, #tpu.memory_space<vmem>>, vector<1x16xf32>,
    %broadcast_in_dim3A_934 = arith.constant 0.000000e+00 : f32
    %broadcast_in_dim3A_935 = vector.broadcast %broadcast_in_dim3A_934 : f32 to vector<16xf32>
    %swap3A_936 = arith.constant 7 : i32
    %swap3A_937 = arith.index_cast %swap3A_936 : i32 to index
    %swap3A_938 = arith.constant 80 : index
    %swap3A_939 = tpu.vector_load %arg14[%swap3A_937, %swap3A_938] {strides = array<i32>} : memref<8x128xf32, #tpu.memory_space<vmem>>, vector<1x16xf32>,
    %swap3A_940 = vector.shape_cast %swap3A_939 : vector<1x16xf32> to vector<16xf32>
    %swap3A_941 = vector.shape_cast %broadcast_in_dim3A_935 : vector<16xf32> to vector<1x16xf32>
    tpu.vector_store %arg14[%swap3A_937, %swap3A_938], %swap3A_941 {strides = array<i32>} : memref<8x128xf32, #tpu.memory_space<vmem>>, vector<1x16xf32>,
    %broadcast_in_dim3A_942 = arith.constant 0.000000e+00 : f32
    %broadcast_in_dim3A_943 = vector.broadcast %broadcast_in_dim3A_942 : f32 to vector<16xf32>
    %swap3A_944 = arith.constant 7 : i32
    %swap3A_945 = arith.index_cast %swap3A_944 : i32 to index
    %swap3A_946 = arith.constant 96 : index
    %swap3A_947 = tpu.vector_load %arg14[%swap3A_945, %swap3A_946] {strides = array<i32>} : memref<8x128xf32, #tpu.memory_space<vmem>>, vector<1x16xf32>,
    %swap3A_948 = vector.shape_cast %swap3A_947 : vector<1x16xf32> to vector<16xf32>
    %swap3A_949 = vector.shape_cast %broadcast_in_dim3A_943 : vector<16xf32> to vector<1x16xf32>
    tpu.vector_store %arg14[%swap3A_945, %swap3A_946], %swap3A_949 {strides = array<i32>} : memref<8x128xf32, #tpu.memory_space<vmem>>, vector<1x16xf32>,
    %broadcast_in_dim3A_950 = arith.constant 0.000000e+00 : f32
    %broadcast_in_dim3A_951 = vector.broadcast %broadcast_in_dim3A_950 : f32 to vector<16xf32>
    %swap3A_952 = arith.constant 7 : i32
    %swap3A_953 = arith.index_cast %swap3A_952 : i32 to index
    %swap3A_954 = arith.constant 112 : index
    %swap3A_955 = tpu.vector_load %arg14[%swap3A_953, %swap3A_954] {strides = array<i32>} : memref<8x128xf32, #tpu.memory_space<vmem>>, vector<1x16xf32>,
    %swap3A_956 = vector.shape_cast %swap3A_955 : vector<1x16xf32> to vector<16xf32>
    %swap3A_957 = vector.shape_cast %broadcast_in_dim3A_951 : vector<16xf32> to vector<1x16xf32>
    tpu.vector_store %arg14[%swap3A_953, %swap3A_954], %swap3A_957 {strides = array<i32>} : memref<8x128xf32, #tpu.memory_space<vmem>>, vector<1x16xf32>,
    %broadcast_in_dim3A_958 = arith.constant 0.000000e+00 : f32
    %broadcast_in_dim3A_959 = vector.broadcast %broadcast_in_dim3A_958 : f32 to vector<16xf32>
    %swap3A_960 = arith.constant 7 : i32
    %swap3A_961 = arith.index_cast %swap3A_960 : i32 to index
    %swap3A_962 = arith.constant 0 : index
    %swap3A_963 = tpu.vector_load %arg15[%swap3A_961, %swap3A_962] {strides = array<i32>} : memref<8x128xf32, #tpu.memory_space<vmem>>, vector<1x16xf32>,
    %swap3A_964 = vector.shape_cast %swap3A_963 : vector<1x16xf32> to vector<16xf32>
    %swap3A_965 = vector.shape_cast %broadcast_in_dim3A_959 : vector<16xf32> to vector<1x16xf32>
    tpu.vector_store %arg15[%swap3A_961, %swap3A_962], %swap3A_965 {strides = array<i32>} : memref<8x128xf32, #tpu.memory_space<vmem>>, vector<1x16xf32>,
    %broadcast_in_dim3A_966 = arith.constant 0.000000e+00 : f32
    %broadcast_in_dim3A_967 = vector.broadcast %broadcast_in_dim3A_966 : f32 to vector<16xf32>
    %swap3A_968 = arith.constant 7 : i32
    %swap3A_969 = arith.index_cast %swap3A_968 : i32 to index
    %swap3A_970 = arith.constant 16 : index
    %swap3A_971 = tpu.vector_load %arg15[%swap3A_969, %swap3A_970] {strides = array<i32>} : memref<8x128xf32, #tpu.memory_space<vmem>>, vector<1x16xf32>,
    %swap3A_972 = vector.shape_cast %swap3A_971 : vector<1x16xf32> to vector<16xf32>
    %swap3A_973 = vector.shape_cast %broadcast_in_dim3A_967 : vector<16xf32> to vector<1x16xf32>
    tpu.vector_store %arg15[%swap3A_969, %swap3A_970], %swap3A_973 {strides = array<i32>} : memref<8x128xf32, #tpu.memory_space<vmem>>, vector<1x16xf32>,
    %broadcast_in_dim3A_974 = arith.constant 0.000000e+00 : f32
    %broadcast_in_dim3A_975 = vector.broadcast %broadcast_in_dim3A_974 : f32 to vector<16xf32>
    %swap3A_976 = arith.constant 7 : i32
    %swap3A_977 = arith.index_cast %swap3A_976 : i32 to index
    %swap3A_978 = arith.constant 32 : index
    %swap3A_979 = tpu.vector_load %arg15[%swap3A_977, %swap3A_978] {strides = array<i32>} : memref<8x128xf32, #tpu.memory_space<vmem>>, vector<1x16xf32>,
    %swap3A_980 = vector.shape_cast %swap3A_979 : vector<1x16xf32> to vector<16xf32>
    %swap3A_981 = vector.shape_cast %broadcast_in_dim3A_975 : vector<16xf32> to vector<1x16xf32>
    tpu.vector_store %arg15[%swap3A_977, %swap3A_978], %swap3A_981 {strides = array<i32>} : memref<8x128xf32, #tpu.memory_space<vmem>>, vector<1x16xf32>,
    %broadcast_in_dim3A_982 = arith.constant 0.000000e+00 : f32
    %broadcast_in_dim3A_983 = vector.broadcast %broadcast_in_dim3A_982 : f32 to vector<16xf32>
    %swap3A_984 = arith.constant 7 : i32
    %swap3A_985 = arith.index_cast %swap3A_984 : i32 to index
    %swap3A_986 = arith.constant 48 : index
    %swap3A_987 = tpu.vector_load %arg15[%swap3A_985, %swap3A_986] {strides = array<i32>} : memref<8x128xf32, #tpu.memory_space<vmem>>, vector<1x16xf32>,
    %swap3A_988 = vector.shape_cast %swap3A_987 : vector<1x16xf32> to vector<16xf32>
    %swap3A_989 = vector.shape_cast %broadcast_in_dim3A_983 : vector<16xf32> to vector<1x16xf32>
    tpu.vector_store %arg15[%swap3A_985, %swap3A_986], %swap3A_989 {strides = array<i32>} : memref<8x128xf32, #tpu.memory_space<vmem>>, vector<1x16xf32>,
    %broadcast_in_dim3A_990 = arith.constant 0.000000e+00 : f32
    %broadcast_in_dim3A_991 = vector.broadcast %broadcast_in_dim3A_990 : f32 to vector<16xf32>
    %swap3A_992 = arith.constant 7 : i32
    %swap3A_993 = arith.index_cast %swap3A_992 : i32 to index
    %swap3A_994 = arith.constant 64 : index
    %swap3A_995 = tpu.vector_load %arg15[%swap3A_993, %swap3A_994] {strides = array<i32>} : memref<8x128xf32, #tpu.memory_space<vmem>>, vector<1x16xf32>,
    %swap3A_996 = vector.shape_cast %swap3A_995 : vector<1x16xf32> to vector<16xf32>
    %swap3A_997 = vector.shape_cast %broadcast_in_dim3A_991 : vector<16xf32> to vector<1x16xf32>
    tpu.vector_store %arg15[%swap3A_993, %swap3A_994], %swap3A_997 {strides = array<i32>} : memref<8x128xf32, #tpu.memory_space<vmem>>, vector<1x16xf32>,
    %broadcast_in_dim3A_998 = arith.constant 0.000000e+00 : f32
    %broadcast_in_dim3A_999 = vector.broadcast %broadcast_in_dim3A_998 : f32 to vector<16xf32>
    %swap3A_1000 = arith.constant 7 : i32
    %swap3A_1001 = arith.index_cast %swap3A_1000 : i32 to index
    %swap3A_1002 = arith.constant 80 : index
    %swap3A_1003 = tpu.vector_load %arg15[%swap3A_1001, %swap3A_1002] {strides = array<i32>} : memref<8x128xf32, #tpu.memory_space<vmem>>, vector<1x16xf32>,
    %swap3A_1004 = vector.shape_cast %swap3A_1003 : vector<1x16xf32> to vector<16xf32>
    %swap3A_1005 = vector.shape_cast %broadcast_in_dim3A_999 : vector<16xf32> to vector<1x16xf32>
    tpu.vector_store %arg15[%swap3A_1001, %swap3A_1002], %swap3A_1005 {strides = array<i32>} : memref<8x128xf32, #tpu.memory_space<vmem>>, vector<1x16xf32>,
    %broadcast_in_dim3A_1006 = arith.constant 0.000000e+00 : f32
    %broadcast_in_dim3A_1007 = vector.broadcast %broadcast_in_dim3A_1006 : f32 to vector<16xf32>
    %swap3A_1008 = arith.constant 7 : i32
    %swap3A_1009 = arith.index_cast %swap3A_1008 : i32 to index
    %swap3A_1010 = arith.constant 96 : index
    %swap3A_1011 = tpu.vector_load %arg15[%swap3A_1009, %swap3A_1010] {strides = array<i32>} : memref<8x128xf32, #tpu.memory_space<vmem>>, vector<1x16xf32>,
    %swap3A_1012 = vector.shape_cast %swap3A_1011 : vector<1x16xf32> to vector<16xf32>
    %swap3A_1013 = vector.shape_cast %broadcast_in_dim3A_1007 : vector<16xf32> to vector<1x16xf32>
    tpu.vector_store %arg15[%swap3A_1009, %swap3A_1010], %swap3A_1013 {strides = array<i32>} : memref<8x128xf32, #tpu.memory_space<vmem>>, vector<1x16xf32>,
    %broadcast_in_dim3A_1014 = arith.constant 0.000000e+00 : f32
    %broadcast_in_dim3A_1015 = vector.broadcast %broadcast_in_dim3A_1014 : f32 to vector<16xf32>
    %swap3A_1016 = arith.constant 7 : i32
    %swap3A_1017 = arith.index_cast %swap3A_1016 : i32 to index
    %swap3A_1018 = arith.constant 112 : index
    %swap3A_1019 = tpu.vector_load %arg15[%swap3A_1017, %swap3A_1018] {strides = array<i32>} : memref<8x128xf32, #tpu.memory_space<vmem>>, vector<1x16xf32>,
    %swap3A_1020 = vector.shape_cast %swap3A_1019 : vector<1x16xf32> to vector<16xf32>
    %swap3A_1021 = vector.shape_cast %broadcast_in_dim3A_1015 : vector<16xf32> to vector<1x16xf32>
    tpu.vector_store %arg15[%swap3A_1017, %swap3A_1018], %swap3A_1021 {strides = array<i32>} : memref<8x128xf32, #tpu.memory_space<vmem>>, vector<1x16xf32>,
    %scan3A = arith.constant 0 : i32
    %scan3A_1022 = arith.constant 0 : i32
    %scan3A_1023 = arith.constant 80 : i32
    %scan3A_1024 = arith.addi %scan3A_1022, %scan3A_1023 : i32
    %scan3A_1025 = arith.constant 1 : i32
    scf.for %scan3A_1077 = %scan3A_1022 to %scan3A_1024 step %scan3A_1025  : i32 {
      %broadcast_in_dim3A_1078 = arith.constant 1.000000e+00 : f32
      %broadcast_in_dim3A_1079 = vector.broadcast %broadcast_in_dim3A_1078 : f32 to vector<16xf32>
      %swap3A_1080 = arith.index_cast %scan3A_1077 : i32 to index
      %swap3A_1081 = arith.constant 0 : index
      %swap3A_1082 = tpu.vector_load %arg13[%swap3A_1080, %swap3A_1081] {strides = array<i32>} : memref<80x128xf32, #tpu.memory_space<vmem>>, vector<1x16xf32>,
      %swap3A_1083 = vector.shape_cast %swap3A_1082 : vector<1x16xf32> to vector<16xf32>
      %swap3A_1084 = vector.shape_cast %broadcast_in_dim3A_1079 : vector<16xf32> to vector<1x16xf32>
      tpu.vector_store %arg13[%swap3A_1080, %swap3A_1081], %swap3A_1084 {strides = array<i32>} : memref<80x128xf32, #tpu.memory_space<vmem>>, vector<1x16xf32>,
      %broadcast_in_dim3A_1085 = arith.constant 1.000000e+00 : f32
      %broadcast_in_dim3A_1086 = vector.broadcast %broadcast_in_dim3A_1085 : f32 to vector<16xf32>
      %swap3A_1087 = arith.index_cast %scan3A_1077 : i32 to index
      %swap3A_1088 = arith.constant 16 : index
      %swap3A_1089 = tpu.vector_load %arg13[%swap3A_1087, %swap3A_1088] {strides = array<i32>} : memref<80x128xf32, #tpu.memory_space<vmem>>, vector<1x16xf32>,
      %swap3A_1090 = vector.shape_cast %swap3A_1089 : vector<1x16xf32> to vector<16xf32>
      %swap3A_1091 = vector.shape_cast %broadcast_in_dim3A_1086 : vector<16xf32> to vector<1x16xf32>
      tpu.vector_store %arg13[%swap3A_1087, %swap3A_1088], %swap3A_1091 {strides = array<i32>} : memref<80x128xf32, #tpu.memory_space<vmem>>, vector<1x16xf32>,
      %broadcast_in_dim3A_1092 = arith.constant 1.000000e+00 : f32
      %broadcast_in_dim3A_1093 = vector.broadcast %broadcast_in_dim3A_1092 : f32 to vector<16xf32>
      %swap3A_1094 = arith.index_cast %scan3A_1077 : i32 to index
      %swap3A_1095 = arith.constant 32 : index
      %swap3A_1096 = tpu.vector_load %arg13[%swap3A_1094, %swap3A_1095] {strides = array<i32>} : memref<80x128xf32, #tpu.memory_space<vmem>>, vector<1x16xf32>,
      %swap3A_1097 = vector.shape_cast %swap3A_1096 : vector<1x16xf32> to vector<16xf32>
      %swap3A_1098 = vector.shape_cast %broadcast_in_dim3A_1093 : vector<16xf32> to vector<1x16xf32>
      tpu.vector_store %arg13[%swap3A_1094, %swap3A_1095], %swap3A_1098 {strides = array<i32>} : memref<80x128xf32, #tpu.memory_space<vmem>>, vector<1x16xf32>,
      %broadcast_in_dim3A_1099 = arith.constant 1.000000e+00 : f32
      %broadcast_in_dim3A_1100 = vector.broadcast %broadcast_in_dim3A_1099 : f32 to vector<16xf32>
      %swap3A_1101 = arith.index_cast %scan3A_1077 : i32 to index
      %swap3A_1102 = arith.constant 48 : index
      %swap3A_1103 = tpu.vector_load %arg13[%swap3A_1101, %swap3A_1102] {strides = array<i32>} : memref<80x128xf32, #tpu.memory_space<vmem>>, vector<1x16xf32>,
      %swap3A_1104 = vector.shape_cast %swap3A_1103 : vector<1x16xf32> to vector<16xf32>
      %swap3A_1105 = vector.shape_cast %broadcast_in_dim3A_1100 : vector<16xf32> to vector<1x16xf32>
      tpu.vector_store %arg13[%swap3A_1101, %swap3A_1102], %swap3A_1105 {strides = array<i32>} : memref<80x128xf32, #tpu.memory_space<vmem>>, vector<1x16xf32>,
      %broadcast_in_dim3A_1106 = arith.constant 1.000000e+00 : f32
      %broadcast_in_dim3A_1107 = vector.broadcast %broadcast_in_dim3A_1106 : f32 to vector<16xf32>
      %swap3A_1108 = arith.index_cast %scan3A_1077 : i32 to index
      %swap3A_1109 = arith.constant 64 : index
      %swap3A_1110 = tpu.vector_load %arg13[%swap3A_1108, %swap3A_1109] {strides = array<i32>} : memref<80x128xf32, #tpu.memory_space<vmem>>, vector<1x16xf32>,
      %swap3A_1111 = vector.shape_cast %swap3A_1110 : vector<1x16xf32> to vector<16xf32>
      %swap3A_1112 = vector.shape_cast %broadcast_in_dim3A_1107 : vector<16xf32> to vector<1x16xf32>
      tpu.vector_store %arg13[%swap3A_1108, %swap3A_1109], %swap3A_1112 {strides = array<i32>} : memref<80x128xf32, #tpu.memory_space<vmem>>, vector<1x16xf32>,
      %broadcast_in_dim3A_1113 = arith.constant 1.000000e+00 : f32
      %broadcast_in_dim3A_1114 = vector.broadcast %broadcast_in_dim3A_1113 : f32 to vector<16xf32>
      %swap3A_1115 = arith.index_cast %scan3A_1077 : i32 to index
      %swap3A_1116 = arith.constant 80 : index
      %swap3A_1117 = tpu.vector_load %arg13[%swap3A_1115, %swap3A_1116] {strides = array<i32>} : memref<80x128xf32, #tpu.memory_space<vmem>>, vector<1x16xf32>,
      %swap3A_1118 = vector.shape_cast %swap3A_1117 : vector<1x16xf32> to vector<16xf32>
      %swap3A_1119 = vector.shape_cast %broadcast_in_dim3A_1114 : vector<16xf32> to vector<1x16xf32>
      tpu.vector_store %arg13[%swap3A_1115, %swap3A_1116], %swap3A_1119 {strides = array<i32>} : memref<80x128xf32, #tpu.memory_space<vmem>>, vector<1x16xf32>,
      %broadcast_in_dim3A_1120 = arith.constant 1.000000e+00 : f32
      %broadcast_in_dim3A_1121 = vector.broadcast %broadcast_in_dim3A_1120 : f32 to vector<16xf32>
      %swap3A_1122 = arith.index_cast %scan3A_1077 : i32 to index
      %swap3A_1123 = arith.constant 96 : index
      %swap3A_1124 = tpu.vector_load %arg13[%swap3A_1122, %swap3A_1123] {strides = array<i32>} : memref<80x128xf32, #tpu.memory_space<vmem>>, vector<1x16xf32>,
      %swap3A_1125 = vector.shape_cast %swap3A_1124 : vector<1x16xf32> to vector<16xf32>
      %swap3A_1126 = vector.shape_cast %broadcast_in_dim3A_1121 : vector<16xf32> to vector<1x16xf32>
      tpu.vector_store %arg13[%swap3A_1122, %swap3A_1123], %swap3A_1126 {strides = array<i32>} : memref<80x128xf32, #tpu.memory_space<vmem>>, vector<1x16xf32>,
      %broadcast_in_dim3A_1127 = arith.constant 1.000000e+00 : f32
      %broadcast_in_dim3A_1128 = vector.broadcast %broadcast_in_dim3A_1127 : f32 to vector<16xf32>
      %swap3A_1129 = arith.index_cast %scan3A_1077 : i32 to index
      %swap3A_1130 = arith.constant 112 : index
      %swap3A_1131 = tpu.vector_load %arg13[%swap3A_1129, %swap3A_1130] {strides = array<i32>} : memref<80x128xf32, #tpu.memory_space<vmem>>, vector<1x16xf32>,
      %swap3A_1132 = vector.shape_cast %swap3A_1131 : vector<1x16xf32> to vector<16xf32>
      %swap3A_1133 = vector.shape_cast %broadcast_in_dim3A_1128 : vector<16xf32> to vector<1x16xf32>
      tpu.vector_store %arg13[%swap3A_1129, %swap3A_1130], %swap3A_1133 {strides = array<i32>} : memref<80x128xf32, #tpu.memory_space<vmem>>, vector<1x16xf32>,
    }
    %scan3A_1026 = arith.constant 80 : i32
    %mul3A = arith.constant 328 : i32
    %mul3A_1027 = arith.muli %arg1, %mul3A : i32
    %scan3A_1028 = arith.constant 0 : i32
    %scan3A_1029 = arith.constant 0 : i32
    %scan3A_1030 = arith.constant 41 : i32
    %scan3A_1031 = arith.addi %scan3A_1029, %scan3A_1030 : i32
    %scan3A_1032 = arith.constant 1 : i32
    scf.for %scan3A_1077 = %scan3A_1029 to %scan3A_1031 step %scan3A_1032  : i32 {
      %mul3A_1078 = arith.constant 8 : i32
      %mul3A_1079 = arith.muli %scan3A_1077, %mul3A_1078 : i32
      %add3A_1080 = arith.addi %mul3A_1027, %mul3A_1079 : i32
      "tpu.region"() ({
        %run_scoped3A = tpu.sem_alloc : memref<!tpu.dma_semaphore, #tpu.memory_space<semaphore_mem>>
        %dma_start3A = arith.constant 0 : i32
        %dma_start3A_1084 = tpu.memref_slice %arg17[%add3A_1080, %dma_start3A] : memref<5248x128xf32, #tpu.memory_space<vmem_shared>> -> memref<8x128xf32, #tpu.memory_space<vmem_shared>>
        %dma_start3A_1085 = arith.constant 0 : i32
        %dma_start3A_1086 = tpu.memref_slice %arg17[%add3A_1080, %dma_start3A_1085] : memref<5248x128xf32, #tpu.memory_space<vmem_shared>> -> memref<8x128xf32, #tpu.memory_space<vmem_shared>>
        tpu.enqueue_dma source(%arg14 : memref<8x128xf32, #tpu.memory_space<vmem>>) target(%dma_start3A_1086 : memref<8x128xf32, #tpu.memory_space<vmem_shared>>) target_semaphore(%run_scoped3A : memref<!tpu.dma_semaphore, #tpu.memory_space<semaphore_mem>>)
        %dma_wait3A = arith.constant 0 : i32
        %dma_wait3A_1087 = tpu.memref_slice %arg17[%add3A_1080, %dma_wait3A] : memref<5248x128xf32, #tpu.memory_space<vmem_shared>> -> memref<8x128xf32, #tpu.memory_space<vmem_shared>>
        %dma_wait3A_1088 = arith.constant 0 : i32
        %dma_wait3A_1089 = tpu.memref_slice %arg17[%add3A_1080, %dma_wait3A_1088] : memref<5248x128xf32, #tpu.memory_space<vmem_shared>> -> memref<8x128xf32, #tpu.memory_space<vmem_shared>>
        tpu.wait_dma2 semaphore(%run_scoped3A : memref<!tpu.dma_semaphore, #tpu.memory_space<semaphore_mem>>) src(%arg14 : memref<8x128xf32, #tpu.memory_space<vmem>>) dst(%dma_wait3A_1089 : memref<8x128xf32, #tpu.memory_space<vmem_shared>>)
        tpu.yield
      }) : () -> ()
      %mul3A_1081 = arith.constant 8 : i32
      %mul3A_1082 = arith.muli %scan3A_1077, %mul3A_1081 : i32
      %add3A_1083 = arith.addi %mul3A_1027, %mul3A_1082 : i32
      "tpu.region"() ({
        %run_scoped3A = tpu.sem_alloc : memref<!tpu.dma_semaphore, #tpu.memory_space<semaphore_mem>>
        %dma_start3A = arith.constant 0 : i32
        %dma_start3A_1084 = tpu.memref_slice %arg18[%add3A_1083, %dma_start3A] : memref<5248x128xf32, #tpu.memory_space<vmem_shared>> -> memref<8x128xf32, #tpu.memory_space<vmem_shared>>
        %dma_start3A_1085 = arith.constant 0 : i32
        %dma_start3A_1086 = tpu.memref_slice %arg18[%add3A_1083, %dma_start3A_1085] : memref<5248x128xf32, #tpu.memory_space<vmem_shared>> -> memref<8x128xf32, #tpu.memory_space<vmem_shared>>
        tpu.enqueue_dma source(%arg15 : memref<8x128xf32, #tpu.memory_space<vmem>>) target(%dma_start3A_1086 : memref<8x128xf32, #tpu.memory_space<vmem_shared>>) target_semaphore(%run_scoped3A : memref<!tpu.dma_semaphore, #tpu.memory_space<semaphore_mem>>)
        %dma_wait3A = arith.constant 0 : i32
        %dma_wait3A_1087 = tpu.memref_slice %arg18[%add3A_1083, %dma_wait3A] : memref<5248x128xf32, #tpu.memory_space<vmem_shared>> -> memref<8x128xf32, #tpu.memory_space<vmem_shared>>
        %dma_wait3A_1088 = arith.constant 0 : i32
        %dma_wait3A_1089 = tpu.memref_slice %arg18[%add3A_1083, %dma_wait3A_1088] : memref<5248x128xf32, #tpu.memory_space<vmem_shared>> -> memref<8x128xf32, #tpu.memory_space<vmem_shared>>
        tpu.wait_dma2 semaphore(%run_scoped3A : memref<!tpu.dma_semaphore, #tpu.memory_space<semaphore_mem>>) src(%arg15 : memref<8x128xf32, #tpu.memory_space<vmem>>) dst(%dma_wait3A_1089 : memref<8x128xf32, #tpu.memory_space<vmem_shared>>)
        tpu.yield
      }) : () -> ()
    }
    %scan3A_1033 = arith.constant 41 : i32
    %barrier3A = arith.constant 0 : index
    tpu.barrier barrier_id(%barrier3A)
    "tpu.region"() ({
      %run_scoped3A = tpu.sem_alloc : memref<!tpu.dma_semaphore, #tpu.memory_space<semaphore_mem>>
      tpu.enqueue_dma source(%arg4 : memref<8x128xi32, #tpu.memory_space<hbm>>) target(%arg16 : memref<8x128xi32, #tpu.memory_space<vmem>>) target_semaphore(%run_scoped3A : memref<!tpu.dma_semaphore, #tpu.memory_space<semaphore_mem>>)
      tpu.wait_dma2 semaphore(%run_scoped3A : memref<!tpu.dma_semaphore, #tpu.memory_space<semaphore_mem>>) src(%arg4 : memref<8x128xi32, #tpu.memory_space<hbm>>) dst(%arg16 : memref<8x128xi32, #tpu.memory_space<vmem>>)
      tpu.yield
    }) : () -> ()
    %get3A = arith.constant 0 : i32
    %get3A_1034 = arith.index_cast %get3A : i32 to index
    %get3A_1035 = arith.constant 0 : index
    %get3A_1036 = tpu.vector_load %arg16[%get3A_1034, %get3A_1035] {strides = array<i32>} : memref<8x128xi32, #tpu.memory_space<vmem>>, vector<1x16xi32>,
    %get3A_1037 = vector.shape_cast %get3A_1036 : vector<1x16xi32> to vector<16xi32>
    %slice3A = vector.extract_strided_slice %get3A_1037 {offsets = [0], sizes = [1], strides = [1]} : vector<16xi32> to vector<1xi32>
    %squeeze3A = vector.extract %slice3A[0] : i32 from vector<1xi32>
    %slice3A_1038 = vector.extract_strided_slice %get3A_1037 {offsets = [1], sizes = [1], strides = [1]} : vector<16xi32> to vector<1xi32>
    %squeeze3A_1039 = vector.extract %slice3A_1038[0] : i32 from vector<1xi32>
    %mul3A_1040 = arith.muli %squeeze3A_1039, %arg0 : i32
    %sub3A = arith.constant 4000 : i32
    %sub3A_1041 = arith.subi %sub3A, %squeeze3A : i32
    %mul3A_1042 = arith.muli %sub3A_1041, %arg0 : i32
    %add3A = arith.addi %squeeze3A, %mul3A_1042 : i32
    %sub3A_1043 = arith.subi %mul3A_1040, %arg1 : i32
    %add3A_1044 = arith.constant 16 : i32
    %add3A_1045 = arith.addi %sub3A_1043, %add3A_1044 : i32
    %sub3A_1046 = arith.constant 1 : i32
    %sub3A_1047 = arith.subi %add3A_1045, %sub3A_1046 : i32
    %max3A = arith.constant 0 : i32
    %max3A_1048 = arith.maxsi %sub3A_1047, %max3A : i32
    %div3A = arith.constant 16 : i32
    %div3A_1049 = arith.divsi %max3A_1048, %div3A : i32
    %sub3A_1050 = arith.subi %add3A, %arg1 : i32
    %add3A_1051 = arith.constant 16 : i32
    %add3A_1052 = arith.addi %sub3A_1050, %add3A_1051 : i32
    %sub3A_1053 = arith.constant 1 : i32
    %sub3A_1054 = arith.subi %add3A_1052, %sub3A_1053 : i32
    %max3A_1055 = arith.constant 0 : i32
    %max3A_1056 = arith.maxsi %sub3A_1054, %max3A_1055 : i32
    %div3A_1057 = arith.constant 16 : i32
    %div3A_1058 = arith.divsi %max3A_1056, %div3A_1057 : i32
    %mul3A_1059 = arith.constant 5120 : i32
    %mul3A_1060 = arith.muli %arg0, %mul3A_1059 : i32
    %sub3A_1061 = arith.subi %div3A_1058, %div3A_1049 : i32
    %div3A_1062 = arith.constant 2 : i32
    %div3A_1063 = arith.divsi %sub3A_1061, %div3A_1062 : i32
    %mul3A_1064 = arith.constant 2 : i32
    %mul3A_1065 = arith.muli %mul3A_1064, %div3A_1063 : i32
    %sub3A_1066 = arith.subi %sub3A_1061, %mul3A_1065 : i32
    %mul3A_1067 = arith.muli %sub3A_1066, %arg0 : i32
    %sub3A_1068 = arith.subi %div3A_1049, %mul3A_1067 : i32
    %sub3A_1069 = arith.constant 1 : i32
    %sub3A_1070 = arith.subi %sub3A_1069, %arg0 : i32
    %mul3A_1071 = arith.muli %sub3A_1066, %sub3A_1070 : i32
    %add3A_1072 = arith.addi %div3A_1058, %mul3A_1071 : i32
    %sub3A_1073 = arith.subi %add3A_1072, %sub3A_1068 : i32
    %div3A_1074 = arith.constant 2 : i32
    %div3A_1075 = arith.divsi %sub3A_1073, %div3A_1074 : i32
    "tpu.region"() ({
      %run_scoped3A = tpu.sem_alloc : memref<!tpu.dma_semaphore, #tpu.memory_space<semaphore_mem>>
      %run_scoped3A_1077 = tpu.sem_alloc : memref<!tpu.dma_semaphore, #tpu.memory_space<semaphore_mem>>
      %run_scoped3A_1078 = tpu.sem_alloc : memref<!tpu.dma_semaphore, #tpu.memory_space<semaphore_mem>>
      %run_scoped3A_1079 = tpu.sem_alloc : memref<!tpu.dma_semaphore, #tpu.memory_space<semaphore_mem>>
      %min3A = arith.constant 249 : i32
      %min3A_1080 = arith.minsi %sub3A_1068, %min3A : i32
      %mul3A_1081 = arith.constant 16 : i32
      %mul3A_1082 = arith.muli %min3A_1080, %mul3A_1081 : i32
      %add3A_1083 = arith.addi %arg1, %mul3A_1082 : i32
      %dma_start3A = arith.constant 0 : i32
      %dma_start3A_1084 = arith.constant 0 : i32
      %dma_start3A_1085 = tpu.memref_slice %arg3[%add3A_1083, %dma_start3A, %dma_start3A_1084] : memref<4000x1x80xi32, #tpu.memory_space<hbm>> -> memref<1x1x80xi32, #tpu.memory_space<hbm>>
      %dma_start3A_1086 = tpu.memref_squeeze %dma_start3A_1085 : memref<1x1x80xi32, #tpu.memory_space<hbm>> -> memref<1x80xi32, #tpu.memory_space<hbm>>
      %dma_start3A_1087 = arith.constant 0 : i32
      %dma_start3A_1088 = arith.constant 0 : i32
      %dma_start3A_1089 = tpu.memref_slice %arg3[%add3A_1083, %dma_start3A_1087, %dma_start3A_1088] : memref<4000x1x80xi32, #tpu.memory_space<hbm>> -> memref<1x1x80xi32, #tpu.memory_space<hbm>>
      %dma_start3A_1090 = tpu.memref_squeeze %dma_start3A_1089 : memref<1x1x80xi32, #tpu.memory_space<hbm>> -> memref<1x80xi32, #tpu.memory_space<hbm>>
      tpu.enqueue_dma source(%dma_start3A_1090 : memref<1x80xi32, #tpu.memory_space<hbm>>) target(%arg7 : memref<1x80xi32, #tpu.memory_space<vmem>>) target_semaphore(%run_scoped3A : memref<!tpu.dma_semaphore, #tpu.memory_space<semaphore_mem>>)
      %mul3A_1091 = arith.constant 80 : i32
      %mul3A_1092 = arith.muli %add3A_1083, %mul3A_1091 : i32
      %dma_start3A_1093 = arith.constant 0 : i32
      %dma_start3A_1094 = tpu.memref_slice %arg2[%mul3A_1092, %dma_start3A_1093] : memref<320000x128xf32, #tpu.memory_space<hbm>> -> memref<80x128xf32, #tpu.memory_space<hbm>>
      %dma_start3A_1095 = arith.constant 0 : i32
      %dma_start3A_1096 = tpu.memref_slice %arg2[%mul3A_1092, %dma_start3A_1095] : memref<320000x128xf32, #tpu.memory_space<hbm>> -> memref<80x128xf32, #tpu.memory_space<hbm>>
      tpu.enqueue_dma source(%dma_start3A_1096 : memref<80x128xf32, #tpu.memory_space<hbm>>) target(%arg11 : memref<80x128xf32, #tpu.memory_space<vmem>>) target_semaphore(%run_scoped3A_1078 : memref<!tpu.dma_semaphore, #tpu.memory_space<semaphore_mem>>)
      %while3A = arith.constant 0 : i32
      %while3A_1097 = arith.constant 0 : i32
      %while3A_1098 = arith.subi %div3A_1075, %while3A_1097 : i32
      %while3A_1099 = arith.addi %while3A_1097, %while3A_1098 : i32
      %while3A_1100 = arith.constant 1 : i32
      %while3A_1101 = arith.divsi %while3A_1098, %while3A_1100 : i32
      %while3A_1102 = arith.muli %while3A_1101, %while3A_1100 : i32
      %while3A_1103 = arith.addi %while3A_1097, %while3A_1102 : i32
      %while3A_1104 = arith.constant 1 : i32
      scf.for %while3A_1127 = %while3A_1097 to %while3A_1103 step %while3A_1104  : i32 {
        %mul3A_1128 = arith.constant 2 : i32
        %mul3A_1129 = arith.muli %mul3A_1128, %while3A_1127 : i32
        %add3A_1130 = arith.addi %sub3A_1068, %mul3A_1129 : i32
        %add3A_1131 = arith.constant 1 : i32
        %add3A_1132 = arith.addi %add3A_1130, %add3A_1131 : i32
        %min3A_1133 = arith.constant 249 : i32
        %min3A_1134 = arith.minsi %add3A_1132, %min3A_1133 : i32
        %mul3A_1135 = arith.constant 16 : i32
        %mul3A_1136 = arith.muli %min3A_1134, %mul3A_1135 : i32
        %add3A_1137 = arith.addi %arg1, %mul3A_1136 : i32
        %dma_start3A_1138 = arith.constant 0 : i32
        %dma_start3A_1139 = arith.constant 0 : i32
        %dma_start3A_1140 = tpu.memref_slice %arg3[%add3A_1137, %dma_start3A_1138, %dma_start3A_1139] : memref<4000x1x80xi32, #tpu.memory_space<hbm>> -> memref<1x1x80xi32, #tpu.memory_space<hbm>>
        %dma_start3A_1141 = tpu.memref_squeeze %dma_start3A_1140 : memref<1x1x80xi32, #tpu.memory_space<hbm>> -> memref<1x80xi32, #tpu.memory_space<hbm>>
        %dma_start3A_1142 = arith.constant 0 : i32
        %dma_start3A_1143 = arith.constant 0 : i32
        %dma_start3A_1144 = tpu.memref_slice %arg3[%add3A_1137, %dma_start3A_1142, %dma_start3A_1143] : memref<4000x1x80xi32, #tpu.memory_space<hbm>> -> memref<1x1x80xi32, #tpu.memory_space<hbm>>
        %dma_start3A_1145 = tpu.memref_squeeze %dma_start3A_1144 : memref<1x1x80xi32, #tpu.memory_space<hbm>> -> memref<1x80xi32, #tpu.memory_space<hbm>>
        tpu.enqueue_dma source(%dma_start3A_1145 : memref<1x80xi32, #tpu.memory_space<hbm>>) target(%arg8 : memref<1x80xi32, #tpu.memory_space<vmem>>) target_semaphore(%run_scoped3A_1077 : memref<!tpu.dma_semaphore, #tpu.memory_space<semaphore_mem>>)
        %mul3A_1146 = arith.constant 80 : i32
        %mul3A_1147 = arith.muli %add3A_1137, %mul3A_1146 : i32
        %dma_start3A_1148 = arith.constant 0 : i32
        %dma_start3A_1149 = tpu.memref_slice %arg2[%mul3A_1147, %dma_start3A_1148] : memref<320000x128xf32, #tpu.memory_space<hbm>> -> memref<80x128xf32, #tpu.memory_space<hbm>>
        %dma_start3A_1150 = arith.constant 0 : i32
        %dma_start3A_1151 = tpu.memref_slice %arg2[%mul3A_1147, %dma_start3A_1150] : memref<320000x128xf32, #tpu.memory_space<hbm>> -> memref<80x128xf32, #tpu.memory_space<hbm>>
        tpu.enqueue_dma source(%dma_start3A_1151 : memref<80x128xf32, #tpu.memory_space<hbm>>) target(%arg12 : memref<80x128xf32, #tpu.memory_space<vmem>>) target_semaphore(%run_scoped3A_1079 : memref<!tpu.dma_semaphore, #tpu.memory_space<semaphore_mem>>)
        %min3A_1152 = arith.constant 249 : i32
        %min3A_1153 = arith.minsi %add3A_1130, %min3A_1152 : i32
        %mul3A_1154 = arith.constant 16 : i32
        %mul3A_1155 = arith.muli %min3A_1153, %mul3A_1154 : i32
        %add3A_1156 = arith.addi %arg1, %mul3A_1155 : i32
        %dma_wait3A_1157 = arith.constant 0 : i32
        %dma_wait3A_1158 = arith.constant 0 : i32
        %dma_wait3A_1159 = tpu.memref_slice %arg3[%add3A_1156, %dma_wait3A_1157, %dma_wait3A_1158] : memref<4000x1x80xi32, #tpu.memory_space<hbm>> -> memref<1x1x80xi32, #tpu.memory_space<hbm>>
        %dma_wait3A_1160 = tpu.memref_squeeze %dma_wait3A_1159 : memref<1x1x80xi32, #tpu.memory_space<hbm>> -> memref<1x80xi32, #tpu.memory_space<hbm>>
        %dma_wait3A_1161 = arith.constant 0 : i32
        %dma_wait3A_1162 = arith.constant 0 : i32
        %dma_wait3A_1163 = tpu.memref_slice %arg3[%add3A_1156, %dma_wait3A_1161, %dma_wait3A_1162] : memref<4000x1x80xi32, #tpu.memory_space<hbm>> -> memref<1x1x80xi32, #tpu.memory_space<hbm>>
        %dma_wait3A_1164 = tpu.memref_squeeze %dma_wait3A_1163 : memref<1x1x80xi32, #tpu.memory_space<hbm>> -> memref<1x80xi32, #tpu.memory_space<hbm>>
        tpu.wait_dma2 semaphore(%run_scoped3A : memref<!tpu.dma_semaphore, #tpu.memory_space<semaphore_mem>>) src(%dma_wait3A_1164 : memref<1x80xi32, #tpu.memory_space<hbm>>) dst(%arg7 : memref<1x80xi32, #tpu.memory_space<vmem>>)
        %mul3A_1165 = arith.constant 80 : i32
        %mul3A_1166 = arith.muli %add3A_1156, %mul3A_1165 : i32
        %dma_wait3A_1167 = arith.constant 0 : i32
        %dma_wait3A_1168 = tpu.memref_slice %arg2[%mul3A_1166, %dma_wait3A_1167] : memref<320000x128xf32, #tpu.memory_space<hbm>> -> memref<80x128xf32, #tpu.memory_space<hbm>>
        %dma_wait3A_1169 = arith.constant 0 : i32
        %dma_wait3A_1170 = tpu.memref_slice %arg2[%mul3A_1166, %dma_wait3A_1169] : memref<320000x128xf32, #tpu.memory_space<hbm>> -> memref<80x128xf32, #tpu.memory_space<hbm>>
        tpu.wait_dma2 semaphore(%run_scoped3A_1078 : memref<!tpu.dma_semaphore, #tpu.memory_space<semaphore_mem>>) src(%dma_wait3A_1170 : memref<80x128xf32, #tpu.memory_space<hbm>>) dst(%arg11 : memref<80x128xf32, #tpu.memory_space<vmem>>)
        %get3A_1171 = arith.constant 0 : i32
        %get3A_1172 = arith.index_cast %get3A_1171 : i32 to index
        %get3A_1173 = arith.constant 0 : index
        %get3A_1174 = tpu.vector_load %arg7[%get3A_1172, %get3A_1173] {strides = array<i32>} : memref<1x80xi32, #tpu.memory_space<vmem>>, vector<1x16xi32>,
        %get3A_1175 = vector.shape_cast %get3A_1174 : vector<1x16xi32> to vector<16xi32>
        %sub3A_1176 = vector.broadcast %mul3A_1060 : i32 to vector<16xi32>
        %sub3A_1177 = arith.subi %get3A_1175, %sub3A_1176 : vector<16xi32>
        %ge3A = arith.constant 0 : i32
        %ge3A_1178 = vector.broadcast %ge3A : i32 to vector<16xi32>
        %ge3A_1179 = arith.cmpi sge, %sub3A_1177, %ge3A_1178 : vector<16xi32>
        %lt3A = arith.constant 5120 : i32
        %lt3A_1180 = vector.broadcast %lt3A : i32 to vector<16xi32>
        %lt3A_1181 = arith.cmpi slt, %sub3A_1177, %lt3A_1180 : vector<16xi32>
        %and3A = arith.andi %ge3A_1179, %lt3A_1181 : vector<16xi1>
        %jit3A = arith.constant 5120 : i32
        %broadcast_in_dim3A_1182 = vector.broadcast %jit3A : i32 to vector<16xi32>
        %select_n3A = arith.select %and3A, %sub3A_1177, %broadcast_in_dim3A_1182 : vector<16xi1>, vector<16xi32>
        %swap3A_1183 = arith.constant 0 : index
        %swap3A_1184 = tpu.vector_load %arg9[%swap3A_1183] {strides = array<i32>} : memref<80xi32, #tpu.memory_space<vmem>>, vector<16xi32>,
        %swap3A_1185 = vector.shape_cast %swap3A_1184 : vector<16xi32> to vector<16xi32>
        %swap3A_1186 = vector.shape_cast %select_n3A : vector<16xi32> to vector<16xi32>
        tpu.vector_store %arg9[%swap3A_1183], %swap3A_1186 {strides = array<i32>} : memref<80xi32, #tpu.memory_space<vmem>>, vector<16xi32>,
        %get3A_1187 = arith.constant 0 : i32
        %get3A_1188 = arith.index_cast %get3A_1187 : i32 to index
        %get3A_1189 = arith.constant 16 : index
        %get3A_1190 = tpu.vector_load %arg7[%get3A_1188, %get3A_1189] {strides = array<i32>} : memref<1x80xi32, #tpu.memory_space<vmem>>, vector<1x16xi32>,
        %get3A_1191 = vector.shape_cast %get3A_1190 : vector<1x16xi32> to vector<16xi32>
        %sub3A_1192 = vector.broadcast %mul3A_1060 : i32 to vector<16xi32>
        %sub3A_1193 = arith.subi %get3A_1191, %sub3A_1192 : vector<16xi32>
        %ge3A_1194 = arith.constant 0 : i32
        %ge3A_1195 = vector.broadcast %ge3A_1194 : i32 to vector<16xi32>
        %ge3A_1196 = arith.cmpi sge, %sub3A_1193, %ge3A_1195 : vector<16xi32>
        %lt3A_1197 = arith.constant 5120 : i32
        %lt3A_1198 = vector.broadcast %lt3A_1197 : i32 to vector<16xi32>
        %lt3A_1199 = arith.cmpi slt, %sub3A_1193, %lt3A_1198 : vector<16xi32>
        %and3A_1200 = arith.andi %ge3A_1196, %lt3A_1199 : vector<16xi1>
        %jit3A_1201 = arith.constant 5120 : i32
        %broadcast_in_dim3A_1202 = vector.broadcast %jit3A_1201 : i32 to vector<16xi32>
        %select_n3A_1203 = arith.select %and3A_1200, %sub3A_1193, %broadcast_in_dim3A_1202 : vector<16xi1>, vector<16xi32>
        %swap3A_1204 = arith.constant 16 : index
        %swap3A_1205 = tpu.vector_load %arg9[%swap3A_1204] {strides = array<i32>} : memref<80xi32, #tpu.memory_space<vmem>>, vector<16xi32>,
        %swap3A_1206 = vector.shape_cast %swap3A_1205 : vector<16xi32> to vector<16xi32>
        %swap3A_1207 = vector.shape_cast %select_n3A_1203 : vector<16xi32> to vector<16xi32>
        tpu.vector_store %arg9[%swap3A_1204], %swap3A_1207 {strides = array<i32>} : memref<80xi32, #tpu.memory_space<vmem>>, vector<16xi32>,
        %get3A_1208 = arith.constant 0 : i32
        %get3A_1209 = arith.index_cast %get3A_1208 : i32 to index
        %get3A_1210 = arith.constant 32 : index
        %get3A_1211 = tpu.vector_load %arg7[%get3A_1209, %get3A_1210] {strides = array<i32>} : memref<1x80xi32, #tpu.memory_space<vmem>>, vector<1x16xi32>,
        %get3A_1212 = vector.shape_cast %get3A_1211 : vector<1x16xi32> to vector<16xi32>
        %sub3A_1213 = vector.broadcast %mul3A_1060 : i32 to vector<16xi32>
        %sub3A_1214 = arith.subi %get3A_1212, %sub3A_1213 : vector<16xi32>
        %ge3A_1215 = arith.constant 0 : i32
        %ge3A_1216 = vector.broadcast %ge3A_1215 : i32 to vector<16xi32>
        %ge3A_1217 = arith.cmpi sge, %sub3A_1214, %ge3A_1216 : vector<16xi32>
        %lt3A_1218 = arith.constant 5120 : i32
        %lt3A_1219 = vector.broadcast %lt3A_1218 : i32 to vector<16xi32>
        %lt3A_1220 = arith.cmpi slt, %sub3A_1214, %lt3A_1219 : vector<16xi32>
        %and3A_1221 = arith.andi %ge3A_1217, %lt3A_1220 : vector<16xi1>
        %jit3A_1222 = arith.constant 5120 : i32
        %broadcast_in_dim3A_1223 = vector.broadcast %jit3A_1222 : i32 to vector<16xi32>
        %select_n3A_1224 = arith.select %and3A_1221, %sub3A_1214, %broadcast_in_dim3A_1223 : vector<16xi1>, vector<16xi32>
        %swap3A_1225 = arith.constant 32 : index
        %swap3A_1226 = tpu.vector_load %arg9[%swap3A_1225] {strides = array<i32>} : memref<80xi32, #tpu.memory_space<vmem>>, vector<16xi32>,
        %swap3A_1227 = vector.shape_cast %swap3A_1226 : vector<16xi32> to vector<16xi32>
        %swap3A_1228 = vector.shape_cast %select_n3A_1224 : vector<16xi32> to vector<16xi32>
        tpu.vector_store %arg9[%swap3A_1225], %swap3A_1228 {strides = array<i32>} : memref<80xi32, #tpu.memory_space<vmem>>, vector<16xi32>,
        %get3A_1229 = arith.constant 0 : i32
        %get3A_1230 = arith.index_cast %get3A_1229 : i32 to index
        %get3A_1231 = arith.constant 48 : index
        %get3A_1232 = tpu.vector_load %arg7[%get3A_1230, %get3A_1231] {strides = array<i32>} : memref<1x80xi32, #tpu.memory_space<vmem>>, vector<1x16xi32>,
        %get3A_1233 = vector.shape_cast %get3A_1232 : vector<1x16xi32> to vector<16xi32>
        %sub3A_1234 = vector.broadcast %mul3A_1060 : i32 to vector<16xi32>
        %sub3A_1235 = arith.subi %get3A_1233, %sub3A_1234 : vector<16xi32>
        %ge3A_1236 = arith.constant 0 : i32
        %ge3A_1237 = vector.broadcast %ge3A_1236 : i32 to vector<16xi32>
        %ge3A_1238 = arith.cmpi sge, %sub3A_1235, %ge3A_1237 : vector<16xi32>
        %lt3A_1239 = arith.constant 5120 : i32
        %lt3A_1240 = vector.broadcast %lt3A_1239 : i32 to vector<16xi32>
        %lt3A_1241 = arith.cmpi slt, %sub3A_1235, %lt3A_1240 : vector<16xi32>
        %and3A_1242 = arith.andi %ge3A_1238, %lt3A_1241 : vector<16xi1>
        %jit3A_1243 = arith.constant 5120 : i32
        %broadcast_in_dim3A_1244 = vector.broadcast %jit3A_1243 : i32 to vector<16xi32>
        %select_n3A_1245 = arith.select %and3A_1242, %sub3A_1235, %broadcast_in_dim3A_1244 : vector<16xi1>, vector<16xi32>
        %swap3A_1246 = arith.constant 48 : index
        %swap3A_1247 = tpu.vector_load %arg9[%swap3A_1246] {strides = array<i32>} : memref<80xi32, #tpu.memory_space<vmem>>, vector<16xi32>,
        %swap3A_1248 = vector.shape_cast %swap3A_1247 : vector<16xi32> to vector<16xi32>
        %swap3A_1249 = vector.shape_cast %select_n3A_1245 : vector<16xi32> to vector<16xi32>
        tpu.vector_store %arg9[%swap3A_1246], %swap3A_1249 {strides = array<i32>} : memref<80xi32, #tpu.memory_space<vmem>>, vector<16xi32>,
        %get3A_1250 = arith.constant 0 : i32
        %get3A_1251 = arith.index_cast %get3A_1250 : i32 to index
        %get3A_1252 = arith.constant 64 : index
        %get3A_1253 = tpu.vector_load %arg7[%get3A_1251, %get3A_1252] {strides = array<i32>} : memref<1x80xi32, #tpu.memory_space<vmem>>, vector<1x16xi32>,
        %get3A_1254 = vector.shape_cast %get3A_1253 : vector<1x16xi32> to vector<16xi32>
        %sub3A_1255 = vector.broadcast %mul3A_1060 : i32 to vector<16xi32>
        %sub3A_1256 = arith.subi %get3A_1254, %sub3A_1255 : vector<16xi32>
        %ge3A_1257 = arith.constant 0 : i32
        %ge3A_1258 = vector.broadcast %ge3A_1257 : i32 to vector<16xi32>
        %ge3A_1259 = arith.cmpi sge, %sub3A_1256, %ge3A_1258 : vector<16xi32>
        %lt3A_1260 = arith.constant 5120 : i32
        %lt3A_1261 = vector.broadcast %lt3A_1260 : i32 to vector<16xi32>
        %lt3A_1262 = arith.cmpi slt, %sub3A_1256, %lt3A_1261 : vector<16xi32>
        %and3A_1263 = arith.andi %ge3A_1259, %lt3A_1262 : vector<16xi1>
        %jit3A_1264 = arith.constant 5120 : i32
        %broadcast_in_dim3A_1265 = vector.broadcast %jit3A_1264 : i32 to vector<16xi32>
        %select_n3A_1266 = arith.select %and3A_1263, %sub3A_1256, %broadcast_in_dim3A_1265 : vector<16xi1>, vector<16xi32>
        %swap3A_1267 = arith.constant 64 : index
        %swap3A_1268 = tpu.vector_load %arg9[%swap3A_1267] {strides = array<i32>} : memref<80xi32, #tpu.memory_space<vmem>>, vector<16xi32>,
        %swap3A_1269 = vector.shape_cast %swap3A_1268 : vector<16xi32> to vector<16xi32>
        %swap3A_1270 = vector.shape_cast %select_n3A_1266 : vector<16xi32> to vector<16xi32>
        tpu.vector_store %arg9[%swap3A_1267], %swap3A_1270 {strides = array<i32>} : memref<80xi32, #tpu.memory_space<vmem>>, vector<16xi32>,
        "tpu.region"() ({
          %run_scoped3A_1418 = tpu.sem_alloc : memref<!tpu.dma_semaphore, #tpu.memory_space<semaphore_mem>>
          %dma_start3A_1419 = arith.constant 0 : i32
          %dma_start3A_1420 = arith.constant 0 : i32
          %dma_start3A_1421 = tpu.memref_slice %arg17[%dma_start3A_1419, %dma_start3A_1420] : memref<5248x128xf32, #tpu.memory_space<vmem_shared>> -> memref<5248x128xf32, #tpu.memory_space<vmem_shared>>
          tpu.enqueue_indirect_dma source(%arg11 : memref<80x128xf32, #tpu.memory_space<vmem>>) target(%dma_start3A_1421 : memref<5248x128xf32, #tpu.memory_space<vmem_shared>>) offsets(%arg9 : memref<80xi32, #tpu.memory_space<vmem>>) semaphore(%run_scoped3A_1418 : memref<!tpu.dma_semaphore, #tpu.memory_space<semaphore_mem>>) {add = true}
          %dma_wait3A_1422 = arith.constant 0 : i32
          %dma_wait3A_1423 = arith.constant 0 : i32
          %dma_wait3A_1424 = tpu.memref_slice %arg17[%dma_wait3A_1422, %dma_wait3A_1423] : memref<5248x128xf32, #tpu.memory_space<vmem_shared>> -> memref<5248x128xf32, #tpu.memory_space<vmem_shared>>
          tpu.wait_indirect_dma semaphore(%run_scoped3A_1418 : memref<!tpu.dma_semaphore, #tpu.memory_space<semaphore_mem>>) src(%arg11 : memref<80x128xf32, #tpu.memory_space<vmem>>) dst(%dma_wait3A_1424 : memref<5248x128xf32, #tpu.memory_space<vmem_shared>>)
          tpu.yield
        }) : () -> ()
        "tpu.region"() ({
          %run_scoped3A_1418 = tpu.sem_alloc : memref<!tpu.dma_semaphore, #tpu.memory_space<semaphore_mem>>
          %dma_start3A_1419 = arith.constant 0 : i32
          %dma_start3A_1420 = arith.constant 0 : i32
          %dma_start3A_1421 = tpu.memref_slice %arg18[%dma_start3A_1419, %dma_start3A_1420] : memref<5248x128xf32, #tpu.memory_space<vmem_shared>> -> memref<5248x128xf32, #tpu.memory_space<vmem_shared>>
          tpu.enqueue_indirect_dma source(%arg13 : memref<80x128xf32, #tpu.memory_space<vmem>>) target(%dma_start3A_1421 : memref<5248x128xf32, #tpu.memory_space<vmem_shared>>) offsets(%arg9 : memref<80xi32, #tpu.memory_space<vmem>>) semaphore(%run_scoped3A_1418 : memref<!tpu.dma_semaphore, #tpu.memory_space<semaphore_mem>>) {add = true}
          %dma_wait3A_1422 = arith.constant 0 : i32
          %dma_wait3A_1423 = arith.constant 0 : i32
          %dma_wait3A_1424 = tpu.memref_slice %arg18[%dma_wait3A_1422, %dma_wait3A_1423] : memref<5248x128xf32, #tpu.memory_space<vmem_shared>> -> memref<5248x128xf32, #tpu.memory_space<vmem_shared>>
          tpu.wait_indirect_dma semaphore(%run_scoped3A_1418 : memref<!tpu.dma_semaphore, #tpu.memory_space<semaphore_mem>>) src(%arg13 : memref<80x128xf32, #tpu.memory_space<vmem>>) dst(%dma_wait3A_1424 : memref<5248x128xf32, #tpu.memory_space<vmem_shared>>)
          tpu.yield
        }) : () -> ()
        %add3A_1271 = arith.constant 2 : i32
        %add3A_1272 = arith.addi %add3A_1130, %add3A_1271 : i32
        %min3A_1273 = arith.constant 249 : i32
        %min3A_1274 = arith.minsi %add3A_1272, %min3A_1273 : i32
        %mul3A_1275 = arith.constant 16 : i32
        %mul3A_1276 = arith.muli %min3A_1274, %mul3A_1275 : i32
        %add3A_1277 = arith.addi %arg1, %mul3A_1276 : i32
        %dma_start3A_1278 = arith.constant 0 : i32
        %dma_start3A_1279 = arith.constant 0 : i32
        %dma_start3A_1280 = tpu.memref_slice %arg3[%add3A_1277, %dma_start3A_1278, %dma_start3A_1279] : memref<4000x1x80xi32, #tpu.memory_space<hbm>> -> memref<1x1x80xi32, #tpu.memory_space<hbm>>
        %dma_start3A_1281 = tpu.memref_squeeze %dma_start3A_1280 : memref<1x1x80xi32, #tpu.memory_space<hbm>> -> memref<1x80xi32, #tpu.memory_space<hbm>>
        %dma_start3A_1282 = arith.constant 0 : i32
        %dma_start3A_1283 = arith.constant 0 : i32
        %dma_start3A_1284 = tpu.memref_slice %arg3[%add3A_1277, %dma_start3A_1282, %dma_start3A_1283] : memref<4000x1x80xi32, #tpu.memory_space<hbm>> -> memref<1x1x80xi32, #tpu.memory_space<hbm>>
        %dma_start3A_1285 = tpu.memref_squeeze %dma_start3A_1284 : memref<1x1x80xi32, #tpu.memory_space<hbm>> -> memref<1x80xi32, #tpu.memory_space<hbm>>
        tpu.enqueue_dma source(%dma_start3A_1285 : memref<1x80xi32, #tpu.memory_space<hbm>>) target(%arg7 : memref<1x80xi32, #tpu.memory_space<vmem>>) target_semaphore(%run_scoped3A : memref<!tpu.dma_semaphore, #tpu.memory_space<semaphore_mem>>)
        %mul3A_1286 = arith.constant 80 : i32
        %mul3A_1287 = arith.muli %add3A_1277, %mul3A_1286 : i32
        %dma_start3A_1288 = arith.constant 0 : i32
        %dma_start3A_1289 = tpu.memref_slice %arg2[%mul3A_1287, %dma_start3A_1288] : memref<320000x128xf32, #tpu.memory_space<hbm>> -> memref<80x128xf32, #tpu.memory_space<hbm>>
        %dma_start3A_1290 = arith.constant 0 : i32
        %dma_start3A_1291 = tpu.memref_slice %arg2[%mul3A_1287, %dma_start3A_1290] : memref<320000x128xf32, #tpu.memory_space<hbm>> -> memref<80x128xf32, #tpu.memory_space<hbm>>
        tpu.enqueue_dma source(%dma_start3A_1291 : memref<80x128xf32, #tpu.memory_space<hbm>>) target(%arg11 : memref<80x128xf32, #tpu.memory_space<vmem>>) target_semaphore(%run_scoped3A_1078 : memref<!tpu.dma_semaphore, #tpu.memory_space<semaphore_mem>>)
        %add3A_1292 = arith.constant 1 : i32
        %add3A_1293 = arith.addi %add3A_1130, %add3A_1292 : i32
        %min3A_1294 = arith.constant 249 : i32
        %min3A_1295 = arith.minsi %add3A_1293, %min3A_1294 : i32
        %mul3A_1296 = arith.constant 16 : i32
        %mul3A_1297 = arith.muli %min3A_1295, %mul3A_1296 : i32
        %add3A_1298 = arith.addi %arg1, %mul3A_1297 : i32
        %dma_wait3A_1299 = arith.constant 0 : i32
        %dma_wait3A_1300 = arith.constant 0 : i32
        %dma_wait3A_1301 = tpu.memref_slice %arg3[%add3A_1298, %dma_wait3A_1299, %dma_wait3A_1300] : memref<4000x1x80xi32, #tpu.memory_space<hbm>> -> memref<1x1x80xi32, #tpu.memory_space<hbm>>
        %dma_wait3A_1302 = tpu.memref_squeeze %dma_wait3A_1301 : memref<1x1x80xi32, #tpu.memory_space<hbm>> -> memref<1x80xi32, #tpu.memory_space<hbm>>
        %dma_wait3A_1303 = arith.constant 0 : i32
        %dma_wait3A_1304 = arith.constant 0 : i32
        %dma_wait3A_1305 = tpu.memref_slice %arg3[%add3A_1298, %dma_wait3A_1303, %dma_wait3A_1304] : memref<4000x1x80xi32, #tpu.memory_space<hbm>> -> memref<1x1x80xi32, #tpu.memory_space<hbm>>
        %dma_wait3A_1306 = tpu.memref_squeeze %dma_wait3A_1305 : memref<1x1x80xi32, #tpu.memory_space<hbm>> -> memref<1x80xi32, #tpu.memory_space<hbm>>
        tpu.wait_dma2 semaphore(%run_scoped3A_1077 : memref<!tpu.dma_semaphore, #tpu.memory_space<semaphore_mem>>) src(%dma_wait3A_1306 : memref<1x80xi32, #tpu.memory_space<hbm>>) dst(%arg8 : memref<1x80xi32, #tpu.memory_space<vmem>>)
        %mul3A_1307 = arith.constant 80 : i32
        %mul3A_1308 = arith.muli %add3A_1298, %mul3A_1307 : i32
        %dma_wait3A_1309 = arith.constant 0 : i32
        %dma_wait3A_1310 = tpu.memref_slice %arg2[%mul3A_1308, %dma_wait3A_1309] : memref<320000x128xf32, #tpu.memory_space<hbm>> -> memref<80x128xf32, #tpu.memory_space<hbm>>
        %dma_wait3A_1311 = arith.constant 0 : i32
        %dma_wait3A_1312 = tpu.memref_slice %arg2[%mul3A_1308, %dma_wait3A_1311] : memref<320000x128xf32, #tpu.memory_space<hbm>> -> memref<80x128xf32, #tpu.memory_space<hbm>>
        tpu.wait_dma2 semaphore(%run_scoped3A_1079 : memref<!tpu.dma_semaphore, #tpu.memory_space<semaphore_mem>>) src(%dma_wait3A_1312 : memref<80x128xf32, #tpu.memory_space<hbm>>) dst(%arg12 : memref<80x128xf32, #tpu.memory_space<vmem>>)
        %get3A_1313 = arith.constant 0 : i32
        %get3A_1314 = arith.index_cast %get3A_1313 : i32 to index
        %get3A_1315 = arith.constant 0 : index
        %get3A_1316 = tpu.vector_load %arg8[%get3A_1314, %get3A_1315] {strides = array<i32>} : memref<1x80xi32, #tpu.memory_space<vmem>>, vector<1x16xi32>,
        %get3A_1317 = vector.shape_cast %get3A_1316 : vector<1x16xi32> to vector<16xi32>
        %sub3A_1318 = vector.broadcast %mul3A_1060 : i32 to vector<16xi32>
        %sub3A_1319 = arith.subi %get3A_1317, %sub3A_1318 : vector<16xi32>
        %ge3A_1320 = arith.constant 0 : i32
        %ge3A_1321 = vector.broadcast %ge3A_1320 : i32 to vector<16xi32>
        %ge3A_1322 = arith.cmpi sge, %sub3A_1319, %ge3A_1321 : vector<16xi32>
        %lt3A_1323 = arith.constant 5120 : i32
        %lt3A_1324 = vector.broadcast %lt3A_1323 : i32 to vector<16xi32>
        %lt3A_1325 = arith.cmpi slt, %sub3A_1319, %lt3A_1324 : vector<16xi32>
        %and3A_1326 = arith.andi %ge3A_1322, %lt3A_1325 : vector<16xi1>
        %jit3A_1327 = arith.constant 5120 : i32
        %broadcast_in_dim3A_1328 = vector.broadcast %jit3A_1327 : i32 to vector<16xi32>
        %select_n3A_1329 = arith.select %and3A_1326, %sub3A_1319, %broadcast_in_dim3A_1328 : vector<16xi1>, vector<16xi32>
        %swap3A_1330 = arith.constant 0 : index
        %swap3A_1331 = tpu.vector_load %arg10[%swap3A_1330] {strides = array<i32>} : memref<80xi32, #tpu.memory_space<vmem>>, vector<16xi32>,
        %swap3A_1332 = vector.shape_cast %swap3A_1331 : vector<16xi32> to vector<16xi32>
        %swap3A_1333 = vector.shape_cast %select_n3A_1329 : vector<16xi32> to vector<16xi32>
        tpu.vector_store %arg10[%swap3A_1330], %swap3A_1333 {strides = array<i32>} : memref<80xi32, #tpu.memory_space<vmem>>, vector<16xi32>,
        %get3A_1334 = arith.constant 0 : i32
        %get3A_1335 = arith.index_cast %get3A_1334 : i32 to index
        %get3A_1336 = arith.constant 16 : index
        %get3A_1337 = tpu.vector_load %arg8[%get3A_1335, %get3A_1336] {strides = array<i32>} : memref<1x80xi32, #tpu.memory_space<vmem>>, vector<1x16xi32>,
        %get3A_1338 = vector.shape_cast %get3A_1337 : vector<1x16xi32> to vector<16xi32>
        %sub3A_1339 = vector.broadcast %mul3A_1060 : i32 to vector<16xi32>
        %sub3A_1340 = arith.subi %get3A_1338, %sub3A_1339 : vector<16xi32>
        %ge3A_1341 = arith.constant 0 : i32
        %ge3A_1342 = vector.broadcast %ge3A_1341 : i32 to vector<16xi32>
        %ge3A_1343 = arith.cmpi sge, %sub3A_1340, %ge3A_1342 : vector<16xi32>
        %lt3A_1344 = arith.constant 5120 : i32
        %lt3A_1345 = vector.broadcast %lt3A_1344 : i32 to vector<16xi32>
        %lt3A_1346 = arith.cmpi slt, %sub3A_1340, %lt3A_1345 : vector<16xi32>
        %and3A_1347 = arith.andi %ge3A_1343, %lt3A_1346 : vector<16xi1>
        %jit3A_1348 = arith.constant 5120 : i32
        %broadcast_in_dim3A_1349 = vector.broadcast %jit3A_1348 : i32 to vector<16xi32>
        %select_n3A_1350 = arith.select %and3A_1347, %sub3A_1340, %broadcast_in_dim3A_1349 : vector<16xi1>, vector<16xi32>
        %swap3A_1351 = arith.constant 16 : index
        %swap3A_1352 = tpu.vector_load %arg10[%swap3A_1351] {strides = array<i32>} : memref<80xi32, #tpu.memory_space<vmem>>, vector<16xi32>,
        %swap3A_1353 = vector.shape_cast %swap3A_1352 : vector<16xi32> to vector<16xi32>
        %swap3A_1354 = vector.shape_cast %select_n3A_1350 : vector<16xi32> to vector<16xi32>
        tpu.vector_store %arg10[%swap3A_1351], %swap3A_1354 {strides = array<i32>} : memref<80xi32, #tpu.memory_space<vmem>>, vector<16xi32>,
        %get3A_1355 = arith.constant 0 : i32
        %get3A_1356 = arith.index_cast %get3A_1355 : i32 to index
        %get3A_1357 = arith.constant 32 : index
        %get3A_1358 = tpu.vector_load %arg8[%get3A_1356, %get3A_1357] {strides = array<i32>} : memref<1x80xi32, #tpu.memory_space<vmem>>, vector<1x16xi32>,
        %get3A_1359 = vector.shape_cast %get3A_1358 : vector<1x16xi32> to vector<16xi32>
        %sub3A_1360 = vector.broadcast %mul3A_1060 : i32 to vector<16xi32>
        %sub3A_1361 = arith.subi %get3A_1359, %sub3A_1360 : vector<16xi32>
        %ge3A_1362 = arith.constant 0 : i32
        %ge3A_1363 = vector.broadcast %ge3A_1362 : i32 to vector<16xi32>
        %ge3A_1364 = arith.cmpi sge, %sub3A_1361, %ge3A_1363 : vector<16xi32>
        %lt3A_1365 = arith.constant 5120 : i32
        %lt3A_1366 = vector.broadcast %lt3A_1365 : i32 to vector<16xi32>
        %lt3A_1367 = arith.cmpi slt, %sub3A_1361, %lt3A_1366 : vector<16xi32>
        %and3A_1368 = arith.andi %ge3A_1364, %lt3A_1367 : vector<16xi1>
        %jit3A_1369 = arith.constant 5120 : i32
        %broadcast_in_dim3A_1370 = vector.broadcast %jit3A_1369 : i32 to vector<16xi32>
        %select_n3A_1371 = arith.select %and3A_1368, %sub3A_1361, %broadcast_in_dim3A_1370 : vector<16xi1>, vector<16xi32>
        %swap3A_1372 = arith.constant 32 : index
        %swap3A_1373 = tpu.vector_load %arg10[%swap3A_1372] {strides = array<i32>} : memref<80xi32, #tpu.memory_space<vmem>>, vector<16xi32>,
        %swap3A_1374 = vector.shape_cast %swap3A_1373 : vector<16xi32> to vector<16xi32>
        %swap3A_1375 = vector.shape_cast %select_n3A_1371 : vector<16xi32> to vector<16xi32>
        tpu.vector_store %arg10[%swap3A_1372], %swap3A_1375 {strides = array<i32>} : memref<80xi32, #tpu.memory_space<vmem>>, vector<16xi32>,
        %get3A_1376 = arith.constant 0 : i32
        %get3A_1377 = arith.index_cast %get3A_1376 : i32 to index
        %get3A_1378 = arith.constant 48 : index
        %get3A_1379 = tpu.vector_load %arg8[%get3A_1377, %get3A_1378] {strides = array<i32>} : memref<1x80xi32, #tpu.memory_space<vmem>>, vector<1x16xi32>,
        %get3A_1380 = vector.shape_cast %get3A_1379 : vector<1x16xi32> to vector<16xi32>
        %sub3A_1381 = vector.broadcast %mul3A_1060 : i32 to vector<16xi32>
        %sub3A_1382 = arith.subi %get3A_1380, %sub3A_1381 : vector<16xi32>
        %ge3A_1383 = arith.constant 0 : i32
        %ge3A_1384 = vector.broadcast %ge3A_1383 : i32 to vector<16xi32>
        %ge3A_1385 = arith.cmpi sge, %sub3A_1382, %ge3A_1384 : vector<16xi32>
        %lt3A_1386 = arith.constant 5120 : i32
        %lt3A_1387 = vector.broadcast %lt3A_1386 : i32 to vector<16xi32>
        %lt3A_1388 = arith.cmpi slt, %sub3A_1382, %lt3A_1387 : vector<16xi32>
        %and3A_1389 = arith.andi %ge3A_1385, %lt3A_1388 : vector<16xi1>
        %jit3A_1390 = arith.constant 5120 : i32
        %broadcast_in_dim3A_1391 = vector.broadcast %jit3A_1390 : i32 to vector<16xi32>
        %select_n3A_1392 = arith.select %and3A_1389, %sub3A_1382, %broadcast_in_dim3A_1391 : vector<16xi1>, vector<16xi32>
        %swap3A_1393 = arith.constant 48 : index
        %swap3A_1394 = tpu.vector_load %arg10[%swap3A_1393] {strides = array<i32>} : memref<80xi32, #tpu.memory_space<vmem>>, vector<16xi32>,
        %swap3A_1395 = vector.shape_cast %swap3A_1394 : vector<16xi32> to vector<16xi32>
        %swap3A_1396 = vector.shape_cast %select_n3A_1392 : vector<16xi32> to vector<16xi32>
        tpu.vector_store %arg10[%swap3A_1393], %swap3A_1396 {strides = array<i32>} : memref<80xi32, #tpu.memory_space<vmem>>, vector<16xi32>,
        %get3A_1397 = arith.constant 0 : i32
        %get3A_1398 = arith.index_cast %get3A_1397 : i32 to index
        %get3A_1399 = arith.constant 64 : index
        %get3A_1400 = tpu.vector_load %arg8[%get3A_1398, %get3A_1399] {strides = array<i32>} : memref<1x80xi32, #tpu.memory_space<vmem>>, vector<1x16xi32>,
        %get3A_1401 = vector.shape_cast %get3A_1400 : vector<1x16xi32> to vector<16xi32>
        %sub3A_1402 = vector.broadcast %mul3A_1060 : i32 to vector<16xi32>
        %sub3A_1403 = arith.subi %get3A_1401, %sub3A_1402 : vector<16xi32>
        %ge3A_1404 = arith.constant 0 : i32
        %ge3A_1405 = vector.broadcast %ge3A_1404 : i32 to vector<16xi32>
        %ge3A_1406 = arith.cmpi sge, %sub3A_1403, %ge3A_1405 : vector<16xi32>
        %lt3A_1407 = arith.constant 5120 : i32
        %lt3A_1408 = vector.broadcast %lt3A_1407 : i32 to vector<16xi32>
        %lt3A_1409 = arith.cmpi slt, %sub3A_1403, %lt3A_1408 : vector<16xi32>
        %and3A_1410 = arith.andi %ge3A_1406, %lt3A_1409 : vector<16xi1>
        %jit3A_1411 = arith.constant 5120 : i32
        %broadcast_in_dim3A_1412 = vector.broadcast %jit3A_1411 : i32 to vector<16xi32>
        %select_n3A_1413 = arith.select %and3A_1410, %sub3A_1403, %broadcast_in_dim3A_1412 : vector<16xi1>, vector<16xi32>
        %swap3A_1414 = arith.constant 64 : index
        %swap3A_1415 = tpu.vector_load %arg10[%swap3A_1414] {strides = array<i32>} : memref<80xi32, #tpu.memory_space<vmem>>, vector<16xi32>,
        %swap3A_1416 = vector.shape_cast %swap3A_1415 : vector<16xi32> to vector<16xi32>
        %swap3A_1417 = vector.shape_cast %select_n3A_1413 : vector<16xi32> to vector<16xi32>
        tpu.vector_store %arg10[%swap3A_1414], %swap3A_1417 {strides = array<i32>} : memref<80xi32, #tpu.memory_space<vmem>>, vector<16xi32>,
        "tpu.region"() ({
          %run_scoped3A_1418 = tpu.sem_alloc : memref<!tpu.dma_semaphore, #tpu.memory_space<semaphore_mem>>
          %dma_start3A_1419 = arith.constant 0 : i32
          %dma_start3A_1420 = arith.constant 0 : i32
          %dma_start3A_1421 = tpu.memref_slice %arg17[%dma_start3A_1419, %dma_start3A_1420] : memref<5248x128xf32, #tpu.memory_space<vmem_shared>> -> memref<5248x128xf32, #tpu.memory_space<vmem_shared>>
          tpu.enqueue_indirect_dma source(%arg12 : memref<80x128xf32, #tpu.memory_space<vmem>>) target(%dma_start3A_1421 : memref<5248x128xf32, #tpu.memory_space<vmem_shared>>) offsets(%arg10 : memref<80xi32, #tpu.memory_space<vmem>>) semaphore(%run_scoped3A_1418 : memref<!tpu.dma_semaphore, #tpu.memory_space<semaphore_mem>>) {add = true}
          %dma_wait3A_1422 = arith.constant 0 : i32
          %dma_wait3A_1423 = arith.constant 0 : i32
          %dma_wait3A_1424 = tpu.memref_slice %arg17[%dma_wait3A_1422, %dma_wait3A_1423] : memref<5248x128xf32, #tpu.memory_space<vmem_shared>> -> memref<5248x128xf32, #tpu.memory_space<vmem_shared>>
          tpu.wait_indirect_dma semaphore(%run_scoped3A_1418 : memref<!tpu.dma_semaphore, #tpu.memory_space<semaphore_mem>>) src(%arg12 : memref<80x128xf32, #tpu.memory_space<vmem>>) dst(%dma_wait3A_1424 : memref<5248x128xf32, #tpu.memory_space<vmem_shared>>)
          tpu.yield
        }) : () -> ()
        "tpu.region"() ({
          %run_scoped3A_1418 = tpu.sem_alloc : memref<!tpu.dma_semaphore, #tpu.memory_space<semaphore_mem>>
          %dma_start3A_1419 = arith.constant 0 : i32
          %dma_start3A_1420 = arith.constant 0 : i32
          %dma_start3A_1421 = tpu.memref_slice %arg18[%dma_start3A_1419, %dma_start3A_1420] : memref<5248x128xf32, #tpu.memory_space<vmem_shared>> -> memref<5248x128xf32, #tpu.memory_space<vmem_shared>>
          tpu.enqueue_indirect_dma source(%arg13 : memref<80x128xf32, #tpu.memory_space<vmem>>) target(%dma_start3A_1421 : memref<5248x128xf32, #tpu.memory_space<vmem_shared>>) offsets(%arg10 : memref<80xi32, #tpu.memory_space<vmem>>) semaphore(%run_scoped3A_1418 : memref<!tpu.dma_semaphore, #tpu.memory_space<semaphore_mem>>) {add = true}
          %dma_wait3A_1422 = arith.constant 0 : i32
          %dma_wait3A_1423 = arith.constant 0 : i32
          %dma_wait3A_1424 = tpu.memref_slice %arg18[%dma_wait3A_1422, %dma_wait3A_1423] : memref<5248x128xf32, #tpu.memory_space<vmem_shared>> -> memref<5248x128xf32, #tpu.memory_space<vmem_shared>>
          tpu.wait_indirect_dma semaphore(%run_scoped3A_1418 : memref<!tpu.dma_semaphore, #tpu.memory_space<semaphore_mem>>) src(%arg13 : memref<80x128xf32, #tpu.memory_space<vmem>>) dst(%dma_wait3A_1424 : memref<5248x128xf32, #tpu.memory_space<vmem_shared>>)
          tpu.yield
        }) : () -> ()
      }
      %while3A_1105 = arith.constant 1 : i32
      scf.for %while3A_1127 = %while3A_1103 to %while3A_1099 step %while3A_1105  : i32 {
        %mul3A_1128 = arith.constant 2 : i32
        %mul3A_1129 = arith.muli %mul3A_1128, %while3A_1127 : i32
        %add3A_1130 = arith.addi %sub3A_1068, %mul3A_1129 : i32
        %add3A_1131 = arith.constant 1 : i32
        %add3A_1132 = arith.addi %add3A_1130, %add3A_1131 : i32
        %min3A_1133 = arith.constant 249 : i32
        %min3A_1134 = arith.minsi %add3A_1132, %min3A_1133 : i32
        %mul3A_1135 = arith.constant 16 : i32
        %mul3A_1136 = arith.muli %min3A_1134, %mul3A_1135 : i32
        %add3A_1137 = arith.addi %arg1, %mul3A_1136 : i32
        %dma_start3A_1138 = arith.constant 0 : i32
        %dma_start3A_1139 = arith.constant 0 : i32
        %dma_start3A_1140 = tpu.memref_slice %arg3[%add3A_1137, %dma_start3A_1138, %dma_start3A_1139] : memref<4000x1x80xi32, #tpu.memory_space<hbm>> -> memref<1x1x80xi32, #tpu.memory_space<hbm>>
        %dma_start3A_1141 = tpu.memref_squeeze %dma_start3A_1140 : memref<1x1x80xi32, #tpu.memory_space<hbm>> -> memref<1x80xi32, #tpu.memory_space<hbm>>
        %dma_start3A_1142 = arith.constant 0 : i32
        %dma_start3A_1143 = arith.constant 0 : i32
        %dma_start3A_1144 = tpu.memref_slice %arg3[%add3A_1137, %dma_start3A_1142, %dma_start3A_1143] : memref<4000x1x80xi32, #tpu.memory_space<hbm>> -> memref<1x1x80xi32, #tpu.memory_space<hbm>>
        %dma_start3A_1145 = tpu.memref_squeeze %dma_start3A_1144 : memref<1x1x80xi32, #tpu.memory_space<hbm>> -> memref<1x80xi32, #tpu.memory_space<hbm>>
        tpu.enqueue_dma source(%dma_start3A_1145 : memref<1x80xi32, #tpu.memory_space<hbm>>) target(%arg8 : memref<1x80xi32, #tpu.memory_space<vmem>>) target_semaphore(%run_scoped3A_1077 : memref<!tpu.dma_semaphore, #tpu.memory_space<semaphore_mem>>)
        %mul3A_1146 = arith.constant 80 : i32
        %mul3A_1147 = arith.muli %add3A_1137, %mul3A_1146 : i32
        %dma_start3A_1148 = arith.constant 0 : i32
        %dma_start3A_1149 = tpu.memref_slice %arg2[%mul3A_1147, %dma_start3A_1148] : memref<320000x128xf32, #tpu.memory_space<hbm>> -> memref<80x128xf32, #tpu.memory_space<hbm>>
        %dma_start3A_1150 = arith.constant 0 : i32
        %dma_start3A_1151 = tpu.memref_slice %arg2[%mul3A_1147, %dma_start3A_1150] : memref<320000x128xf32, #tpu.memory_space<hbm>> -> memref<80x128xf32, #tpu.memory_space<hbm>>
        tpu.enqueue_dma source(%dma_start3A_1151 : memref<80x128xf32, #tpu.memory_space<hbm>>) target(%arg12 : memref<80x128xf32, #tpu.memory_space<vmem>>) target_semaphore(%run_scoped3A_1079 : memref<!tpu.dma_semaphore, #tpu.memory_space<semaphore_mem>>)
        %min3A_1152 = arith.constant 249 : i32
        %min3A_1153 = arith.minsi %add3A_1130, %min3A_1152 : i32
        %mul3A_1154 = arith.constant 16 : i32
        %mul3A_1155 = arith.muli %min3A_1153, %mul3A_1154 : i32
        %add3A_1156 = arith.addi %arg1, %mul3A_1155 : i32
        %dma_wait3A_1157 = arith.constant 0 : i32
        %dma_wait3A_1158 = arith.constant 0 : i32
        %dma_wait3A_1159 = tpu.memref_slice %arg3[%add3A_1156, %dma_wait3A_1157, %dma_wait3A_1158] : memref<4000x1x80xi32, #tpu.memory_space<hbm>> -> memref<1x1x80xi32, #tpu.memory_space<hbm>>
        %dma_wait3A_1160 = tpu.memref_squeeze %dma_wait3A_1159 : memref<1x1x80xi32, #tpu.memory_space<hbm>> -> memref<1x80xi32, #tpu.memory_space<hbm>>
        %dma_wait3A_1161 = arith.constant 0 : i32
        %dma_wait3A_1162 = arith.constant 0 : i32
        %dma_wait3A_1163 = tpu.memref_slice %arg3[%add3A_1156, %dma_wait3A_1161, %dma_wait3A_1162] : memref<4000x1x80xi32, #tpu.memory_space<hbm>> -> memref<1x1x80xi32, #tpu.memory_space<hbm>>
        %dma_wait3A_1164 = tpu.memref_squeeze %dma_wait3A_1163 : memref<1x1x80xi32, #tpu.memory_space<hbm>> -> memref<1x80xi32, #tpu.memory_space<hbm>>
        tpu.wait_dma2 semaphore(%run_scoped3A : memref<!tpu.dma_semaphore, #tpu.memory_space<semaphore_mem>>) src(%dma_wait3A_1164 : memref<1x80xi32, #tpu.memory_space<hbm>>) dst(%arg7 : memref<1x80xi32, #tpu.memory_space<vmem>>)
        %mul3A_1165 = arith.constant 80 : i32
        %mul3A_1166 = arith.muli %add3A_1156, %mul3A_1165 : i32
        %dma_wait3A_1167 = arith.constant 0 : i32
        %dma_wait3A_1168 = tpu.memref_slice %arg2[%mul3A_1166, %dma_wait3A_1167] : memref<320000x128xf32, #tpu.memory_space<hbm>> -> memref<80x128xf32, #tpu.memory_space<hbm>>
        %dma_wait3A_1169 = arith.constant 0 : i32
        %dma_wait3A_1170 = tpu.memref_slice %arg2[%mul3A_1166, %dma_wait3A_1169] : memref<320000x128xf32, #tpu.memory_space<hbm>> -> memref<80x128xf32, #tpu.memory_space<hbm>>
        tpu.wait_dma2 semaphore(%run_scoped3A_1078 : memref<!tpu.dma_semaphore, #tpu.memory_space<semaphore_mem>>) src(%dma_wait3A_1170 : memref<80x128xf32, #tpu.memory_space<hbm>>) dst(%arg11 : memref<80x128xf32, #tpu.memory_space<vmem>>)
        %get3A_1171 = arith.constant 0 : i32
        %get3A_1172 = arith.index_cast %get3A_1171 : i32 to index
        %get3A_1173 = arith.constant 0 : index
        %get3A_1174 = tpu.vector_load %arg7[%get3A_1172, %get3A_1173] {strides = array<i32>} : memref<1x80xi32, #tpu.memory_space<vmem>>, vector<1x16xi32>,
        %get3A_1175 = vector.shape_cast %get3A_1174 : vector<1x16xi32> to vector<16xi32>
        %sub3A_1176 = vector.broadcast %mul3A_1060 : i32 to vector<16xi32>
        %sub3A_1177 = arith.subi %get3A_1175, %sub3A_1176 : vector<16xi32>
        %ge3A = arith.constant 0 : i32
        %ge3A_1178 = vector.broadcast %ge3A : i32 to vector<16xi32>
        %ge3A_1179 = arith.cmpi sge, %sub3A_1177, %ge3A_1178 : vector<16xi32>
        %lt3A = arith.constant 5120 : i32
        %lt3A_1180 = vector.broadcast %lt3A : i32 to vector<16xi32>
        %lt3A_1181 = arith.cmpi slt, %sub3A_1177, %lt3A_1180 : vector<16xi32>
        %and3A = arith.andi %ge3A_1179, %lt3A_1181 : vector<16xi1>
        %jit3A = arith.constant 5120 : i32
        %broadcast_in_dim3A_1182 = vector.broadcast %jit3A : i32 to vector<16xi32>
        %select_n3A = arith.select %and3A, %sub3A_1177, %broadcast_in_dim3A_1182 : vector<16xi1>, vector<16xi32>
        %swap3A_1183 = arith.constant 0 : index
        %swap3A_1184 = tpu.vector_load %arg9[%swap3A_1183] {strides = array<i32>} : memref<80xi32, #tpu.memory_space<vmem>>, vector<16xi32>,
        %swap3A_1185 = vector.shape_cast %swap3A_1184 : vector<16xi32> to vector<16xi32>
        %swap3A_1186 = vector.shape_cast %select_n3A : vector<16xi32> to vector<16xi32>
        tpu.vector_store %arg9[%swap3A_1183], %swap3A_1186 {strides = array<i32>} : memref<80xi32, #tpu.memory_space<vmem>>, vector<16xi32>,
        %get3A_1187 = arith.constant 0 : i32
        %get3A_1188 = arith.index_cast %get3A_1187 : i32 to index
        %get3A_1189 = arith.constant 16 : index
        %get3A_1190 = tpu.vector_load %arg7[%get3A_1188, %get3A_1189] {strides = array<i32>} : memref<1x80xi32, #tpu.memory_space<vmem>>, vector<1x16xi32>,
        %get3A_1191 = vector.shape_cast %get3A_1190 : vector<1x16xi32> to vector<16xi32>
        %sub3A_1192 = vector.broadcast %mul3A_1060 : i32 to vector<16xi32>
        %sub3A_1193 = arith.subi %get3A_1191, %sub3A_1192 : vector<16xi32>
        %ge3A_1194 = arith.constant 0 : i32
        %ge3A_1195 = vector.broadcast %ge3A_1194 : i32 to vector<16xi32>
        %ge3A_1196 = arith.cmpi sge, %sub3A_1193, %ge3A_1195 : vector<16xi32>
        %lt3A_1197 = arith.constant 5120 : i32
        %lt3A_1198 = vector.broadcast %lt3A_1197 : i32 to vector<16xi32>
        %lt3A_1199 = arith.cmpi slt, %sub3A_1193, %lt3A_1198 : vector<16xi32>
        %and3A_1200 = arith.andi %ge3A_1196, %lt3A_1199 : vector<16xi1>
        %jit3A_1201 = arith.constant 5120 : i32
        %broadcast_in_dim3A_1202 = vector.broadcast %jit3A_1201 : i32 to vector<16xi32>
        %select_n3A_1203 = arith.select %and3A_1200, %sub3A_1193, %broadcast_in_dim3A_1202 : vector<16xi1>, vector<16xi32>
        %swap3A_1204 = arith.constant 16 : index
        %swap3A_1205 = tpu.vector_load %arg9[%swap3A_1204] {strides = array<i32>} : memref<80xi32, #tpu.memory_space<vmem>>, vector<16xi32>,
        %swap3A_1206 = vector.shape_cast %swap3A_1205 : vector<16xi32> to vector<16xi32>
        %swap3A_1207 = vector.shape_cast %select_n3A_1203 : vector<16xi32> to vector<16xi32>
        tpu.vector_store %arg9[%swap3A_1204], %swap3A_1207 {strides = array<i32>} : memref<80xi32, #tpu.memory_space<vmem>>, vector<16xi32>,
        %get3A_1208 = arith.constant 0 : i32
        %get3A_1209 = arith.index_cast %get3A_1208 : i32 to index
        %get3A_1210 = arith.constant 32 : index
        %get3A_1211 = tpu.vector_load %arg7[%get3A_1209, %get3A_1210] {strides = array<i32>} : memref<1x80xi32, #tpu.memory_space<vmem>>, vector<1x16xi32>,
        %get3A_1212 = vector.shape_cast %get3A_1211 : vector<1x16xi32> to vector<16xi32>
        %sub3A_1213 = vector.broadcast %mul3A_1060 : i32 to vector<16xi32>
        %sub3A_1214 = arith.subi %get3A_1212, %sub3A_1213 : vector<16xi32>
        %ge3A_1215 = arith.constant 0 : i32
        %ge3A_1216 = vector.broadcast %ge3A_1215 : i32 to vector<16xi32>
        %ge3A_1217 = arith.cmpi sge, %sub3A_1214, %ge3A_1216 : vector<16xi32>
        %lt3A_1218 = arith.constant 5120 : i32
        %lt3A_1219 = vector.broadcast %lt3A_1218 : i32 to vector<16xi32>
        %lt3A_1220 = arith.cmpi slt, %sub3A_1214, %lt3A_1219 : vector<16xi32>
        %and3A_1221 = arith.andi %ge3A_1217, %lt3A_1220 : vector<16xi1>
        %jit3A_1222 = arith.constant 5120 : i32
        %broadcast_in_dim3A_1223 = vector.broadcast %jit3A_1222 : i32 to vector<16xi32>
        %select_n3A_1224 = arith.select %and3A_1221, %sub3A_1214, %broadcast_in_dim3A_1223 : vector<16xi1>, vector<16xi32>
        %swap3A_1225 = arith.constant 32 : index
        %swap3A_1226 = tpu.vector_load %arg9[%swap3A_1225] {strides = array<i32>} : memref<80xi32, #tpu.memory_space<vmem>>, vector<16xi32>,
        %swap3A_1227 = vector.shape_cast %swap3A_1226 : vector<16xi32> to vector<16xi32>
        %swap3A_1228 = vector.shape_cast %select_n3A_1224 : vector<16xi32> to vector<16xi32>
        tpu.vector_store %arg9[%swap3A_1225], %swap3A_1228 {strides = array<i32>} : memref<80xi32, #tpu.memory_space<vmem>>, vector<16xi32>,
        %get3A_1229 = arith.constant 0 : i32
        %get3A_1230 = arith.index_cast %get3A_1229 : i32 to index
        %get3A_1231 = arith.constant 48 : index
        %get3A_1232 = tpu.vector_load %arg7[%get3A_1230, %get3A_1231] {strides = array<i32>} : memref<1x80xi32, #tpu.memory_space<vmem>>, vector<1x16xi32>,
        %get3A_1233 = vector.shape_cast %get3A_1232 : vector<1x16xi32> to vector<16xi32>
        %sub3A_1234 = vector.broadcast %mul3A_1060 : i32 to vector<16xi32>
        %sub3A_1235 = arith.subi %get3A_1233, %sub3A_1234 : vector<16xi32>
        %ge3A_1236 = arith.constant 0 : i32
        %ge3A_1237 = vector.broadcast %ge3A_1236 : i32 to vector<16xi32>
        %ge3A_1238 = arith.cmpi sge, %sub3A_1235, %ge3A_1237 : vector<16xi32>
        %lt3A_1239 = arith.constant 5120 : i32
        %lt3A_1240 = vector.broadcast %lt3A_1239 : i32 to vector<16xi32>
        %lt3A_1241 = arith.cmpi slt, %sub3A_1235, %lt3A_1240 : vector<16xi32>
        %and3A_1242 = arith.andi %ge3A_1238, %lt3A_1241 : vector<16xi1>
        %jit3A_1243 = arith.constant 5120 : i32
        %broadcast_in_dim3A_1244 = vector.broadcast %jit3A_1243 : i32 to vector<16xi32>
        %select_n3A_1245 = arith.select %and3A_1242, %sub3A_1235, %broadcast_in_dim3A_1244 : vector<16xi1>, vector<16xi32>
        %swap3A_1246 = arith.constant 48 : index
        %swap3A_1247 = tpu.vector_load %arg9[%swap3A_1246] {strides = array<i32>} : memref<80xi32, #tpu.memory_space<vmem>>, vector<16xi32>,
        %swap3A_1248 = vector.shape_cast %swap3A_1247 : vector<16xi32> to vector<16xi32>
        %swap3A_1249 = vector.shape_cast %select_n3A_1245 : vector<16xi32> to vector<16xi32>
        tpu.vector_store %arg9[%swap3A_1246], %swap3A_1249 {strides = array<i32>} : memref<80xi32, #tpu.memory_space<vmem>>, vector<16xi32>,
        %get3A_1250 = arith.constant 0 : i32
        %get3A_1251 = arith.index_cast %get3A_1250 : i32 to index
        %get3A_1252 = arith.constant 64 : index
        %get3A_1253 = tpu.vector_load %arg7[%get3A_1251, %get3A_1252] {strides = array<i32>} : memref<1x80xi32, #tpu.memory_space<vmem>>, vector<1x16xi32>,
        %get3A_1254 = vector.shape_cast %get3A_1253 : vector<1x16xi32> to vector<16xi32>
        %sub3A_1255 = vector.broadcast %mul3A_1060 : i32 to vector<16xi32>
        %sub3A_1256 = arith.subi %get3A_1254, %sub3A_1255 : vector<16xi32>
        %ge3A_1257 = arith.constant 0 : i32
        %ge3A_1258 = vector.broadcast %ge3A_1257 : i32 to vector<16xi32>
        %ge3A_1259 = arith.cmpi sge, %sub3A_1256, %ge3A_1258 : vector<16xi32>
        %lt3A_1260 = arith.constant 5120 : i32
        %lt3A_1261 = vector.broadcast %lt3A_1260 : i32 to vector<16xi32>
        %lt3A_1262 = arith.cmpi slt, %sub3A_1256, %lt3A_1261 : vector<16xi32>
        %and3A_1263 = arith.andi %ge3A_1259, %lt3A_1262 : vector<16xi1>
        %jit3A_1264 = arith.constant 5120 : i32
        %broadcast_in_dim3A_1265 = vector.broadcast %jit3A_1264 : i32 to vector<16xi32>
        %select_n3A_1266 = arith.select %and3A_1263, %sub3A_1256, %broadcast_in_dim3A_1265 : vector<16xi1>, vector<16xi32>
        %swap3A_1267 = arith.constant 64 : index
        %swap3A_1268 = tpu.vector_load %arg9[%swap3A_1267] {strides = array<i32>} : memref<80xi32, #tpu.memory_space<vmem>>, vector<16xi32>,
        %swap3A_1269 = vector.shape_cast %swap3A_1268 : vector<16xi32> to vector<16xi32>
        %swap3A_1270 = vector.shape_cast %select_n3A_1266 : vector<16xi32> to vector<16xi32>
        tpu.vector_store %arg9[%swap3A_1267], %swap3A_1270 {strides = array<i32>} : memref<80xi32, #tpu.memory_space<vmem>>, vector<16xi32>,
        "tpu.region"() ({
          %run_scoped3A_1418 = tpu.sem_alloc : memref<!tpu.dma_semaphore, #tpu.memory_space<semaphore_mem>>
          %dma_start3A_1419 = arith.constant 0 : i32
          %dma_start3A_1420 = arith.constant 0 : i32
          %dma_start3A_1421 = tpu.memref_slice %arg17[%dma_start3A_1419, %dma_start3A_1420] : memref<5248x128xf32, #tpu.memory_space<vmem_shared>> -> memref<5248x128xf32, #tpu.memory_space<vmem_shared>>
          tpu.enqueue_indirect_dma source(%arg11 : memref<80x128xf32, #tpu.memory_space<vmem>>) target(%dma_start3A_1421 : memref<5248x128xf32, #tpu.memory_space<vmem_shared>>) offsets(%arg9 : memref<80xi32, #tpu.memory_space<vmem>>) semaphore(%run_scoped3A_1418 : memref<!tpu.dma_semaphore, #tpu.memory_space<semaphore_mem>>) {add = true}
          %dma_wait3A_1422 = arith.constant 0 : i32
          %dma_wait3A_1423 = arith.constant 0 : i32
          %dma_wait3A_1424 = tpu.memref_slice %arg17[%dma_wait3A_1422, %dma_wait3A_1423] : memref<5248x128xf32, #tpu.memory_space<vmem_shared>> -> memref<5248x128xf32, #tpu.memory_space<vmem_shared>>
          tpu.wait_indirect_dma semaphore(%run_scoped3A_1418 : memref<!tpu.dma_semaphore, #tpu.memory_space<semaphore_mem>>) src(%arg11 : memref<80x128xf32, #tpu.memory_space<vmem>>) dst(%dma_wait3A_1424 : memref<5248x128xf32, #tpu.memory_space<vmem_shared>>)
          tpu.yield
        }) : () -> ()
        "tpu.region"() ({
          %run_scoped3A_1418 = tpu.sem_alloc : memref<!tpu.dma_semaphore, #tpu.memory_space<semaphore_mem>>
          %dma_start3A_1419 = arith.constant 0 : i32
          %dma_start3A_1420 = arith.constant 0 : i32
          %dma_start3A_1421 = tpu.memref_slice %arg18[%dma_start3A_1419, %dma_start3A_1420] : memref<5248x128xf32, #tpu.memory_space<vmem_shared>> -> memref<5248x128xf32, #tpu.memory_space<vmem_shared>>
          tpu.enqueue_indirect_dma source(%arg13 : memref<80x128xf32, #tpu.memory_space<vmem>>) target(%dma_start3A_1421 : memref<5248x128xf32, #tpu.memory_space<vmem_shared>>) offsets(%arg9 : memref<80xi32, #tpu.memory_space<vmem>>) semaphore(%run_scoped3A_1418 : memref<!tpu.dma_semaphore, #tpu.memory_space<semaphore_mem>>) {add = true}
          %dma_wait3A_1422 = arith.constant 0 : i32
          %dma_wait3A_1423 = arith.constant 0 : i32
          %dma_wait3A_1424 = tpu.memref_slice %arg18[%dma_wait3A_1422, %dma_wait3A_1423] : memref<5248x128xf32, #tpu.memory_space<vmem_shared>> -> memref<5248x128xf32, #tpu.memory_space<vmem_shared>>
          tpu.wait_indirect_dma semaphore(%run_scoped3A_1418 : memref<!tpu.dma_semaphore, #tpu.memory_space<semaphore_mem>>) src(%arg13 : memref<80x128xf32, #tpu.memory_space<vmem>>) dst(%dma_wait3A_1424 : memref<5248x128xf32, #tpu.memory_space<vmem_shared>>)
          tpu.yield
        }) : () -> ()
        %add3A_1271 = arith.constant 2 : i32
        %add3A_1272 = arith.addi %add3A_1130, %add3A_1271 : i32
        %min3A_1273 = arith.constant 249 : i32
        %min3A_1274 = arith.minsi %add3A_1272, %min3A_1273 : i32
        %mul3A_1275 = arith.constant 16 : i32
        %mul3A_1276 = arith.muli %min3A_1274, %mul3A_1275 : i32
        %add3A_1277 = arith.addi %arg1, %mul3A_1276 : i32
        %dma_start3A_1278 = arith.constant 0 : i32
        %dma_start3A_1279 = arith.constant 0 : i32
        %dma_start3A_1280 = tpu.memref_slice %arg3[%add3A_1277, %dma_start3A_1278, %dma_start3A_1279] : memref<4000x1x80xi32, #tpu.memory_space<hbm>> -> memref<1x1x80xi32, #tpu.memory_space<hbm>>
        %dma_start3A_1281 = tpu.memref_squeeze %dma_start3A_1280 : memref<1x1x80xi32, #tpu.memory_space<hbm>> -> memref<1x80xi32, #tpu.memory_space<hbm>>
        %dma_start3A_1282 = arith.constant 0 : i32
        %dma_start3A_1283 = arith.constant 0 : i32
        %dma_start3A_1284 = tpu.memref_slice %arg3[%add3A_1277, %dma_start3A_1282, %dma_start3A_1283] : memref<4000x1x80xi32, #tpu.memory_space<hbm>> -> memref<1x1x80xi32, #tpu.memory_space<hbm>>
        %dma_start3A_1285 = tpu.memref_squeeze %dma_start3A_1284 : memref<1x1x80xi32, #tpu.memory_space<hbm>> -> memref<1x80xi32, #tpu.memory_space<hbm>>
        tpu.enqueue_dma source(%dma_start3A_1285 : memref<1x80xi32, #tpu.memory_space<hbm>>) target(%arg7 : memref<1x80xi32, #tpu.memory_space<vmem>>) target_semaphore(%run_scoped3A : memref<!tpu.dma_semaphore, #tpu.memory_space<semaphore_mem>>)
        %mul3A_1286 = arith.constant 80 : i32
        %mul3A_1287 = arith.muli %add3A_1277, %mul3A_1286 : i32
        %dma_start3A_1288 = arith.constant 0 : i32
        %dma_start3A_1289 = tpu.memref_slice %arg2[%mul3A_1287, %dma_start3A_1288] : memref<320000x128xf32, #tpu.memory_space<hbm>> -> memref<80x128xf32, #tpu.memory_space<hbm>>
        %dma_start3A_1290 = arith.constant 0 : i32
        %dma_start3A_1291 = tpu.memref_slice %arg2[%mul3A_1287, %dma_start3A_1290] : memref<320000x128xf32, #tpu.memory_space<hbm>> -> memref<80x128xf32, #tpu.memory_space<hbm>>
        tpu.enqueue_dma source(%dma_start3A_1291 : memref<80x128xf32, #tpu.memory_space<hbm>>) target(%arg11 : memref<80x128xf32, #tpu.memory_space<vmem>>) target_semaphore(%run_scoped3A_1078 : memref<!tpu.dma_semaphore, #tpu.memory_space<semaphore_mem>>)
        %add3A_1292 = arith.constant 1 : i32
        %add3A_1293 = arith.addi %add3A_1130, %add3A_1292 : i32
        %min3A_1294 = arith.constant 249 : i32
        %min3A_1295 = arith.minsi %add3A_1293, %min3A_1294 : i32
        %mul3A_1296 = arith.constant 16 : i32
        %mul3A_1297 = arith.muli %min3A_1295, %mul3A_1296 : i32
        %add3A_1298 = arith.addi %arg1, %mul3A_1297 : i32
        %dma_wait3A_1299 = arith.constant 0 : i32
        %dma_wait3A_1300 = arith.constant 0 : i32
        %dma_wait3A_1301 = tpu.memref_slice %arg3[%add3A_1298, %dma_wait3A_1299, %dma_wait3A_1300] : memref<4000x1x80xi32, #tpu.memory_space<hbm>> -> memref<1x1x80xi32, #tpu.memory_space<hbm>>
        %dma_wait3A_1302 = tpu.memref_squeeze %dma_wait3A_1301 : memref<1x1x80xi32, #tpu.memory_space<hbm>> -> memref<1x80xi32, #tpu.memory_space<hbm>>
        %dma_wait3A_1303 = arith.constant 0 : i32
        %dma_wait3A_1304 = arith.constant 0 : i32
        %dma_wait3A_1305 = tpu.memref_slice %arg3[%add3A_1298, %dma_wait3A_1303, %dma_wait3A_1304] : memref<4000x1x80xi32, #tpu.memory_space<hbm>> -> memref<1x1x80xi32, #tpu.memory_space<hbm>>
        %dma_wait3A_1306 = tpu.memref_squeeze %dma_wait3A_1305 : memref<1x1x80xi32, #tpu.memory_space<hbm>> -> memref<1x80xi32, #tpu.memory_space<hbm>>
        tpu.wait_dma2 semaphore(%run_scoped3A_1077 : memref<!tpu.dma_semaphore, #tpu.memory_space<semaphore_mem>>) src(%dma_wait3A_1306 : memref<1x80xi32, #tpu.memory_space<hbm>>) dst(%arg8 : memref<1x80xi32, #tpu.memory_space<vmem>>)
        %mul3A_1307 = arith.constant 80 : i32
        %mul3A_1308 = arith.muli %add3A_1298, %mul3A_1307 : i32
        %dma_wait3A_1309 = arith.constant 0 : i32
        %dma_wait3A_1310 = tpu.memref_slice %arg2[%mul3A_1308, %dma_wait3A_1309] : memref<320000x128xf32, #tpu.memory_space<hbm>> -> memref<80x128xf32, #tpu.memory_space<hbm>>
        %dma_wait3A_1311 = arith.constant 0 : i32
        %dma_wait3A_1312 = tpu.memref_slice %arg2[%mul3A_1308, %dma_wait3A_1311] : memref<320000x128xf32, #tpu.memory_space<hbm>> -> memref<80x128xf32, #tpu.memory_space<hbm>>
        tpu.wait_dma2 semaphore(%run_scoped3A_1079 : memref<!tpu.dma_semaphore, #tpu.memory_space<semaphore_mem>>) src(%dma_wait3A_1312 : memref<80x128xf32, #tpu.memory_space<hbm>>) dst(%arg12 : memref<80x128xf32, #tpu.memory_space<vmem>>)
        %get3A_1313 = arith.constant 0 : i32
        %get3A_1314 = arith.index_cast %get3A_1313 : i32 to index
        %get3A_1315 = arith.constant 0 : index
        %get3A_1316 = tpu.vector_load %arg8[%get3A_1314, %get3A_1315] {strides = array<i32>} : memref<1x80xi32, #tpu.memory_space<vmem>>, vector<1x16xi32>,
        %get3A_1317 = vector.shape_cast %get3A_1316 : vector<1x16xi32> to vector<16xi32>
        %sub3A_1318 = vector.broadcast %mul3A_1060 : i32 to vector<16xi32>
        %sub3A_1319 = arith.subi %get3A_1317, %sub3A_1318 : vector<16xi32>
        %ge3A_1320 = arith.constant 0 : i32
        %ge3A_1321 = vector.broadcast %ge3A_1320 : i32 to vector<16xi32>
        %ge3A_1322 = arith.cmpi sge, %sub3A_1319, %ge3A_1321 : vector<16xi32>
        %lt3A_1323 = arith.constant 5120 : i32
        %lt3A_1324 = vector.broadcast %lt3A_1323 : i32 to vector<16xi32>
        %lt3A_1325 = arith.cmpi slt, %sub3A_1319, %lt3A_1324 : vector<16xi32>
        %and3A_1326 = arith.andi %ge3A_1322, %lt3A_1325 : vector<16xi1>
        %jit3A_1327 = arith.constant 5120 : i32
        %broadcast_in_dim3A_1328 = vector.broadcast %jit3A_1327 : i32 to vector<16xi32>
        %select_n3A_1329 = arith.select %and3A_1326, %sub3A_1319, %broadcast_in_dim3A_1328 : vector<16xi1>, vector<16xi32>
        %swap3A_1330 = arith.constant 0 : index
        %swap3A_1331 = tpu.vector_load %arg10[%swap3A_1330] {strides = array<i32>} : memref<80xi32, #tpu.memory_space<vmem>>, vector<16xi32>,
        %swap3A_1332 = vector.shape_cast %swap3A_1331 : vector<16xi32> to vector<16xi32>
        %swap3A_1333 = vector.shape_cast %select_n3A_1329 : vector<16xi32> to vector<16xi32>
        tpu.vector_store %arg10[%swap3A_1330], %swap3A_1333 {strides = array<i32>} : memref<80xi32, #tpu.memory_space<vmem>>, vector<16xi32>,
        %get3A_1334 = arith.constant 0 : i32
        %get3A_1335 = arith.index_cast %get3A_1334 : i32 to index
        %get3A_1336 = arith.constant 16 : index
        %get3A_1337 = tpu.vector_load %arg8[%get3A_1335, %get3A_1336] {strides = array<i32>} : memref<1x80xi32, #tpu.memory_space<vmem>>, vector<1x16xi32>,
        %get3A_1338 = vector.shape_cast %get3A_1337 : vector<1x16xi32> to vector<16xi32>
        %sub3A_1339 = vector.broadcast %mul3A_1060 : i32 to vector<16xi32>
        %sub3A_1340 = arith.subi %get3A_1338, %sub3A_1339 : vector<16xi32>
        %ge3A_1341 = arith.constant 0 : i32
        %ge3A_1342 = vector.broadcast %ge3A_1341 : i32 to vector<16xi32>
        %ge3A_1343 = arith.cmpi sge, %sub3A_1340, %ge3A_1342 : vector<16xi32>
        %lt3A_1344 = arith.constant 5120 : i32
        %lt3A_1345 = vector.broadcast %lt3A_1344 : i32 to vector<16xi32>
        %lt3A_1346 = arith.cmpi slt, %sub3A_1340, %lt3A_1345 : vector<16xi32>
        %and3A_1347 = arith.andi %ge3A_1343, %lt3A_1346 : vector<16xi1>
        %jit3A_1348 = arith.constant 5120 : i32
        %broadcast_in_dim3A_1349 = vector.broadcast %jit3A_1348 : i32 to vector<16xi32>
        %select_n3A_1350 = arith.select %and3A_1347, %sub3A_1340, %broadcast_in_dim3A_1349 : vector<16xi1>, vector<16xi32>
        %swap3A_1351 = arith.constant 16 : index
        %swap3A_1352 = tpu.vector_load %arg10[%swap3A_1351] {strides = array<i32>} : memref<80xi32, #tpu.memory_space<vmem>>, vector<16xi32>,
        %swap3A_1353 = vector.shape_cast %swap3A_1352 : vector<16xi32> to vector<16xi32>
        %swap3A_1354 = vector.shape_cast %select_n3A_1350 : vector<16xi32> to vector<16xi32>
        tpu.vector_store %arg10[%swap3A_1351], %swap3A_1354 {strides = array<i32>} : memref<80xi32, #tpu.memory_space<vmem>>, vector<16xi32>,
        %get3A_1355 = arith.constant 0 : i32
        %get3A_1356 = arith.index_cast %get3A_1355 : i32 to index
        %get3A_1357 = arith.constant 32 : index
        %get3A_1358 = tpu.vector_load %arg8[%get3A_1356, %get3A_1357] {strides = array<i32>} : memref<1x80xi32, #tpu.memory_space<vmem>>, vector<1x16xi32>,
        %get3A_1359 = vector.shape_cast %get3A_1358 : vector<1x16xi32> to vector<16xi32>
        %sub3A_1360 = vector.broadcast %mul3A_1060 : i32 to vector<16xi32>
        %sub3A_1361 = arith.subi %get3A_1359, %sub3A_1360 : vector<16xi32>
        %ge3A_1362 = arith.constant 0 : i32
        %ge3A_1363 = vector.broadcast %ge3A_1362 : i32 to vector<16xi32>
        %ge3A_1364 = arith.cmpi sge, %sub3A_1361, %ge3A_1363 : vector<16xi32>
        %lt3A_1365 = arith.constant 5120 : i32
        %lt3A_1366 = vector.broadcast %lt3A_1365 : i32 to vector<16xi32>
        %lt3A_1367 = arith.cmpi slt, %sub3A_1361, %lt3A_1366 : vector<16xi32>
        %and3A_1368 = arith.andi %ge3A_1364, %lt3A_1367 : vector<16xi1>
        %jit3A_1369 = arith.constant 5120 : i32
        %broadcast_in_dim3A_1370 = vector.broadcast %jit3A_1369 : i32 to vector<16xi32>
        %select_n3A_1371 = arith.select %and3A_1368, %sub3A_1361, %broadcast_in_dim3A_1370 : vector<16xi1>, vector<16xi32>
        %swap3A_1372 = arith.constant 32 : index
        %swap3A_1373 = tpu.vector_load %arg10[%swap3A_1372] {strides = array<i32>} : memref<80xi32, #tpu.memory_space<vmem>>, vector<16xi32>,
        %swap3A_1374 = vector.shape_cast %swap3A_1373 : vector<16xi32> to vector<16xi32>
        %swap3A_1375 = vector.shape_cast %select_n3A_1371 : vector<16xi32> to vector<16xi32>
        tpu.vector_store %arg10[%swap3A_1372], %swap3A_1375 {strides = array<i32>} : memref<80xi32, #tpu.memory_space<vmem>>, vector<16xi32>,
        %get3A_1376 = arith.constant 0 : i32
        %get3A_1377 = arith.index_cast %get3A_1376 : i32 to index
        %get3A_1378 = arith.constant 48 : index
        %get3A_1379 = tpu.vector_load %arg8[%get3A_1377, %get3A_1378] {strides = array<i32>} : memref<1x80xi32, #tpu.memory_space<vmem>>, vector<1x16xi32>,
        %get3A_1380 = vector.shape_cast %get3A_1379 : vector<1x16xi32> to vector<16xi32>
        %sub3A_1381 = vector.broadcast %mul3A_1060 : i32 to vector<16xi32>
        %sub3A_1382 = arith.subi %get3A_1380, %sub3A_1381 : vector<16xi32>
        %ge3A_1383 = arith.constant 0 : i32
        %ge3A_1384 = vector.broadcast %ge3A_1383 : i32 to vector<16xi32>
        %ge3A_1385 = arith.cmpi sge, %sub3A_1382, %ge3A_1384 : vector<16xi32>
        %lt3A_1386 = arith.constant 5120 : i32
        %lt3A_1387 = vector.broadcast %lt3A_1386 : i32 to vector<16xi32>
        %lt3A_1388 = arith.cmpi slt, %sub3A_1382, %lt3A_1387 : vector<16xi32>
        %and3A_1389 = arith.andi %ge3A_1385, %lt3A_1388 : vector<16xi1>
        %jit3A_1390 = arith.constant 5120 : i32
        %broadcast_in_dim3A_1391 = vector.broadcast %jit3A_1390 : i32 to vector<16xi32>
        %select_n3A_1392 = arith.select %and3A_1389, %sub3A_1382, %broadcast_in_dim3A_1391 : vector<16xi1>, vector<16xi32>
        %swap3A_1393 = arith.constant 48 : index
        %swap3A_1394 = tpu.vector_load %arg10[%swap3A_1393] {strides = array<i32>} : memref<80xi32, #tpu.memory_space<vmem>>, vector<16xi32>,
        %swap3A_1395 = vector.shape_cast %swap3A_1394 : vector<16xi32> to vector<16xi32>
        %swap3A_1396 = vector.shape_cast %select_n3A_1392 : vector<16xi32> to vector<16xi32>
        tpu.vector_store %arg10[%swap3A_1393], %swap3A_1396 {strides = array<i32>} : memref<80xi32, #tpu.memory_space<vmem>>, vector<16xi32>,
        %get3A_1397 = arith.constant 0 : i32
        %get3A_1398 = arith.index_cast %get3A_1397 : i32 to index
        %get3A_1399 = arith.constant 64 : index
        %get3A_1400 = tpu.vector_load %arg8[%get3A_1398, %get3A_1399] {strides = array<i32>} : memref<1x80xi32, #tpu.memory_space<vmem>>, vector<1x16xi32>,
        %get3A_1401 = vector.shape_cast %get3A_1400 : vector<1x16xi32> to vector<16xi32>
        %sub3A_1402 = vector.broadcast %mul3A_1060 : i32 to vector<16xi32>
        %sub3A_1403 = arith.subi %get3A_1401, %sub3A_1402 : vector<16xi32>
        %ge3A_1404 = arith.constant 0 : i32
        %ge3A_1405 = vector.broadcast %ge3A_1404 : i32 to vector<16xi32>
        %ge3A_1406 = arith.cmpi sge, %sub3A_1403, %ge3A_1405 : vector<16xi32>
        %lt3A_1407 = arith.constant 5120 : i32
        %lt3A_1408 = vector.broadcast %lt3A_1407 : i32 to vector<16xi32>
        %lt3A_1409 = arith.cmpi slt, %sub3A_1403, %lt3A_1408 : vector<16xi32>
        %and3A_1410 = arith.andi %ge3A_1406, %lt3A_1409 : vector<16xi1>
        %jit3A_1411 = arith.constant 5120 : i32
        %broadcast_in_dim3A_1412 = vector.broadcast %jit3A_1411 : i32 to vector<16xi32>
        %select_n3A_1413 = arith.select %and3A_1410, %sub3A_1403, %broadcast_in_dim3A_1412 : vector<16xi1>, vector<16xi32>
        %swap3A_1414 = arith.constant 64 : index
        %swap3A_1415 = tpu.vector_load %arg10[%swap3A_1414] {strides = array<i32>} : memref<80xi32, #tpu.memory_space<vmem>>, vector<16xi32>,
        %swap3A_1416 = vector.shape_cast %swap3A_1415 : vector<16xi32> to vector<16xi32>
        %swap3A_1417 = vector.shape_cast %select_n3A_1413 : vector<16xi32> to vector<16xi32>
        tpu.vector_store %arg10[%swap3A_1414], %swap3A_1417 {strides = array<i32>} : memref<80xi32, #tpu.memory_space<vmem>>, vector<16xi32>,
        "tpu.region"() ({
          %run_scoped3A_1418 = tpu.sem_alloc : memref<!tpu.dma_semaphore, #tpu.memory_space<semaphore_mem>>
          %dma_start3A_1419 = arith.constant 0 : i32
          %dma_start3A_1420 = arith.constant 0 : i32
          %dma_start3A_1421 = tpu.memref_slice %arg17[%dma_start3A_1419, %dma_start3A_1420] : memref<5248x128xf32, #tpu.memory_space<vmem_shared>> -> memref<5248x128xf32, #tpu.memory_space<vmem_shared>>
          tpu.enqueue_indirect_dma source(%arg12 : memref<80x128xf32, #tpu.memory_space<vmem>>) target(%dma_start3A_1421 : memref<5248x128xf32, #tpu.memory_space<vmem_shared>>) offsets(%arg10 : memref<80xi32, #tpu.memory_space<vmem>>) semaphore(%run_scoped3A_1418 : memref<!tpu.dma_semaphore, #tpu.memory_space<semaphore_mem>>) {add = true}
          %dma_wait3A_1422 = arith.constant 0 : i32
          %dma_wait3A_1423 = arith.constant 0 : i32
          %dma_wait3A_1424 = tpu.memref_slice %arg17[%dma_wait3A_1422, %dma_wait3A_1423] : memref<5248x128xf32, #tpu.memory_space<vmem_shared>> -> memref<5248x128xf32, #tpu.memory_space<vmem_shared>>
          tpu.wait_indirect_dma semaphore(%run_scoped3A_1418 : memref<!tpu.dma_semaphore, #tpu.memory_space<semaphore_mem>>) src(%arg12 : memref<80x128xf32, #tpu.memory_space<vmem>>) dst(%dma_wait3A_1424 : memref<5248x128xf32, #tpu.memory_space<vmem_shared>>)
          tpu.yield
        }) : () -> ()
        "tpu.region"() ({
          %run_scoped3A_1418 = tpu.sem_alloc : memref<!tpu.dma_semaphore, #tpu.memory_space<semaphore_mem>>
          %dma_start3A_1419 = arith.constant 0 : i32
          %dma_start3A_1420 = arith.constant 0 : i32
          %dma_start3A_1421 = tpu.memref_slice %arg18[%dma_start3A_1419, %dma_start3A_1420] : memref<5248x128xf32, #tpu.memory_space<vmem_shared>> -> memref<5248x128xf32, #tpu.memory_space<vmem_shared>>
          tpu.enqueue_indirect_dma source(%arg13 : memref<80x128xf32, #tpu.memory_space<vmem>>) target(%dma_start3A_1421 : memref<5248x128xf32, #tpu.memory_space<vmem_shared>>) offsets(%arg10 : memref<80xi32, #tpu.memory_space<vmem>>) semaphore(%run_scoped3A_1418 : memref<!tpu.dma_semaphore, #tpu.memory_space<semaphore_mem>>) {add = true}
          %dma_wait3A_1422 = arith.constant 0 : i32
          %dma_wait3A_1423 = arith.constant 0 : i32
          %dma_wait3A_1424 = tpu.memref_slice %arg18[%dma_wait3A_1422, %dma_wait3A_1423] : memref<5248x128xf32, #tpu.memory_space<vmem_shared>> -> memref<5248x128xf32, #tpu.memory_space<vmem_shared>>
          tpu.wait_indirect_dma semaphore(%run_scoped3A_1418 : memref<!tpu.dma_semaphore, #tpu.memory_space<semaphore_mem>>) src(%arg13 : memref<80x128xf32, #tpu.memory_space<vmem>>) dst(%dma_wait3A_1424 : memref<5248x128xf32, #tpu.memory_space<vmem_shared>>)
          tpu.yield
        }) : () -> ()
      }
      %mul3A_1106 = arith.constant 2 : i32
      %mul3A_1107 = arith.muli %mul3A_1106, %div3A_1075 : i32
      %add3A_1108 = arith.addi %sub3A_1068, %mul3A_1107 : i32
      %min3A_1109 = arith.constant 249 : i32
      %min3A_1110 = arith.minsi %add3A_1108, %min3A_1109 : i32
      %mul3A_1111 = arith.constant 16 : i32
      %mul3A_1112 = arith.muli %min3A_1110, %mul3A_1111 : i32
      %add3A_1113 = arith.addi %arg1, %mul3A_1112 : i32
      %dma_wait3A = arith.constant 0 : i32
      %dma_wait3A_1114 = arith.constant 0 : i32
      %dma_wait3A_1115 = tpu.memref_slice %arg3[%add3A_1113, %dma_wait3A, %dma_wait3A_1114] : memref<4000x1x80xi32, #tpu.memory_space<hbm>> -> memref<1x1x80xi32, #tpu.memory_space<hbm>>
      %dma_wait3A_1116 = tpu.memref_squeeze %dma_wait3A_1115 : memref<1x1x80xi32, #tpu.memory_space<hbm>> -> memref<1x80xi32, #tpu.memory_space<hbm>>
      %dma_wait3A_1117 = arith.constant 0 : i32
      %dma_wait3A_1118 = arith.constant 0 : i32
      %dma_wait3A_1119 = tpu.memref_slice %arg3[%add3A_1113, %dma_wait3A_1117, %dma_wait3A_1118] : memref<4000x1x80xi32, #tpu.memory_space<hbm>> -> memref<1x1x80xi32, #tpu.memory_space<hbm>>
      %dma_wait3A_1120 = tpu.memref_squeeze %dma_wait3A_1119 : memref<1x1x80xi32, #tpu.memory_space<hbm>> -> memref<1x80xi32, #tpu.memory_space<hbm>>
      tpu.wait_dma2 semaphore(%run_scoped3A : memref<!tpu.dma_semaphore, #tpu.memory_space<semaphore_mem>>) src(%dma_wait3A_1120 : memref<1x80xi32, #tpu.memory_space<hbm>>) dst(%arg7 : memref<1x80xi32, #tpu.memory_space<vmem>>)
      %mul3A_1121 = arith.constant 80 : i32
      %mul3A_1122 = arith.muli %add3A_1113, %mul3A_1121 : i32
      %dma_wait3A_1123 = arith.constant 0 : i32
      %dma_wait3A_1124 = tpu.memref_slice %arg2[%mul3A_1122, %dma_wait3A_1123] : memref<320000x128xf32, #tpu.memory_space<hbm>> -> memref<80x128xf32, #tpu.memory_space<hbm>>
      %dma_wait3A_1125 = arith.constant 0 : i32
      %dma_wait3A_1126 = tpu.memref_slice %arg2[%mul3A_1122, %dma_wait3A_1125] : memref<320000x128xf32, #tpu.memory_space<hbm>> -> memref<80x128xf32, #tpu.memory_space<hbm>>
      tpu.wait_dma2 semaphore(%run_scoped3A_1078 : memref<!tpu.dma_semaphore, #tpu.memory_space<semaphore_mem>>) src(%dma_wait3A_1126 : memref<80x128xf32, #tpu.memory_space<hbm>>) dst(%arg11 : memref<80x128xf32, #tpu.memory_space<vmem>>)
      tpu.yield
    }) : () -> ()
    %barrier3A_1076 = arith.constant 0 : index
    tpu.barrier barrier_id(%barrier3A_1076)
    "tpu.region"() ({
      %run_scoped3A = tpu.sem_alloc : memref<!tpu.dma_semaphore, #tpu.memory_space<semaphore_mem>>
      %dma_start3A = arith.constant 0 : i32
      %dma_start3A_1077 = tpu.memref_slice %arg5[%arg0, %mul3A_1027, %dma_start3A] : memref<2x5248x128xf32, #tpu.memory_space<hbm>> -> memref<1x328x128xf32, #tpu.memory_space<hbm>>
      %dma_start3A_1078 = tpu.memref_squeeze %dma_start3A_1077 : memref<1x328x128xf32, #tpu.memory_space<hbm>> -> memref<328x128xf32, #tpu.memory_space<hbm>>
      %dma_start3A_1079 = arith.constant 0 : i32
      %dma_start3A_1080 = tpu.memref_slice %arg17[%mul3A_1027, %dma_start3A_1079] : memref<5248x128xf32, #tpu.memory_space<vmem_shared>> -> memref<328x128xf32, #tpu.memory_space<vmem_shared>>
      tpu.enqueue_dma source(%dma_start3A_1080 : memref<328x128xf32, #tpu.memory_space<vmem_shared>>) target(%dma_start3A_1078 : memref<328x128xf32, #tpu.memory_space<hbm>>) target_semaphore(%run_scoped3A : memref<!tpu.dma_semaphore, #tpu.memory_space<semaphore_mem>>)
      %dma_wait3A = arith.constant 0 : i32
      %dma_wait3A_1081 = tpu.memref_slice %arg5[%arg0, %mul3A_1027, %dma_wait3A] : memref<2x5248x128xf32, #tpu.memory_space<hbm>> -> memref<1x328x128xf32, #tpu.memory_space<hbm>>
      %dma_wait3A_1082 = tpu.memref_squeeze %dma_wait3A_1081 : memref<1x328x128xf32, #tpu.memory_space<hbm>> -> memref<328x128xf32, #tpu.memory_space<hbm>>
      %dma_wait3A_1083 = arith.constant 0 : i32
      %dma_wait3A_1084 = tpu.memref_slice %arg17[%mul3A_1027, %dma_wait3A_1083] : memref<5248x128xf32, #tpu.memory_space<vmem_shared>> -> memref<328x128xf32, #tpu.memory_space<vmem_shared>>
      tpu.wait_dma2 semaphore(%run_scoped3A : memref<!tpu.dma_semaphore, #tpu.memory_space<semaphore_mem>>) src(%dma_wait3A_1084 : memref<328x128xf32, #tpu.memory_space<vmem_shared>>) dst(%dma_wait3A_1082 : memref<328x128xf32, #tpu.memory_space<hbm>>)
      tpu.yield
    }) : () -> ()
    "tpu.region"() ({
      %run_scoped3A = tpu.sem_alloc : memref<!tpu.dma_semaphore, #tpu.memory_space<semaphore_mem>>
      %dma_start3A = arith.constant 0 : i32
      %dma_start3A_1077 = tpu.memref_slice %arg6[%arg0, %mul3A_1027, %dma_start3A] : memref<2x5248x128xf32, #tpu.memory_space<hbm>> -> memref<1x328x128xf32, #tpu.memory_space<hbm>>
      %dma_start3A_1078 = tpu.memref_squeeze %dma_start3A_1077 : memref<1x328x128xf32, #tpu.memory_space<hbm>> -> memref<328x128xf32, #tpu.memory_space<hbm>>
      %dma_start3A_1079 = arith.constant 0 : i32
      %dma_start3A_1080 = tpu.memref_slice %arg18[%mul3A_1027, %dma_start3A_1079] : memref<5248x128xf32, #tpu.memory_space<vmem_shared>> -> memref<328x128xf32, #tpu.memory_space<vmem_shared>>
      tpu.enqueue_dma source(%dma_start3A_1080 : memref<328x128xf32, #tpu.memory_space<vmem_shared>>) target(%dma_start3A_1078 : memref<328x128xf32, #tpu.memory_space<hbm>>) target_semaphore(%run_scoped3A : memref<!tpu.dma_semaphore, #tpu.memory_space<semaphore_mem>>)
      %dma_wait3A = arith.constant 0 : i32
      %dma_wait3A_1081 = tpu.memref_slice %arg6[%arg0, %mul3A_1027, %dma_wait3A] : memref<2x5248x128xf32, #tpu.memory_space<hbm>> -> memref<1x328x128xf32, #tpu.memory_space<hbm>>
      %dma_wait3A_1082 = tpu.memref_squeeze %dma_wait3A_1081 : memref<1x328x128xf32, #tpu.memory_space<hbm>> -> memref<328x128xf32, #tpu.memory_space<hbm>>
      %dma_wait3A_1083 = arith.constant 0 : i32
      %dma_wait3A_1084 = tpu.memref_slice %arg18[%mul3A_1027, %dma_wait3A_1083] : memref<5248x128xf32, #tpu.memory_space<vmem_shared>> -> memref<328x128xf32, #tpu.memory_space<vmem_shared>>
      tpu.wait_dma2 semaphore(%run_scoped3A : memref<!tpu.dma_semaphore, #tpu.memory_space<semaphore_mem>>) src(%dma_wait3A_1084 : memref<328x128xf32, #tpu.memory_space<vmem_shared>>) dst(%dma_wait3A_1082 : memref<328x128xf32, #tpu.memory_space<hbm>>)
      tpu.yield
    }) : () -> ()
    return
  }
}

module attributes {stable_mosaic.version = 14 : i64} {
  func.func @_combine_body(%arg0: i32, %arg1: memref<1x1280x128xf32, #tpu.memory_space<vmem>>, %arg2: memref<1x1280x128xf32, #tpu.memory_space<vmem>>, %arg3: memref<1280x128xf32, #tpu.memory_space<vmem>>) attributes {dimension_semantics = [#tpu.dimension_semantics<arbitrary>], iteration_bounds = array<i64: 8>, scalar_prefetch = 0 : i64, scratch_operands = 0 : i64, tpu.core_type = #tpu.core_type<tc>, window_params = [{transform_indices = @transform_0, window_bounds = array<i64: 1, 1280, 128>}, {transform_indices = @transform_1, window_bounds = array<i64: 1, 1280, 128>}, {transform_indices = @transform_2, window_bounds = array<i64: 1280, 128>}]} {
    %get3A = arith.constant 0 : index
    %get3A_0 = arith.constant 0 : index
    %get3A_1 = arith.constant 0 : index
    %get3A_2 = vector.load %arg1[%get3A, %get3A_0, %get3A_1] : memref<1x1280x128xf32, #tpu.memory_space<vmem>>, vector<1x1280x128xf32>
    %get3A_3 = vector.shape_cast %get3A_2 : vector<1x1280x128xf32> to vector<1280x128xf32>
    %get3A_4 = arith.constant 0 : index
    %get3A_5 = arith.constant 0 : index
    %get3A_6 = arith.constant 0 : index
    %get3A_7 = vector.load %arg2[%get3A_4, %get3A_5, %get3A_6] : memref<1x1280x128xf32, #tpu.memory_space<vmem>>, vector<1x1280x128xf32>
    %get3A_8 = vector.shape_cast %get3A_7 : vector<1x1280x128xf32> to vector<1280x128xf32>
    %slice3A = vector.extract_strided_slice %get3A_8 {offsets = [0, 0], sizes = [1280, 1], strides = [1, 1]} : vector<1280x128xf32> to vector<1280x1xf32>
    %max3A = arith.constant 1.000000e+00 : f32
    %max3A_9 = vector.broadcast %max3A : f32 to vector<1280x1xf32>
    %max3A_10 = arith.maximumf %slice3A, %max3A_9 : vector<1280x1xf32>
    %div3A = vector.broadcast %max3A_10 : vector<1280x1xf32> to vector<1280x128xf32>
    %div3A_11 = arith.divf %get3A_3, %div3A : vector<1280x128xf32>
    %swap3A = arith.constant 0 : index
    %swap3A_12 = arith.constant 0 : index
    %swap3A_13 = vector.load %arg3[%swap3A, %swap3A_12] : memref<1280x128xf32, #tpu.memory_space<vmem>>, vector<1280x128xf32>
    tpu.vector_store %arg3[%swap3A, %swap3A_12], %div3A_11 {strides = array<i32>} : memref<1280x128xf32, #tpu.memory_space<vmem>>, vector<1280x128xf32>,
    return
  }
  func.func @transform_0(%arg0: i32) -> (i32, i32, i32) {
    %jit3A = arith.constant 4 : i32
    %div3A = arith.divsi %arg0, %jit3A : i32
    %sign3A = arith.constant 0 : i32
    %sign3A_0 = arith.cmpi sgt, %arg0, %sign3A : i32
    %sign3A_1 = arith.extui %sign3A_0 : i1 to i32
    %sign3A_2 = arith.constant 0 : i32
    %sign3A_3 = arith.cmpi slt, %arg0, %sign3A_2 : i32
    %sign3A_4 = arith.extui %sign3A_3 : i1 to i32
    %sign3A_5 = arith.subi %sign3A_1, %sign3A_4 : i32
    %sign3A_6 = arith.constant 0 : i32
    %sign3A_7 = arith.cmpi sgt, %jit3A, %sign3A_6 : i32
    %sign3A_8 = arith.extui %sign3A_7 : i1 to i32
    %sign3A_9 = arith.constant 0 : i32
    %sign3A_10 = arith.cmpi slt, %jit3A, %sign3A_9 : i32
    %sign3A_11 = arith.extui %sign3A_10 : i1 to i32
    %sign3A_12 = arith.subi %sign3A_8, %sign3A_11 : i32
    %ne3A = arith.cmpi ne, %sign3A_5, %sign3A_12 : i32
    %rem3A = arith.remsi %arg0, %jit3A : i32
    %ne3A_13 = arith.constant 0 : i32
    %ne3A_14 = arith.cmpi ne, %rem3A, %ne3A_13 : i32
    %and3A = arith.andi %ne3A, %ne3A_14 : i1
    %sub3A = arith.constant 1 : i32
    %sub3A_15 = arith.subi %div3A, %sub3A : i32
    %select_n3A = arith.select %and3A, %sub3A_15, %div3A : i32
    %jit3A_16 = arith.constant 4 : i32
    %eq3A = arith.constant 0 : i32
    %eq3A_17 = arith.cmpi eq, %jit3A_16, %eq3A : i32
    %jit3A_18 = arith.constant 1 : i32
    %select_n3A_19 = arith.select %eq3A_17, %jit3A_18, %jit3A_16 : i32
    %rem3A_20 = arith.remsi %arg0, %select_n3A_19 : i32
    %ne3A_21 = arith.constant 0 : i32
    %ne3A_22 = arith.cmpi ne, %rem3A_20, %ne3A_21 : i32
    %lt3A = arith.constant 0 : i32
    %lt3A_23 = arith.cmpi slt, %rem3A_20, %lt3A : i32
    %lt3A_24 = arith.constant 0 : i32
    %lt3A_25 = arith.cmpi slt, %select_n3A_19, %lt3A_24 : i32
    %ne3A_26 = arith.xori %lt3A_23, %lt3A_25 : i1
    %and3A_27 = arith.andi %ne3A_26, %ne3A_22 : i1
    %add3A = arith.addi %rem3A_20, %select_n3A_19 : i32
    %select_n3A_28 = arith.select %and3A_27, %add3A, %rem3A_20 : i32
    %c0_i32 = arith.constant 0 : i32
    %c0_i32_29 = arith.constant 0 : i32
    return %select_n3A, %select_n3A_28, %c0_i32 : i32, i32, i32
  }
  func.func @transform_1(%arg0: i32) -> (i32, i32, i32) {
    %jit3A = arith.constant 4 : i32
    %div3A = arith.divsi %arg0, %jit3A : i32
    %sign3A = arith.constant 0 : i32
    %sign3A_0 = arith.cmpi sgt, %arg0, %sign3A : i32
    %sign3A_1 = arith.extui %sign3A_0 : i1 to i32
    %sign3A_2 = arith.constant 0 : i32
    %sign3A_3 = arith.cmpi slt, %arg0, %sign3A_2 : i32
    %sign3A_4 = arith.extui %sign3A_3 : i1 to i32
    %sign3A_5 = arith.subi %sign3A_1, %sign3A_4 : i32
    %sign3A_6 = arith.constant 0 : i32
    %sign3A_7 = arith.cmpi sgt, %jit3A, %sign3A_6 : i32
    %sign3A_8 = arith.extui %sign3A_7 : i1 to i32
    %sign3A_9 = arith.constant 0 : i32
    %sign3A_10 = arith.cmpi slt, %jit3A, %sign3A_9 : i32
    %sign3A_11 = arith.extui %sign3A_10 : i1 to i32
    %sign3A_12 = arith.subi %sign3A_8, %sign3A_11 : i32
    %ne3A = arith.cmpi ne, %sign3A_5, %sign3A_12 : i32
    %rem3A = arith.remsi %arg0, %jit3A : i32
    %ne3A_13 = arith.constant 0 : i32
    %ne3A_14 = arith.cmpi ne, %rem3A, %ne3A_13 : i32
    %and3A = arith.andi %ne3A, %ne3A_14 : i1
    %sub3A = arith.constant 1 : i32
    %sub3A_15 = arith.subi %div3A, %sub3A : i32
    %select_n3A = arith.select %and3A, %sub3A_15, %div3A : i32
    %jit3A_16 = arith.constant 4 : i32
    %eq3A = arith.constant 0 : i32
    %eq3A_17 = arith.cmpi eq, %jit3A_16, %eq3A : i32
    %jit3A_18 = arith.constant 1 : i32
    %select_n3A_19 = arith.select %eq3A_17, %jit3A_18, %jit3A_16 : i32
    %rem3A_20 = arith.remsi %arg0, %select_n3A_19 : i32
    %ne3A_21 = arith.constant 0 : i32
    %ne3A_22 = arith.cmpi ne, %rem3A_20, %ne3A_21 : i32
    %lt3A = arith.constant 0 : i32
    %lt3A_23 = arith.cmpi slt, %rem3A_20, %lt3A : i32
    %lt3A_24 = arith.constant 0 : i32
    %lt3A_25 = arith.cmpi slt, %select_n3A_19, %lt3A_24 : i32
    %ne3A_26 = arith.xori %lt3A_23, %lt3A_25 : i1
    %and3A_27 = arith.andi %ne3A_26, %ne3A_22 : i1
    %add3A = arith.addi %rem3A_20, %select_n3A_19 : i32
    %select_n3A_28 = arith.select %and3A_27, %add3A, %rem3A_20 : i32
    %c0_i32 = arith.constant 0 : i32
    %c0_i32_29 = arith.constant 0 : i32
    return %select_n3A, %select_n3A_28, %c0_i32 : i32, i32, i32
  }
  func.func @transform_2(%arg0: i32) -> (i32, i32) {
    %c0_i32 = arith.constant 0 : i32
    %c0_i32_0 = arith.constant 0 : i32
    return %arg0, %c0_i32 : i32, i32
  }
}

module attributes {stable_mosaic.version = 14 : i64} {
  func.func @_bounds_body(%arg0: memref<4000x80xi32, #tpu.memory_space<vmem>>, %arg1: memref<8x128xi32, #tpu.memory_space<vmem>>) attributes {dimension_semantics = [], scalar_prefetch = 0 : i64, scratch_operands = 0 : i64, tpu.core_type = #tpu.core_type<tc>} {
    %get3A = arith.constant 0 : index
    %get3A_0 = arith.constant 0 : index
    %get3A_1 = vector.load %arg0[%get3A, %get3A_0] : memref<4000x80xi32, #tpu.memory_space<vmem>>, vector<4000x80xi32>
    %lt3A = arith.constant 5120 : i32
    %lt3A_2 = vector.broadcast %lt3A : i32 to vector<4000x80xi32>
    %lt3A_3 = arith.cmpi slt, %get3A_1, %lt3A_2 : vector<4000x80xi32>
    %convert_element_type3A = arith.extui %lt3A_3 : vector<4000x80xi1> to vector<4000x80xi32>
    %reduce_sum3A = vector.shape_cast %convert_element_type3A : vector<4000x80xi32> to vector<1x4000x80xi32>
    %reduce_sum3A_4 = arith.constant dense<0> : vector<1xi32>
    %reduce_sum3A_5 = vector.multi_reduction <add>, %reduce_sum3A, %reduce_sum3A_4 [1, 2] : vector<1x4000x80xi32> to vector<1xi32>
    %reduce_sum3A_6 = vector.shape_cast %reduce_sum3A_5 : vector<1xi32> to vector<1x1x1xi32>
    %reduce_sum3A_7 = vector.extract %reduce_sum3A_6[0, 0, 0] : i32 from vector<1x1x1xi32>
    %add3A = arith.constant 80 : i32
    %add3A_8 = arith.addi %reduce_sum3A_7, %add3A : i32
    %sub3A = arith.constant 1 : i32
    %sub3A_9 = arith.subi %add3A_8, %sub3A : i32
    %jit3A = arith.constant 80 : i32
    %div3A = arith.divsi %sub3A_9, %jit3A : i32
    %sign3A = arith.constant 0 : i32
    %sign3A_10 = arith.cmpi sgt, %sub3A_9, %sign3A : i32
    %sign3A_11 = arith.extui %sign3A_10 : i1 to i32
    %sign3A_12 = arith.constant 0 : i32
    %sign3A_13 = arith.cmpi slt, %sub3A_9, %sign3A_12 : i32
    %sign3A_14 = arith.extui %sign3A_13 : i1 to i32
    %sign3A_15 = arith.subi %sign3A_11, %sign3A_14 : i32
    %sign3A_16 = arith.constant 0 : i32
    %sign3A_17 = arith.cmpi sgt, %jit3A, %sign3A_16 : i32
    %sign3A_18 = arith.extui %sign3A_17 : i1 to i32
    %sign3A_19 = arith.constant 0 : i32
    %sign3A_20 = arith.cmpi slt, %jit3A, %sign3A_19 : i32
    %sign3A_21 = arith.extui %sign3A_20 : i1 to i32
    %sign3A_22 = arith.subi %sign3A_18, %sign3A_21 : i32
    %ne3A = arith.cmpi ne, %sign3A_15, %sign3A_22 : i32
    %rem3A = arith.remsi %sub3A_9, %jit3A : i32
    %ne3A_23 = arith.constant 0 : i32
    %ne3A_24 = arith.cmpi ne, %rem3A, %ne3A_23 : i32
    %and3A = arith.andi %ne3A, %ne3A_24 : i1
    %sub3A_25 = arith.constant 1 : i32
    %sub3A_26 = arith.subi %div3A, %sub3A_25 : i32
    %select_n3A = arith.select %and3A, %sub3A_26, %div3A : i32
    %jit3A_27 = arith.constant 80 : i32
    %div3A_28 = arith.divsi %reduce_sum3A_7, %jit3A_27 : i32
    %sign3A_29 = arith.constant 0 : i32
    %sign3A_30 = arith.cmpi sgt, %reduce_sum3A_7, %sign3A_29 : i32
    %sign3A_31 = arith.extui %sign3A_30 : i1 to i32
    %sign3A_32 = arith.constant 0 : i32
    %sign3A_33 = arith.cmpi slt, %reduce_sum3A_7, %sign3A_32 : i32
    %sign3A_34 = arith.extui %sign3A_33 : i1 to i32
    %sign3A_35 = arith.subi %sign3A_31, %sign3A_34 : i32
    %sign3A_36 = arith.constant 0 : i32
    %sign3A_37 = arith.cmpi sgt, %jit3A_27, %sign3A_36 : i32
    %sign3A_38 = arith.extui %sign3A_37 : i1 to i32
    %sign3A_39 = arith.constant 0 : i32
    %sign3A_40 = arith.cmpi slt, %jit3A_27, %sign3A_39 : i32
    %sign3A_41 = arith.extui %sign3A_40 : i1 to i32
    %sign3A_42 = arith.subi %sign3A_38, %sign3A_41 : i32
    %ne3A_43 = arith.cmpi ne, %sign3A_35, %sign3A_42 : i32
    %rem3A_44 = arith.remsi %reduce_sum3A_7, %jit3A_27 : i32
    %ne3A_45 = arith.constant 0 : i32
    %ne3A_46 = arith.cmpi ne, %rem3A_44, %ne3A_45 : i32
    %and3A_47 = arith.andi %ne3A_43, %ne3A_46 : i1
    %sub3A_48 = arith.constant 1 : i32
    %sub3A_49 = arith.subi %div3A_28, %sub3A_48 : i32
    %select_n3A_50 = arith.select %and3A_47, %sub3A_49, %div3A_28 : i32
    %iota3A = tpu.iota {dimensions = array<i32: 0>} : vector<8x128xi32>
    %iota3A_51 = tpu.iota {dimensions = array<i32: 1>} : vector<8x128xi32>
    %eq3A = arith.constant 0 : i32
    %eq3A_52 = vector.broadcast %eq3A : i32 to vector<8x128xi32>
    %eq3A_53 = arith.cmpi eq, %iota3A, %eq3A_52 : vector<8x128xi32>
    %eq3A_54 = arith.constant 0 : i32
    %eq3A_55 = vector.broadcast %eq3A_54 : i32 to vector<8x128xi32>
    %eq3A_56 = arith.cmpi eq, %iota3A_51, %eq3A_55 : vector<8x128xi32>
    %and3A_57 = arith.andi %eq3A_53, %eq3A_56 : vector<8x128xi1>
    %eq3A_58 = arith.constant 0 : i32
    %eq3A_59 = vector.broadcast %eq3A_58 : i32 to vector<8x128xi32>
    %eq3A_60 = arith.cmpi eq, %iota3A, %eq3A_59 : vector<8x128xi32>
    %eq3A_61 = arith.constant 1 : i32
    %eq3A_62 = vector.broadcast %eq3A_61 : i32 to vector<8x128xi32>
    %eq3A_63 = arith.cmpi eq, %iota3A_51, %eq3A_62 : vector<8x128xi32>
    %and3A_64 = arith.andi %eq3A_60, %eq3A_63 : vector<8x128xi1>
    %jit3A_65 = arith.constant 0 : i32
    %broadcast_in_dim3A = vector.broadcast %select_n3A_50 : i32 to vector<8x128xi32>
    %broadcast_in_dim3A_66 = vector.broadcast %jit3A_65 : i32 to vector<8x128xi32>
    %select_n3A_67 = arith.select %and3A_64, %broadcast_in_dim3A, %broadcast_in_dim3A_66 : vector<8x128xi1>, vector<8x128xi32>
    %broadcast_in_dim3A_68 = vector.broadcast %select_n3A : i32 to vector<8x128xi32>
    %select_n3A_69 = arith.select %and3A_57, %broadcast_in_dim3A_68, %select_n3A_67 : vector<8x128xi1>, vector<8x128xi32>
    %swap3A = arith.constant 0 : index
    %swap3A_70 = arith.constant 0 : index
    %swap3A_71 = vector.load %arg1[%swap3A, %swap3A_70] : memref<8x128xi32, #tpu.memory_space<vmem>>, vector<8x128xi32>
    tpu.vector_store %arg1[%swap3A, %swap3A_70], %select_n3A_69 {strides = array<i32>} : memref<8x128xi32, #tpu.memory_space<vmem>>, vector<8x128xi32>,
    return
  }
}

</mosaic_0001>

<sc_bundles>
// kernel: _impl.5.cloned.1.call-start
scs
__scs_entry_jumppad:
0x0: {  	(pc) =	sbr.rel $0x88, $3  }
0x1: {  	(tag) =	ssettag $0x0;
	lr =	simm.s32 $0x1  }
0x2: {  	[smem:$0x3F9F] =	sst lr;
	_ =	strace $0xD0000000  }
0x3: {  	_ = 	snop  }
0x4: {  	_ = 	snop  }
0x5: {  	_ = 	snop  }
0x6: {  	_ = 	snop  }
0x7: {  	_ = 	snop  }
__scs_overlays_trampoline_lowered:
0x8: {  	[smem:$0x3FAE] =	sst s0  }
0x9: {  	[smem:$0x3FAF] =	sst s1  }
0xa: {  	[smem:$0x3FB0] =	sst s2  }
0xb: {  	[smem:$0x3FB1] =	sst s3  }
0xc: {  	[smem:$0x3FB2] =	sst s4  }
0xd: {  	[smem:$0x3FB3] =	sst s5  }
0xe: {  	[smem:$0x3FB4] =	sst s6  }
0xf: {  	[smem:$0x3FB5] =	sst s7  }
0x10: {  	[smem:$0x3FB6] =	sst s8  }
0x11: {  	[smem:$0x3FB7] =	sst s9;
	s0 =	simm.s32 @!p0 $0x0  }
0x12: {  	s1 =	sld [smem:$0x3F9D];
	s0 =	simm.s32 @p0 $0x1  }
0x13: {  	[smem:$0x3FB8] =	sst s0;
	s0 =	simm.s32 @!p1 $0x0  }
0x14: {  	s2 =	sld [smem:$0x3F9C];
	s0 =	simm.s32 @p1 $0x1  }
0x15: {  	[smem:$0x3FB9] =	sst s0;
	s0 =	simm.s32 @!p2 $0x0  }
0x16: {  	s3 =	sld [smem:$0x3FDB];
	s0 =	simm.s32 @p2 $0x1  }
0x17: {  	s4 =	simm.s32 $0x1BF5;
	[smem:$0x3FBB] =	sst s0  }
0x18: {  	s0 =	sld [smem:$0x3F9E];
	_ =	swait.ge [sflag:s4], $0x0  }
0x19: {  	s7 =	sld [smem:$0x3F9F]  }
0x1a: {  	s8 =	sadd.s32 $0xFFFFE003, lr  }
0x1b: {  	s9 =	sadd.s32 $0xFFFFFEF7, lr;
	s5 =	simm.s32 $0xFFFFFFFF;
	p2 =	slt.u32 s8, $0xFFFFF086  }
0x1c: {  	p1 =	slt.u32 s9, $0xF7A;
	s5 =	simm.s32 @!p2 $0x0  }
0x1d: {  	s5 =	simm.s32 @p1 $0x1;
	p0 =	seq.s32 s7, s2  }
0x1e: {  	s7 =	smul.u32 @!p0 $0xF7A, s2;
	p2 =	seq.s32 @!p0 s5, $0x0  }
0x1f: {  	s9 =	smul.u32 $0xF7A, s1;
	s8 =	simm.s32 @!p0 $0x1BF5;
	p2 =	por !p2, p0  }
0x20: {  	[sflag:s8] =	ssyncset.s32 @!p0 $0xFFFFF086;
	s6 =	sadd.s32 @!p0 s3, s7;
	s7 =	simm.s32 @!p0 $0x108  }
0x21: {  	s3 =	sadd.s32 s3, s9;
	s6 =	sadd.s32 @!p0 $0x88, s6;
	s7 =	simm.s32 @p2 $0x1082  }
0x22: {  	[simem:s7], [sflag:s8] =	dma.local @!p0 [hbm:s6], $0xF7A  }
0x23: {  	s9 =	sor.u32 $0xD0000000, s2;
	s6 =	simm.s32 $0x108;
	_ =	swait.ge @!p0 [sflag:s8], $0x0  }
0x24: {  	s3 =	sadd.s32 $0x88, s3;
	s6 =	simm.s32 @!p1 $0x1082;
	[sflag:s4] =	ssyncset.s32 $0xFFFFF086  }
0x25: {  	[simem:s6], [sflag:s4] =	dma.local [hbm:s3], $0xF7A  }
0x26: {  	[smem:$0x3F9F] =	sst s1;
	(tag) =	ssettag s2;
	_ =	strace s9  }
0x27: {  	s1 =	sld [smem:$0x3FAF]  }
0x28: {  	s2 =	sld [smem:$0x3FB0]  }
0x29: {  	s4 =	sld [smem:$0x3FB2]  }
0x2a: {  	p0 =	seq.s32 s5, $0x0;
	s5 =	sld [smem:$0x3FB3]  }
0x2b: {  	s6 =	sld [smem:$0x3FB4]  }
0x2c: {  	s7 =	sld [smem:$0x3FB5]  }
0x2d: {  	s3 =	simm.s32 $0x108;
	s8 =	sld [smem:$0x3FB6]  }
0x2e: {  	s3 =	simm.s32 @!p0 $0x1082;
	s9 =	sld [smem:$0x3FB7]  }
0x2f: {  	lr =	sadd.s32 s0, s3;
	s0 =	sld [smem:$0x3FAE]  }
0x30: {  	s3 =	sld [smem:$0x3FB1]  }
0x31: {  	[smem:$0x3FBA] =	sst s10  }
0x32: {  	s10 =	sld [smem:$0x3FB8];
	_ =	sdelay $0x3  }
0x33: {  	p0 =	seq.s32 s10, $0x1;
	s10 =	sld [smem:$0x3FBA];
	_ =	sdelay $0x3  }
0x34: {  	[smem:$0x3FBA] =	sst s10  }
0x35: {  	s10 =	sld [smem:$0x3FB9];
	_ =	sdelay $0x3  }
0x36: {  	p1 =	seq.s32 s10, $0x1;
	s10 =	sld [smem:$0x3FBA];
	_ =	sdelay $0x3  }
0x37: {  	[smem:$0x3FBA] =	sst s10  }
0x38: {  	s10 =	sld [smem:$0x3FBB]  }
0x39: {  	_ = 	snop;
	(pc) =	sbr.ind lr, $3  }
0x3a: {  	_ = 	snop  }
0x3b: {  	_ = 	snop  }
0x3c: {  	p2 =	seq.s32 s10, $0x1;
	s10 =	sld [smem:$0x3FBA]  }
0x3d: {  	_ =	shalt  }
0x3e: {  	_ =	shalt  }
0x3f: {  	_ =	shalt  }
0x40: {  	_ =	shalt  }
0x41: {  	_ =	shalt  }
0x42: {  	_ =	shalt  }
0x43: {  	_ =	shalt  }
0x44: {  	_ =	shalt  }
0x45: {  	_ =	shalt  }
0x46: {  	_ =	shalt  }
0x47: {  	_ =	shalt  }
0x48: {  	_ =	shalt  }
0x49: {  	_ =	shalt  }
0x4a: {  	_ =	shalt  }
0x4b: {  	_ =	shalt  }
0x4c: {  	_ =	shalt  }
0x4d: {  	_ =	shalt  }
0x4e: {  	_ =	shalt  }
0x4f: {  	_ =	shalt  }
0x50: {  	_ =	shalt  }
0x51: {  	_ =	shalt  }
0x52: {  	_ =	shalt  }
0x53: {  	_ =	shalt  }
0x54: {  	_ =	shalt  }
0x55: {  	_ =	shalt  }
0x56: {  	_ =	shalt  }
0x57: {  	_ =	shalt  }
0x58: {  	_ =	shalt  }
0x59: {  	_ =	shalt  }
0x5a: {  	_ =	shalt  }
0x5b: {  	_ =	shalt  }
0x5c: {  	_ =	shalt  }
0x5d: {  	_ =	shalt  }
0x5e: {  	_ =	shalt  }
0x5f: {  	_ =	shalt  }
0x60: {  	_ =	shalt  }
0x61: {  	_ =	shalt  }
0x62: {  	_ =	shalt  }
0x63: {  	_ =	shalt  }
0x64: {  	_ =	shalt  }
0x65: {  	_ =	shalt  }
0x66: {  	_ =	shalt  }
0x67: {  	_ =	shalt  }
0x68: {  	_ =	shalt  }
0x69: {  	_ =	shalt  }
0x6a: {  	_ =	shalt  }
0x6b: {  	_ =	shalt  }
0x6c: {  	_ =	shalt  }
0x6d: {  	_ =	shalt  }
0x6e: {  	_ =	shalt  }
0x6f: {  	_ =	shalt  }
0x70: {  	_ =	shalt  }
0x71: {  	_ =	shalt  }
0x72: {  	_ =	shalt  }
0x73: {  	_ =	shalt  }
0x74: {  	_ =	shalt  }
0x75: {  	_ =	shalt  }
0x76: {  	_ =	shalt  }
0x77: {  	_ =	shalt  }
0x78: {  	_ =	shalt  }
0x79: {  	_ =	shalt  }
0x7a: {  	_ =	shalt  }
0x7b: {  	_ =	shalt  }
0x7c: {  	_ =	shalt  }
0x7d: {  	_ =	shalt  }
0x7e: {  	_ =	shalt  }
0x7f: {  	_ =	shalt  }
0x80: {  	_ =	shalt  }
0x81: {  	_ =	shalt  }
0x82: {  	_ =	shalt  }
0x83: {  	_ =	shalt  }
0x84: {  	_ =	shalt  }
0x85: {  	_ =	shalt  }
0x86: {  	_ =	shalt  }
0x87: {  	_ =	shalt  }
.Lfunc_end0:
.L_simem_size_0:
called_computation_lowered:
.L_overlay_start_0:
0x88: {  	s2 =	sld [smem:$0x3FD9]  }
0x89: {  	s3 =	sld [smem:$0x3FFE];
	_ =	sdelay $0x1  }
0x8a: {  	s1 =	srdreg.scid  }
0x8b: {  	s0 =	sand.u32 $0x1, s1  }
0x8c: {  	s17 =	sshll.u32 s0, $0xA;
	s2 =	sadd.s32 s3, s2  }
0x8d: {  	s2 =	sadd.s32 s2, s17  }
0x8e: {  	[smem:$0x3FC6] =	sst s2  }
0x8f: {  	_ = 	snop  }
0x90: {  	s2 =	sld [smem:$0x3FC9]  }
0x91: {  	s18 =	sld [smem:$0x3FD0];
	(tm) =	ssettm $0x1  }
0x92: {  	s4 =	sld [smem:$0x3FFB];
	_ =	sdelay $0x3  }
0x93: {  	_ =	strace s4  }
0x94: {  	s4 =	sld [smem:$0x3FFC];
	_ =	sdelay $0x3  }
0x95: {  	_ =	strace s4  }
0x96: {  	s4 =	sld [smem:$0x3FFD];
	_ =	sdelay $0x3  }
0x97: {  	_ =	strace s4  }
0x98: {  	_ =	strace $0x8FFFFFFF  }
0x99: {  	s19 =	sld [smem:$0x3FDB];
	_ =	sdelay $0x1  }
0x9a: {  	s5 =	simm.s32 $_scs_section_size  }
0x9b: {  	s6 =	simm.s32 $_size__tile_overlayer_lowered;
	s7 =	simm.s32 $_tile_overlayer_lowered  }
0x9c: {  	s22 =	simm.s32 $0x1BFF;
	s21 =	sshll.u32 s7, $0x1;
	s4 =	sadd.s32 s5, s19  }
0x9d: {  	s8 =	simm.s32 $0x0;
	s20 =	sshll.u32 s6, $0x1;
	s6 =	sadd.s32 s21, s4  }
0x9e: {  	[timem:s8], [sflag:s22] =	dma.local [hbm:s6], s20  }
0x9f: {  	_ =	swait.ge [sflag:s22], s20  }
0xa0: {  	s5 =	ssub.s32 $0x0, s20;
	[sflag:s22] =	ssyncset.done $0x0  }
0xa1: {  	[sflag:s22] =	ssyncadd.s32 s5;
	_ =	sdelay $0x1  }
0xa2: {  	s23 =	simm.s32 $0x1B8B  }
0xa3: {  	_ =	swait.ge [sflag:s23], $0x1  }
0xa4: {  	[sflag:s23] =	ssyncset.done $0x0  }
0xa5: {  	s25 =	simm.s32 $0x1B8E;
	s24 =	sld [smem:$0x3FFE];
	[sflag:s23] =	ssyncadd.s32 $0xFFFFFFFF  }
0xa6: {  	s26 =	simm.s32 $execute0_lowered;
	[smem:$0x3FD2] =	sst s25  }
0xa7: {  	s6 =	sshll.u32 s26, $0x1;
	_ =	strace $0x80000046;
	[dreg:$0x1] =	wrdreg $0xFFFFFFFF  }
0xa8: {  	s28 =	simm.s32 $_size_execute0_lowered;
	s4 =	sadd.s32 s4, s6;
	[dreg:$0x0] =	wrdreg $0x0  }
0xa9: {  	s6 =	sshll.u32 s28, $0x1;
	[dreg:$0x2] =	wrdreg s4  }
0xaa: {  	[dreg:$0x3] =	wrdreg s6  }
0xab: {  	[dreg:$0x4] =	wrdreg $0xC0  }
0xac: {  	_ =	task [dreg:s8], $0x5FFFF  }
0xad: {  	[dreg:$0x1] =	wrdreg $0xFFFFFFFF  }
0xae: {  	[dreg:$0x0] =	wrdreg $0x60  }
0xaf: {  	[dreg:$0x2] =	wrdreg s2  }
0xb0: {  	[dreg:$0x3] =	wrdreg s18  }
0xb1: {  	[dreg:$0x4] =	wrdreg s24  }
0xb2: {  	[dreg:$0x5] =	wrdreg $0x86000  }
0xb3: {  	[dreg:$0x6] =	wrdreg $0x12A000  }
0xb4: {  	[dreg:$0x7] =	wrdreg $0x9  }
0xb5: {  	_ =	task.clear_ibuf [dreg:s8], $0x8FFFF;
	_ =	strace $0x90000046  }
0xb6: {  	s29 =	simm.s32 $0x9;
	_ =	strace $0x80000048  }
0xb7: {  	_ =	swait.ge [sflag:s29], $0x1  }
0xb8: {  	[sflag:s29] =	ssyncadd.s32 $0xFFFFFFFF  }
0xb9: {  	_ =	strace $0x90000048  }
0xba: {  	_ =	sfence  }
0xbb: {  	s30 =	sld [smem:$0x0];
	_ =	sdelay $0x2  }
0xbc: {  	s31 =	sshll.u32 s1, $0xD;
	s1 =	sshrl.u32 s1, $0x2  }
0xbd: {  	s3 =	sand.u32 $0x4000, s31;
	s1 =	sadd.s32 s1, s30  }
0xbe: {  	s0 =	sor.u32 s3, s0;
	s1 =	sshll.u32 s1, $0x11  }
0xbf: {  	s0 =	sor.u32 s1, s0  }
0xc0: {  	s0 =	sadd.s32 $0x8F2B, s0  }
0xc1: {  	[sflag:s0] =	ssyncadd.remote.s32 $0x1  }
0xc2: {  	_ =	sfence.sel $0xFFFF  }
0xc3: {  	[dreg:$0x0] =	wrdreg $0xFFFFFFFF;
	(pc) =	sbr.abs _section_cstart, $3  }
0xc4: {  	[dreg:$0x1] =	wrdreg $0xFFFFFFFF  }
0xc5: {  	_ =	task.clear_ibuf [dreg:s8], $0x2FFFF;
	_ =	strace $0x9FFFFFFF  }
0xc6: {  	(tm) =	ssettm $0x7FFFFFFF  }
0xc7: {  	_ =	shalt  }
tec
execute0_lowered:
.L_overlay_start_1:
0x0: {  	(tag) =	ssettag $0x1  }
0x1: {  	s0 =	rddreg [dreg:$0x0]  }
0x2: {  	s2 =	rddreg [dreg:$0x1]  }
0x3: {  	s3 =	rddreg [dreg:$0x2]  }
0x4: {  	s4 =	rddreg [dreg:$0x3]  }
0x5: {  	s6 =	srdreg.scid;
	s1 =	stileid.u32  }
0x6: {  	s5 =	rddreg [dreg:$0x4];
	s7 =	simm.s32 $0x0;
	s16 =	simm.s32 $0x7A00  }
0x7: {  	s17 =	simm.s32 $0x1;
	s18 =	simm.s32 $0x7E00;
	s20 =	simm.s32 $0x200  }
0x8: {  	s21 =	simm.s32 $0x2A00;
	s22 =	simm.s32 $0x3;
	s28 =	simm.s32 $0x5  }
0x9: {  	s29 =	simm.s32 $0x5200;
	s30 =	simm.s32 $0x2;
	s8 =	smul.u32 $0xA400, s1  }
0xa: {  	s31 =	simm.s32 $0x4;
	s6 =	sand.u32 $0x1, s6;
	s14 =	smul.u32 $0x29000, s1  }
0xb: {  	[smem:$0x7FF] =	sst s7;
	s11 =	sadd.s32 $0xE00, s3;
	s9 =	smul.u32 $0xA4000, s6  }
0xc: {  	_ =	strace $0x80000047;
	s10 =	ssub.s32 $0x2, s6;
	[dreg:$0x7] =	wrdreg s11  }
0xd: {  	s11 =	smul.u32 $0x1400, s6;
	s12 =	sxor.u32 $0x1, s6;
	s25 =	sshrl.u32 s10, $0x1  }
0xe: {  	[dreg:$0x8] =	wrdreg s12;
	s19 =	sadd.s32 s8, s4;
	s13 =	sadd.s32 s8, s5  }
0xf: {  	s24 =	sshrl.u32 s14, $0x2;
	s9 =	sadd.s32 s8, s9;
	s10 =	ssub.s32 s10, s25  }
0x10: {  	s14 =	sadd.s32 s24, s5;
	s15 =	sadd.s32 s24, s4;
	s25 =	simm.s32 $0x80  }
0x11: {  	s24 =	sshrl.u32 s13, $0x3;
	s9 =	sshrl.u32 s9, $0x3;
	s23 =	smax.u32 s10, $0x1  }
.Ltmp0:
0x12: {  	[dreg:$0x6] =	wrdreg s25;
	s3 =	sadd.s32 s9, s3;
	(pc) =	sbr.rel .LBB2_1-.Ltmp0, $4  }
0x13: {  	s25 =	simm.s32 $0x50;
	[dreg:$0xb] =	wrdreg s23;
	s26 =	sadd.s32 $0x1000, s3  }
0x14: {  	s9 =	sxor.u32 $0xF, s1;
	s3 =	sadd.s32 $0x2A000, s3;
	[dreg:$0x9] =	wrdreg s26  }
0x15: {  	[dreg:$0xa] =	wrdreg s3;
	s26 =	sshrl.u32 s19, $0x3;
	s3 =	simm.s32 $0x180  }
0x16: {  	v1 =	vimm.f32 $0.0e+00;
	v2 =	vimm.f32 $1.000000000e+00;
	v0 =	vmov s11;
	s19 =	simm.s32 $0x0;
	[dreg:$0xc] =	wrdreg s26;
	s26 =	simm.s32 $0x100  }
.LBB2_7:
0x17: {  	_ = 	snop  }
.LBB2_10:
0x18: {  	[tilespmem:s20], [sflag:$0x3] =	stream.linear.gather @p0 [hbm4b:s11+s7], $0x2800, $0x38;
	[tilespmem:$0x1CE00] =	vst v63  }
0x19: {  	_ =	swait.ge @p0 [sflag:s30], $0x80  }
0x1a: {  	[sflag:s30] =	ssyncset.done @p0 $0x0  }
0x1b: {  	[sflag:s30] =	ssyncadd.s32 @p0 $0xFFFFFF80  }
0x1c: {  	_ =	swait.ge @p0 [sflag:s31], $0x2800  }
0x1d: {  	[sflag:s31] =	ssyncset.done @p0 $0x0  }
0x1e: {  	[sflag:s31] =	ssyncadd.s32 @p0 $0xFFFFD800  }
0x1f: {  	v3 =	vld @p0 [tilespmem:$0x80]  }
0x20: {  	v4 =	vld @p0 [tilespmem:$0x90]  }
0x21: {  	v5 =	vld @p0 [tilespmem:$0xA0]  }
0x22: {  	v6 =	vld @p0 [tilespmem:$0xB0]  }
0x23: {  	v7 =	vld @p0 [tilespmem:$0xC0]  }
0x24: {  	v3 =	vsub.s32 @p0 v3, v0  }
0x25: {  	v4 =	vsub.s32 @p0 v4, v0;
	v3 =	vmin.u32 @p0 v3, $0x1400  }
0x26: {  	[tilespmem:$0x180] =	vst @p0 v3;
	v3 =	vmin.u32 @p0 v4, $0x1400;
	v4 =	vsub.s32 @p0 v5, v0  }
0x27: {  	[tilespmem:$0x190] =	vst @p0 v3;
	v3 =	vmin.u32 @p0 v4, $0x1400;
	v4 =	vsub.s32 @p0 v6, v0  }
0x28: {  	s10 =	smov.u32 s8;
	[tilespmem:$0x1A0] =	vst @p0 v3;
	v3 =	vmin.u32 @p0 v4, $0x1400;
	v4 =	vsub.s32 @p0 v7, v0  }
0x29: {  	s10 =	simm.s32 @!p2 $0xF8;
	[tilespmem:$0x1B0] =	vst @p0 v3;
	v3 =	vmin.u32 @p0 v4, $0x1400  }
0x2a: {  	s10 =	sshll.u32 s10, $0x4;
	[tilespmem:$0x1C0] =	vst @p0 v3  }
0x2b: {  	[spmem:s4] =	stream.indirect.scatter.add.f32 @p0 [tilespmem:s21], [sflag:$0x5], $0x80, s3, s25, $0xb8;
	[tilespmem:$0x1CE00] =	vst v63  }
0x2c: {  	s10 =	sor.u32 s1, s10;
	_ =	swait.ge @p0 [sflag:s28], $0x2800  }
0x2d: {  	s10 =	sadd.s32 $0x10, s10;
	[sflag:s28] =	ssyncset.done @p0 $0x0  }
0x2e: {  	s23 =	smul.u32 $0x2800, s10;
	[sflag:s28] =	ssyncadd.s32 @p0 $0xFFFFD800  }
0x2f: {  	[spmem:s5] =	stream.indirect.scatter.add.f32 @p0 [tilespmem:s29], [sflag:$0x5], $0x80, s3, s25, $0xb8;
	[tilespmem:$0x1CE00] =	vst v63  }
0x30: {  	s10 =	sshll.u32 s10, $0x4;
	_ =	swait.ge @p0 [sflag:s28], $0x2800  }
0x31: {  	s10 =	sand.u32 $0x1FFFFFF0, s10;
	s11 =	sshrl.u32 s23, $0x3;
	[sflag:s28] =	ssyncset.done @p0 $0x0  }
0x32: {  	s10 =	sadd.s32 s2, s10;
	s12 =	rddreg [dreg:$0x6];
	[sflag:s28] =	ssyncadd.s32 @p0 $0xFFFFD800  }
0x33: {  	[tilespmem:s12], [sflag:$0x2] =	stream.linear.gather [hbm4b:s10+s7], $0x80, $0x38;
	[tilespmem:$0x1CE00] =	vst v63  }
0x34: {  	s13 =	sadd.s32 s0, s11  }
0x35: {  	[tilespmem:s21], [sflag:$0x4] =	stream.linear.gather [hbm4b:s13+s7], $0x2800, $0x38;
	[tilespmem:$0x1CE00] =	vst v63  }
0x36: {  	_ =	swait.ge [sflag:s17], $0x80  }
0x37: {  	[sflag:s17] =	ssyncset.done $0x0  }
0x38: {  	[sflag:s17] =	ssyncadd.s32 $0xFFFFFF80  }
0x39: {  	_ =	swait.ge [sflag:s22], $0x2800  }
0x3a: {  	[sflag:s22] =	ssyncset.done $0x0  }
0x3b: {  	[sflag:s22] =	ssyncadd.s32 $0xFFFFD800  }
0x3c: {  	v3 =	vld [tilespmem:$0x30]  }
0x3d: {  	v51 =	vld [tilespmem:$0x10]  }
0x3e: {  	v52 =	vld [tilespmem:$0x0]  }
0x3f: {  	v53 =	vld [tilespmem:$0x20]  }
0x40: {  	v54 =	vld [tilespmem:$0x40]  }
0x41: {  	v3 =	vsub.s32 v3, v0  }
0x42: {  	v4 =	vsub.s32 v51, v0;
	v3 =	vmin.u32 v3, $0x1400  }
0x43: {  	v5 =	vsub.s32 v52, v0;
	v4 =	vmin.u32 v4, $0x1400;
	[tilespmem:$0x130] =	vst v3  }
0x44: {  	v55 =	vsub.s32 v53, v0;
	v3 =	vmin.u32 v5, $0x1400;
	[tilespmem:$0x110] =	vst v4  }
0x45: {  	v56 =	vsub.s32 v54, v0;
	[tilespmem:$0x100] =	vst v3;
	v3 =	vmin.u32 v55, $0x1400  }
0x46: {  	p0 =	slt.s32 s8, $0xF7;
	[tilespmem:$0x120] =	vst v3;
	v3 =	vmin.u32 v56, $0x1400  }
0x47: {  	s8 =	simm.s32 @!p0 $0xF7;
	[tilespmem:$0x140] =	vst v3  }
0x48: {  	[spmem:s4] =	stream.indirect.scatter.add.f32 [tilespmem:s20], [sflag:$0x5], $0x80, s26, s25, $0xb8;
	[tilespmem:$0x1CE00] =	vst v63  }
0x49: {  	s8 =	sshll.u32 s8, $0x4;
	_ =	swait.ge [sflag:s28], $0x2800  }
0x4a: {  	s8 =	sor.u32 s1, s8;
	[sflag:s28] =	ssyncset.done $0x0  }
0x4b: {  	s8 =	sadd.s32 $0x20, s8;
	[sflag:s28] =	ssyncadd.s32 $0xFFFFD800  }
0x4c: {  	[spmem:s5] =	stream.indirect.scatter.add.f32 [tilespmem:s29], [sflag:$0x5], $0x80, s26, s25, $0xb8;
	[tilespmem:$0x1CE00] =	vst v63  }
0x4d: {  	s23 =	sshll.u32 s8, $0x4;
	s8 =	smul.u32 $0x2800, s8;
	_ =	swait.ge [sflag:s28], $0x2800  }
0x4e: {  	s10 =	sand.u32 $0x1FFFFFF0, s23;
	[sflag:s28] =	ssyncset.done $0x0  }
0x4f: {  	s8 =	sshrl.u32 s8, $0x3;
	s10 =	sadd.s32 s2, s10;
	[sflag:s28] =	ssyncadd.s32 $0xFFFFD800  }
0x50: {  	[tilespmem:s7], [sflag:$0x1] =	stream.linear.gather [hbm4b:s10+s7], $0x80, $0x38;
	[tilespmem:$0x1CE00] =	vst v63  }
0x51: {  	s8 =	sadd.s32 s0, s8  }
0x52: {  	[tilespmem:s20], [sflag:$0x3] =	stream.linear.gather [hbm4b:s8+s7], $0x2800, $0x38;
	[tilespmem:$0x1CE00] =	vst v63  }
0x53: {  	_ =	swait.ge [sflag:s30], $0x80  }
0x54: {  	[sflag:s30] =	ssyncset.done $0x0  }
0x55: {  	[sflag:s30] =	ssyncadd.s32 $0xFFFFFF80  }
0x56: {  	_ =	swait.ge [sflag:s31], $0x2800  }
0x57: {  	[sflag:s31] =	ssyncset.done $0x0  }
0x58: {  	[sflag:s31] =	ssyncadd.s32 $0xFFFFD800  }
0x59: {  	v3 =	vld [tilespmem:$0x80]  }
0x5a: {  	v57 =	vld [tilespmem:$0x90]  }
0x5b: {  	v58 =	vld [tilespmem:$0xA0]  }
0x5c: {  	v59 =	vld [tilespmem:$0xB0]  }
0x5d: {  	v60 =	vld [tilespmem:$0xC0]  }
0x5e: {  	v3 =	vsub.s32 v3, v0  }
0x5f: {  	v4 =	vsub.s32 v57, v0;
	v3 =	vmin.u32 v3, $0x1400  }
0x60: {  	v61 =	vsub.s32 v58, v0;
	[tilespmem:$0x180] =	vst v3;
	v3 =	vmin.u32 v4, $0x1400  }
0x61: {  	v62 =	vsub.s32 v59, v0;
	[tilespmem:$0x190] =	vst v3;
	v3 =	vmin.u32 v61, $0x1400  }
0x62: {  	v63 =	vsub.s32 v60, v0;
	[tilespmem:$0x1A0] =	vst v3;
	v3 =	vmin.u32 v62, $0x1400  }
0x63: {  	[tilespmem:$0x1B0] =	vst v3;
	v3 =	vmin.u32 v63, $0x1400  }
0x64: {  	[tilespmem:$0x1C0] =	vst v3  }
0x65: {  	[spmem:s4] =	stream.indirect.scatter.add.f32 [tilespmem:s21], [sflag:$0x5], $0x80, s3, s25, $0xb8;
	[tilespmem:$0x1CE00] =	vst v63  }
0x66: {  	_ =	swait.ge [sflag:s28], $0x2800  }
0x67: {  	[sflag:s28] =	ssyncset.done $0x0  }
0x68: {  	[sflag:s28] =	ssyncadd.s32 $0xFFFFD800  }
0x69: {  	[spmem:s5] =	stream.indirect.scatter.add.f32 [tilespmem:s29], [sflag:$0x5], $0x80, s3, s25, $0xb8;
	[tilespmem:$0x1CE00] =	vst v63  }
0x6a: {  	_ =	swait.ge [sflag:s28], $0x2800  }
0x6b: {  	[sflag:s28] =	ssyncset.done $0x0  }
0x6c: {  	[sflag:s28] =	ssyncadd.s32 $0xFFFFD800  }
.LBB2_11:
0x6d: {  	_ =	swait.ge [sflag:s17], $0x80  }
0x6e: {  	[sflag:s17] =	ssyncset.done $0x0  }
0x6f: {  	[sflag:s17] =	ssyncadd.s32 $0xFFFFFF80  }
0x70: {  	_ =	swait.ge [sflag:s22], $0x2800  }
0x71: {  	[sflag:s22] =	ssyncset.done $0x0  }
0x72: {  	[sflag:s22] =	ssyncadd.s32 $0xFFFFD800  }
0x73: {  	[bflag:$0x0] =	sbarrier.arrive $0xFFFF  }
0x74: {  	s8 =	sshll.u32 s1, $0x6;
	s10 =	rddreg [dreg:$0x9]  }
0x75: {  	s8 =	sor.u32 $0x1C01, s8;
	s11 =	rddreg [dreg:$0xc]  }
0x76: {  	[hbm:s10], [sflag:s8] =	dma.local [spmem:s11], $0x1480  }
0x77: {  	_ =	swait.ge [sflag:s17], $0x1480  }
0x78: {  	[sflag:s17] =	ssyncset.done $0x0  }
0x79: {  	s13 =	rddreg [dreg:$0xa];
	[sflag:s17] =	ssyncadd.s32 $0xFFFFEB80  }
0x7a: {  	[hbm:s13], [sflag:s8] =	dma.local [spmem:s24], $0x1480  }
0x7b: {  	_ =	swait.ge [sflag:s17], $0x1480  }
0x7c: {  	s19 =	sadd.s32 $0x1, s19;
	s23 =	rddreg [dreg:$0xb]  }
0x7d: {  	p0 =	sne.s32 s19, s23  }
.Ltmp1:
0x7e: {  	_ = 	snop;
	(pc) =	sbr.rel @!p0 .LBB2_12-.Ltmp1, $3  }
0x7f: {  	_ =	sdelay $0x1  }
0x80: {  	[sflag:s17] =	ssyncset.done $0x0  }
0x81: {  	[sflag:s17] =	ssyncadd.s32 $0xFFFFEB80  }
.LBB2_1:
0x82: {  	[tilespmem:$0x7A00] =	vst v1  }
0x83: {  	[tilespmem:$0x7A10] =	vst v1  }
0x84: {  	[tilespmem:$0x7A20] =	vst v1  }
0x85: {  	[tilespmem:$0x7A30] =	vst v1  }
0x86: {  	[tilespmem:$0x7A40] =	vst v1  }
0x87: {  	[tilespmem:$0x7A50] =	vst v1  }
0x88: {  	[tilespmem:$0x7A60] =	vst v1  }
0x89: {  	[tilespmem:$0x7A70] =	vst v1  }
0x8a: {  	[tilespmem:$0x7E00] =	vst v1  }
0x8b: {  	[tilespmem:$0x7E10] =	vst v1  }
0x8c: {  	[tilespmem:$0x7E20] =	vst v1  }
0x8d: {  	[tilespmem:$0x7E30] =	vst v1  }
0x8e: {  	[tilespmem:$0x7E40] =	vst v1  }
0x8f: {  	[tilespmem:$0x7E50] =	vst v1  }
0x90: {  	[tilespmem:$0x7E60] =	vst v1  }
0x91: {  	[tilespmem:$0x7E70] =	vst v1  }
0x92: {  	[tilespmem:$0x7A80] =	vst v1  }
0x93: {  	[tilespmem:$0x7A90] =	vst v1  }
0x94: {  	[tilespmem:$0x7AA0] =	vst v1  }
0x95: {  	[tilespmem:$0x7AB0] =	vst v1  }
0x96: {  	[tilespmem:$0x7AC0] =	vst v1  }
0x97: {  	[tilespmem:$0x7AD0] =	vst v1  }
0x98: {  	[tilespmem:$0x7AE0] =	vst v1  }
0x99: {  	[tilespmem:$0x7AF0] =	vst v1  }
0x9a: {  	[tilespmem:$0x7E80] =	vst v1  }
0x9b: {  	[tilespmem:$0x7E90] =	vst v1  }
0x9c: {  	[tilespmem:$0x7EA0] =	vst v1  }
0x9d: {  	[tilespmem:$0x7EB0] =	vst v1  }
0x9e: {  	[tilespmem:$0x7EC0] =	vst v1  }
0x9f: {  	[tilespmem:$0x7ED0] =	vst v1  }
0xa0: {  	[tilespmem:$0x7EE0] =	vst v1  }
0xa1: {  	[tilespmem:$0x7EF0] =	vst v1  }
0xa2: {  	[tilespmem:$0x7B00] =	vst v1  }
0xa3: {  	[tilespmem:$0x7B10] =	vst v1  }
0xa4: {  	[tilespmem:$0x7B20] =	vst v1  }
0xa5: {  	[tilespmem:$0x7B30] =	vst v1  }
0xa6: {  	[tilespmem:$0x7B40] =	vst v1  }
0xa7: {  	[tilespmem:$0x7B50] =	vst v1  }
0xa8: {  	[tilespmem:$0x7B60] =	vst v1  }
0xa9: {  	[tilespmem:$0x7B70] =	vst v1  }
0xaa: {  	[tilespmem:$0x7F00] =	vst v1  }
0xab: {  	[tilespmem:$0x7F10] =	vst v1  }
0xac: {  	[tilespmem:$0x7F20] =	vst v1  }
0xad: {  	[tilespmem:$0x7F30] =	vst v1  }
0xae: {  	[tilespmem:$0x7F40] =	vst v1  }
0xaf: {  	[tilespmem:$0x7F50] =	vst v1  }
0xb0: {  	[tilespmem:$0x7F60] =	vst v1  }
0xb1: {  	[tilespmem:$0x7F70] =	vst v1  }
0xb2: {  	[tilespmem:$0x7B80] =	vst v1  }
0xb3: {  	[tilespmem:$0x7B90] =	vst v1  }
0xb4: {  	[tilespmem:$0x7BA0] =	vst v1  }
0xb5: {  	[tilespmem:$0x7BB0] =	vst v1  }
0xb6: {  	[tilespmem:$0x7BC0] =	vst v1  }
0xb7: {  	[tilespmem:$0x7BD0] =	vst v1  }
0xb8: {  	[tilespmem:$0x7BE0] =	vst v1  }
0xb9: {  	[tilespmem:$0x7BF0] =	vst v1  }
0xba: {  	[tilespmem:$0x7F80] =	vst v1  }
0xbb: {  	[tilespmem:$0x7F90] =	vst v1  }
0xbc: {  	[tilespmem:$0x7FA0] =	vst v1  }
0xbd: {  	[tilespmem:$0x7FB0] =	vst v1  }
0xbe: {  	[tilespmem:$0x7FC0] =	vst v1  }
0xbf: {  	[tilespmem:$0x7FD0] =	vst v1  }
0xc0: {  	[tilespmem:$0x7FE0] =	vst v1  }
0xc1: {  	[tilespmem:$0x7FF0] =	vst v1  }
0xc2: {  	[tilespmem:$0x7C00] =	vst v1  }
0xc3: {  	[tilespmem:$0x7C10] =	vst v1  }
0xc4: {  	[tilespmem:$0x7C20] =	vst v1  }
0xc5: {  	[tilespmem:$0x7C30] =	vst v1  }
0xc6: {  	[tilespmem:$0x7C40] =	vst v1  }
0xc7: {  	[tilespmem:$0x7C50] =	vst v1  }
0xc8: {  	[tilespmem:$0x7C60] =	vst v1  }
0xc9: {  	[tilespmem:$0x7C70] =	vst v1  }
0xca: {  	[tilespmem:$0x8000] =	vst v1  }
0xcb: {  	[tilespmem:$0x8010] =	vst v1  }
0xcc: {  	[tilespmem:$0x8020] =	vst v1  }
0xcd: {  	[tilespmem:$0x8030] =	vst v1  }
0xce: {  	[tilespmem:$0x8040] =	vst v1  }
0xcf: {  	[tilespmem:$0x8050] =	vst v1  }
0xd0: {  	[tilespmem:$0x8060] =	vst v1  }
0xd1: {  	[tilespmem:$0x8070] =	vst v1  }
0xd2: {  	[tilespmem:$0x7C80] =	vst v1  }
0xd3: {  	[tilespmem:$0x7C90] =	vst v1  }
0xd4: {  	[tilespmem:$0x7CA0] =	vst v1  }
0xd5: {  	[tilespmem:$0x7CB0] =	vst v1  }
0xd6: {  	[tilespmem:$0x7CC0] =	vst v1  }
0xd7: {  	[tilespmem:$0x7CD0] =	vst v1  }
0xd8: {  	[tilespmem:$0x7CE0] =	vst v1  }
0xd9: {  	[tilespmem:$0x7CF0] =	vst v1  }
0xda: {  	[tilespmem:$0x8080] =	vst v1  }
0xdb: {  	[tilespmem:$0x8090] =	vst v1  }
0xdc: {  	[tilespmem:$0x80A0] =	vst v1  }
0xdd: {  	[tilespmem:$0x80B0] =	vst v1  }
0xde: {  	[tilespmem:$0x80C0] =	vst v1  }
0xdf: {  	[tilespmem:$0x80D0] =	vst v1  }
0xe0: {  	[tilespmem:$0x80E0] =	vst v1  }
0xe1: {  	[tilespmem:$0x80F0] =	vst v1  }
0xe2: {  	[tilespmem:$0x7D00] =	vst v1  }
0xe3: {  	[tilespmem:$0x7D10] =	vst v1  }
0xe4: {  	[tilespmem:$0x7D20] =	vst v1  }
0xe5: {  	[tilespmem:$0x7D30] =	vst v1  }
0xe6: {  	[tilespmem:$0x7D40] =	vst v1  }
0xe7: {  	[tilespmem:$0x7D50] =	vst v1  }
0xe8: {  	[tilespmem:$0x7D60] =	vst v1  }
0xe9: {  	[tilespmem:$0x7D70] =	vst v1  }
0xea: {  	[tilespmem:$0x8100] =	vst v1  }
0xeb: {  	[tilespmem:$0x8110] =	vst v1  }
0xec: {  	[tilespmem:$0x8120] =	vst v1  }
0xed: {  	[tilespmem:$0x8130] =	vst v1  }
0xee: {  	[tilespmem:$0x8140] =	vst v1  }
0xef: {  	[tilespmem:$0x8150] =	vst v1  }
0xf0: {  	[tilespmem:$0x8160] =	vst v1  }
0xf1: {  	[tilespmem:$0x8170] =	vst v1  }
0xf2: {  	[tilespmem:$0x7D80] =	vst v1  }
0xf3: {  	[tilespmem:$0x7D90] =	vst v1  }
0xf4: {  	[tilespmem:$0x7DA0] =	vst v1  }
0xf5: {  	[tilespmem:$0x7DB0] =	vst v1  }
0xf6: {  	[tilespmem:$0x7DC0] =	vst v1  }
0xf7: {  	[tilespmem:$0x7DD0] =	vst v1  }
0xf8: {  	[tilespmem:$0x7DE0] =	vst v1  }
0xf9: {  	[tilespmem:$0x7DF0] =	vst v1  }
0xfa: {  	[tilespmem:$0x8180] =	vst v1  }
0xfb: {  	[tilespmem:$0x8190] =	vst v1  }
0xfc: {  	[tilespmem:$0x81A0] =	vst v1  }
0xfd: {  	[tilespmem:$0x81B0] =	vst v1  }
0xfe: {  	[tilespmem:$0x81C0] =	vst v1  }
0xff: {  	[tilespmem:$0x81D0] =	vst v1  }
0x100: {  	[tilespmem:$0x81E0] =	vst v1  }
0x101: {  	[tilespmem:$0x81F0] =	vst v1;
	s8 =	simm.s32 $0x0;
	s10 =	simm.s32 $0x200  }
.LBB2_2:
0x102: {  	p0 =	sne.s32 s10, $0x9E00;
	[tilespmem:s8+$0x5270] =	vst v2  }
0x103: {  	[tilespmem:s8+$0x5200] =	vst v2  }
0x104: {  	[tilespmem:s8+$0x5210] =	vst v2  }
.Ltmp2:
0x105: {  	[tilespmem:s8+$0x5220] =	vst v2;
	(pc) =	sbr.rel @p0 .LBB2_2-.Ltmp2, $4  }
0x106: {  	[tilespmem:s8+$0x5230] =	vst v2  }
0x107: {  	[tilespmem:s8+$0x5240] =	vst v2  }
0x108: {  	[tilespmem:s8+$0x5250] =	vst v2  }
0x109: {  	[tilespmem:s8+$0x5260] =	vst v2;
	s8 =	sshra.s32 s10, $0x2;
	s10 =	sadd.s32 $0x200, s10  }
0x10a: {  	[tilespmem:s8+$0x5270] =	vst v2  }
0x10b: {  	[tilespmem:s8+$0x5200] =	vst v2  }
0x10c: {  	[tilespmem:s8+$0x5210] =	vst v2  }
0x10d: {  	[tilespmem:s8+$0x5220] =	vst v2  }
0x10e: {  	[tilespmem:s8+$0x5230] =	vst v2  }
0x10f: {  	[tilespmem:s8+$0x5240] =	vst v2  }
0x110: {  	[tilespmem:s8+$0x5250] =	vst v2  }
0x111: {  	[tilespmem:s8+$0x5260] =	vst v2;
	s13 =	sadd.s32 $0x0, s15  }
0x112: {  	[spmem:s13] =	stream.linear.scatter [tilespmem:s16], [sflag:$0x1], $0x400, $0x38;
	[tilespmem:$0x1CE00] =	vst v63  }
0x113: {  	_ =	swait.ge [sflag:s17], $0x400  }
0x114: {  	[sflag:s17] =	ssyncset.done $0x0  }
0x115: {  	s23 =	sadd.s32 $0x0, s14;
	[sflag:s17] =	ssyncadd.s32 $0xFFFFFC00  }
0x116: {  	[spmem:s23] =	stream.linear.scatter [tilespmem:s18], [sflag:$0x1], $0x400, $0x38;
	[tilespmem:$0x1CE00] =	vst v63  }
0x117: {  	_ =	swait.ge [sflag:s17], $0x400  }
0x118: {  	s10 =	simm.s32 $0x2000;
	s8 =	simm.s32 $0x400;
	[sflag:s17] =	ssyncset.done $0x0  }
.LBB2_4:
0x119: {  	s11 =	sadd.s32 s8, s15  }
0x11a: {  	[sflag:s17] =	ssyncadd.s32 $0xFFFFFC00;
	s12 =	smov.u32 s10;
	s13 =	sadd.s32 $0x1000, s10  }
0x11b: {  	[spmem:s11] =	stream.linear.scatter [tilespmem:s16], [sflag:$0x1], $0x400, $0x38;
	[tilespmem:$0x1CE00] =	vst v63  }
0x11c: {  	p0 =	sne.s32 s10, $0x28000;
	_ =	swait.ge [sflag:s17], $0x400  }
.Ltmp3:
0x11d: {  	[sflag:s17] =	ssyncset.done $0x0;
	(pc) =	sbr.rel @p0 .LBB2_4-.Ltmp3, $4  }
0x11e: {  	s8 =	sadd.s32 s8, s14;
	[sflag:s17] =	ssyncadd.s32 $0xFFFFFC00  }
0x11f: {  	[spmem:s8] =	stream.linear.scatter [tilespmem:s18], [sflag:$0x1], $0x400, $0x38;
	[tilespmem:$0x1CE00] =	vst v63  }
0x120: {  	_ =	swait.ge [sflag:s17], $0x400  }
0x121: {  	s10 =	smov.u32 s13;
	s8 =	sshra.s32 s12, $0x2;
	[sflag:s17] =	ssyncset.done $0x0  }
0x122: {  	s10 =	sadd.s32 s8, s15;
	[sflag:s17] =	ssyncadd.s32 $0xFFFFFC00  }
0x123: {  	[spmem:s10] =	stream.linear.scatter [tilespmem:s16], [sflag:$0x1], $0x400, $0x38;
	[tilespmem:$0x1CE00] =	vst v63  }
0x124: {  	_ =	swait.ge [sflag:s17], $0x400  }
0x125: {  	[sflag:s17] =	ssyncset.done $0x0  }
0x126: {  	s11 =	sadd.s32 s8, s14;
	[sflag:s17] =	ssyncadd.s32 $0xFFFFFC00  }
0x127: {  	[spmem:s11] =	stream.linear.scatter [tilespmem:s18], [sflag:$0x1], $0x400, $0x38;
	[tilespmem:$0x1CE00] =	vst v63  }
0x128: {  	_ =	swait.ge [sflag:s17], $0x400  }
0x129: {  	[sflag:s17] =	ssyncset.done $0x0  }
0x12a: {  	[sflag:s17] =	ssyncadd.s32 $0xFFFFFC00  }
0x12b: {  	[bflag:$0x0] =	sbarrier.arrive $0xFFFF  }
0x12c: {  	s13 =	simm.s32 $0x8200;
	s12 =	rddreg [dreg:$0x7]  }
0x12d: {  	[tilespmem:s13], [sflag:$0x1] =	stream.linear.gather [hbm4b:s12+s7], $0x400, $0x38;
	[tilespmem:$0x1CE00] =	vst v63  }
0x12e: {  	_ =	swait.ge [sflag:s17], $0x400  }
0x12f: {  	[sflag:s17] =	ssyncset.done $0x0  }
0x130: {  	[sflag:s17] =	ssyncadd.s32 $0xFFFFFC00  }
0x131: {  	v3 =	vld [tilespmem:$0x8200];
	_ =	sdelay $0x4  }
0x132: {  	(v2sf) =	vpush v3, $0x0  }
0x133: {  	(v2sf) =	vpush v3, $0x1;
	_ =	sdelay $0xd  }
0x134: {  	s23 =	spop (v2sf)  }
0x135: {  	s12 =	spop (v2sf)  }
0x136: {  	s11 =	ssub.s32 $0xFA0, s23;
	s10 =	smul.u32 s6, s12  }
0x137: {  	s11 =	smul.u32 s6, s11  }
0x138: {  	s8 =	sadd.s32 s23, s9  }
0x139: {  	s10 =	sadd.s32 s10, s9;
	s8 =	sadd.s32 s11, s8  }
0x13a: {  	p0 =	sgt.s32 s10, $0x0;
	p1 =	sgt.s32 s8, $0x0  }
0x13b: {  	s10 =	simm.s32 @!p0 $0x0;
	s8 =	simm.s32 @!p1 $0x0  }
0x13c: {  	s10 =	sshrl.u32 s10, $0x4;
	s11 =	sshrl.u32 s8, $0x4  }
0x13d: {  	s8 =	ssub.s32 s11, s10  }
0x13e: {  	s12 =	sshrl.u32 s8, $0x1F  }
0x13f: {  	s12 =	sadd.s32 s12, s8  }
0x140: {  	s12 =	sand.u32 $0xFFFFFFFE, s12  }
0x141: {  	s12 =	ssub.s32 s8, s12  }
0x142: {  	s8 =	smul.u32 s6, s12;
	_ =	sdelay $0x1  }
0x143: {  	s8 =	ssub.s32 s10, s8  }
0x144: {  	p0 =	slt.s32 s8, $0xF9;
	s10 =	smov.u32 s8  }
0x145: {  	s10 =	simm.s32 @!p0 $0xF9  }
0x146: {  	s10 =	sshll.u32 s10, $0x4  }
0x147: {  	s23 =	rddreg [dreg:$0x8];
	s10 =	sor.u32 s1, s10  }
0x148: {  	s12 =	smul.u32 s23, s12;
	s13 =	sshll.u32 s10, $0x4  }
0x149: {  	s13 =	sand.u32 $0x1FFFFFF0, s13  }
0x14a: {  	s11 =	sadd.s32 s11, s12;
	s10 =	smul.u32 $0x2800, s10;
	s13 =	sadd.s32 s2, s13  }
0x14b: {  	[tilespmem:s7], [sflag:$0x1] =	stream.linear.gather [hbm4b:s13+s7], $0x80, $0x38;
	[tilespmem:$0x1CE00] =	vst v63  }
0x14c: {  	s13 =	sshrl.u32 s10, $0x3;
	s10 =	ssub.s32 s11, s8  }
0x14d: {  	p0 =	slt.s32 s10, $0x2  }
.Ltmp4:
0x14e: {  	_ = 	snop;
	(pc) =	sbr.rel @p0 .LBB2_11-.Ltmp4, $3  }
0x14f: {  	_ =	sdelay $0x1  }
0x150: {  	s23 =	sadd.s32 s0, s13  }
0x151: {  	[tilespmem:s20], [sflag:$0x3] =	stream.linear.gather [hbm4b:s23+s7], $0x2800, $0x38;
	[tilespmem:$0x1CE00] =	vst v63  }
0x152: {  	s11 =	sshrl.u32 s10, $0x1F  }
0x153: {  	s10 =	sadd.s32 s11, s10  }
0x154: {  	s10 =	sshra.s32 s10, $0x1  }
0x155: {  	p1 =	sne.s32 s10, $0x1  }
.Ltmp5:
0x156: {  	_ = 	snop;
	(pc) =	sbr.rel @!p1 .LBB2_7-.Ltmp5, $2  }
0x157: {  	_ =	sdelay $0x2  }
0x158: {  	p2 =	slt.s32 s8, $0xF8;
	p0 =	por $0x0, $0x0;
	s10 =	sadd.s32 $0xFFFFFFFF, s10  }
0x159: {  	s11 =	smov.u32 s8  }
0x15a: {  	s11 =	simm.s32 @!p2 $0xF8  }
0x15b: {  	s11 =	sshll.u32 s11, $0x4  }
0x15c: {  	s11 =	sor.u32 s1, s11  }
0x15d: {  	s11 =	sadd.s32 $0x10, s11  }
0x15e: {  	s12 =	smul.u32 $0x2800, s11;
	s11 =	sshll.u32 s11, $0x4  }
0x15f: {  	s11 =	sand.u32 $0x1FFFFFF0, s11  }
0x160: {  	s13 =	rddreg [dreg:$0x6];
	s12 =	sshrl.u32 s12, $0x3;
	s11 =	sadd.s32 s2, s11  }
0x161: {  	[tilespmem:s13], [sflag:$0x2] =	stream.linear.gather [hbm4b:s11+s7], $0x80, $0x38;
	[tilespmem:$0x1CE00] =	vst v63  }
0x162: {  	s13 =	sadd.s32 s0, s12  }
0x163: {  	[tilespmem:s21], [sflag:$0x4] =	stream.linear.gather [hbm4b:s13+s7], $0x2800, $0x38;
	[tilespmem:$0x1CE00] =	vst v63  }
0x164: {  	_ =	swait.ge [sflag:s17], $0x80  }
0x165: {  	[sflag:s17] =	ssyncset.done $0x0  }
0x166: {  	[sflag:s17] =	ssyncadd.s32 $0xFFFFFF80  }
0x167: {  	_ =	swait.ge [sflag:s22], $0x2800  }
0x168: {  	[sflag:s22] =	ssyncset.done $0x0  }
0x169: {  	[sflag:s22] =	ssyncadd.s32 $0xFFFFD800  }
0x16a: {  	v3 =	vld [tilespmem:$0x30]  }
0x16b: {  	v4 =	vld [tilespmem:$0x10]  }
0x16c: {  	v5 =	vld [tilespmem:$0x0]  }
0x16d: {  	v6 =	vld [tilespmem:$0x20]  }
0x16e: {  	v7 =	vld [tilespmem:$0x40]  }
0x16f: {  	v3 =	vsub.s32 v3, v0  }
0x170: {  	v4 =	vsub.s32 v4, v0;
	v3 =	vmin.u32 v3, $0x1400  }
0x171: {  	v5 =	vsub.s32 v5, v0;
	v4 =	vmin.u32 v4, $0x1400;
	[tilespmem:$0x130] =	vst v3  }
0x172: {  	v62 =	vsub.s32 v6, v0;
	v3 =	vmin.u32 v5, $0x1400;
	[tilespmem:$0x110] =	vst v4  }
0x173: {  	p0 =	slt.s32 s8, $0xF7;
	s11 =	smov.u32 s8;
	v63 =	vsub.s32 v7, v0;
	[tilespmem:$0x100] =	vst v3;
	v3 =	vmin.u32 v62, $0x1400  }
0x174: {  	s11 =	simm.s32 @!p0 $0xF7;
	[tilespmem:$0x120] =	vst v3;
	v3 =	vmin.u32 v63, $0x1400  }
0x175: {  	s11 =	sshll.u32 s11, $0x4;
	[tilespmem:$0x140] =	vst v3  }
0x176: {  	[spmem:s4] =	stream.indirect.scatter.add.f32 [tilespmem:s20], [sflag:$0x5], $0x80, s26, s25, $0xb8;
	[tilespmem:$0x1CE00] =	vst v63  }
0x177: {  	s11 =	sor.u32 s1, s11;
	_ =	swait.ge [sflag:s28], $0x2800  }
0x178: {  	p1 =	sne.s32 s10, $0x1;
	s11 =	sadd.s32 $0x20, s11;
	[sflag:s28] =	ssyncset.done $0x0  }
0x179: {  	s23 =	sshll.u32 s11, $0x4;
	s11 =	smul.u32 $0x2800, s11;
	[sflag:s28] =	ssyncadd.s32 $0xFFFFD800  }
0x17a: {  	[spmem:s5] =	stream.indirect.scatter.add.f32 [tilespmem:s29], [sflag:$0x5], $0x80, s26, s25, $0xb8;
	[tilespmem:$0x1CE00] =	vst v63  }
.Ltmp6:
0x17b: {  	s10 =	sadd.s32 $0xFFFFFFFF, s10;
	s8 =	sadd.s32 $0x2, s8;
	(pc) =	sbr.rel @!p1 .LBB2_10-.Ltmp6, $4  }
0x17c: {  	p2 =	slt.s32 s8, $0xF8;
	p0 =	por $0x1, $0x1;
	_ =	swait.ge [sflag:s28], $0x2800  }
0x17d: {  	s12 =	sand.u32 $0x1FFFFFF0, s23;
	s11 =	sshrl.u32 s11, $0x3;
	[sflag:s28] =	ssyncset.done $0x0  }
0x17e: {  	s12 =	sadd.s32 s2, s12;
	s11 =	sadd.s32 s0, s11;
	[sflag:s28] =	ssyncadd.s32 $0xFFFFD800  }
0x17f: {  	[tilespmem:s7], [sflag:$0x1] =	stream.linear.gather [hbm4b:s12+s7], $0x80, $0x38;
	[tilespmem:$0x1CE00] =	vst v63  }
.LBB2_9:
0x180: {  	[tilespmem:s20], [sflag:$0x3] =	stream.linear.gather [hbm4b:s11+s7], $0x2800, $0x38;
	[tilespmem:$0x1CE00] =	vst v63  }
0x181: {  	_ =	swait.ge [sflag:s30], $0x80  }
0x182: {  	[sflag:s30] =	ssyncset.done $0x0  }
0x183: {  	[sflag:s30] =	ssyncadd.s32 $0xFFFFFF80  }
0x184: {  	_ =	swait.ge [sflag:s31], $0x2800  }
0x185: {  	[sflag:s31] =	ssyncset.done $0x0  }
0x186: {  	[sflag:s31] =	ssyncadd.s32 $0xFFFFD800  }
0x187: {  	v3 =	vld [tilespmem:$0x80]  }
0x188: {  	v4 =	vld [tilespmem:$0x90]  }
0x189: {  	v5 =	vld [tilespmem:$0xA0]  }
0x18a: {  	v6 =	vld [tilespmem:$0xB0]  }
0x18b: {  	v7 =	vld [tilespmem:$0xC0]  }
0x18c: {  	v3 =	vsub.s32 v3, v0  }
0x18d: {  	v4 =	vsub.s32 v4, v0;
	v3 =	vmin.u32 v3, $0x1400  }
0x18e: {  	v55 =	vsub.s32 v5, v0;
	[tilespmem:$0x180] =	vst v3;
	v3 =	vmin.u32 v4, $0x1400  }
0x18f: {  	v56 =	vsub.s32 v6, v0;
	[tilespmem:$0x190] =	vst v3;
	v3 =	vmin.u32 v55, $0x1400  }
0x190: {  	s12 =	smov.u32 s8;
	v57 =	vsub.s32 v7, v0;
	[tilespmem:$0x1A0] =	vst v3;
	v3 =	vmin.u32 v56, $0x1400  }
0x191: {  	s12 =	simm.s32 @!p2 $0xF8;
	[tilespmem:$0x1B0] =	vst v3;
	v3 =	vmin.u32 v57, $0x1400  }
0x192: {  	s13 =	sshll.u32 s12, $0x4;
	[tilespmem:$0x1C0] =	vst v3  }
0x193: {  	[spmem:s4] =	stream.indirect.scatter.add.f32 [tilespmem:s21], [sflag:$0x5], $0x80, s3, s25, $0xb8;
	[tilespmem:$0x1CE00] =	vst v63  }
0x194: {  	s11 =	sor.u32 s1, s13;
	_ =	swait.ge [sflag:s28], $0x2800  }
0x195: {  	s11 =	sadd.s32 $0x10, s11;
	[sflag:s28] =	ssyncset.done $0x0  }
0x196: {  	s23 =	smul.u32 $0x2800, s11;
	[sflag:s28] =	ssyncadd.s32 $0xFFFFD800  }
0x197: {  	[spmem:s5] =	stream.indirect.scatter.add.f32 [tilespmem:s29], [sflag:$0x5], $0x80, s3, s25, $0xb8;
	[tilespmem:$0x1CE00] =	vst v63  }
0x198: {  	s11 =	sshll.u32 s11, $0x4;
	_ =	swait.ge [sflag:s28], $0x2800  }
0x199: {  	s11 =	sand.u32 $0x1FFFFFF0, s11;
	s12 =	sshrl.u32 s23, $0x3;
	[sflag:s28] =	ssyncset.done $0x0  }
0x19a: {  	s11 =	sadd.s32 s2, s11;
	s13 =	rddreg [dreg:$0x6];
	[sflag:s28] =	ssyncadd.s32 $0xFFFFD800  }
0x19b: {  	[tilespmem:s13], [sflag:$0x2] =	stream.linear.gather [hbm4b:s11+s7], $0x80, $0x38;
	[tilespmem:$0x1CE00] =	vst v63  }
0x19c: {  	s13 =	sadd.s32 s0, s12  }
0x19d: {  	[tilespmem:s21], [sflag:$0x4] =	stream.linear.gather [hbm4b:s13+s7], $0x2800, $0x38;
	[tilespmem:$0x1CE00] =	vst v63  }
0x19e: {  	_ =	swait.ge [sflag:s17], $0x80  }
0x19f: {  	[sflag:s17] =	ssyncset.done $0x0  }
0x1a0: {  	[sflag:s17] =	ssyncadd.s32 $0xFFFFFF80  }
0x1a1: {  	_ =	swait.ge [sflag:s22], $0x2800  }
0x1a2: {  	[sflag:s22] =	ssyncset.done $0x0  }
0x1a3: {  	[sflag:s22] =	ssyncadd.s32 $0xFFFFD800  }
0x1a4: {  	v3 =	vld [tilespmem:$0x30]  }
0x1a5: {  	v58 =	vld [tilespmem:$0x10]  }
0x1a6: {  	v59 =	vld [tilespmem:$0x0]  }
0x1a7: {  	v60 =	vld [tilespmem:$0x20]  }
0x1a8: {  	v61 =	vld [tilespmem:$0x40]  }
0x1a9: {  	v3 =	vsub.s32 v3, v0  }
0x1aa: {  	v4 =	vsub.s32 v58, v0;
	v3 =	vmin.u32 v3, $0x1400  }
0x1ab: {  	v5 =	vsub.s32 v59, v0;
	v4 =	vmin.u32 v4, $0x1400;
	[tilespmem:$0x130] =	vst v3  }
0x1ac: {  	v62 =	vsub.s32 v60, v0;
	v3 =	vmin.u32 v5, $0x1400;
	[tilespmem:$0x110] =	vst v4  }
0x1ad: {  	p2 =	slt.s32 s8, $0xF7;
	s11 =	smov.u32 s8;
	v63 =	vsub.s32 v61, v0;
	[tilespmem:$0x100] =	vst v3;
	v3 =	vmin.u32 v62, $0x1400  }
0x1ae: {  	s11 =	simm.s32 @!p2 $0xF7;
	[tilespmem:$0x120] =	vst v3;
	v3 =	vmin.u32 v63, $0x1400  }
0x1af: {  	s11 =	sshll.u32 s11, $0x4;
	[tilespmem:$0x140] =	vst v3  }
0x1b0: {  	[spmem:s4] =	stream.indirect.scatter.add.f32 [tilespmem:s20], [sflag:$0x5], $0x80, s26, s25, $0xb8;
	[tilespmem:$0x1CE00] =	vst v63  }
0x1b1: {  	s11 =	sor.u32 s1, s11;
	_ =	swait.ge [sflag:s28], $0x2800  }
0x1b2: {  	p1 =	sne.s32 s10, $0x1;
	s11 =	sadd.s32 $0x20, s11;
	[sflag:s28] =	ssyncset.done $0x0  }
0x1b3: {  	s23 =	sshll.u32 s11, $0x4;
	s11 =	smul.u32 $0x2800, s11;
	[sflag:s28] =	ssyncadd.s32 $0xFFFFD800  }
0x1b4: {  	[spmem:s5] =	stream.indirect.scatter.add.f32 [tilespmem:s29], [sflag:$0x5], $0x80, s26, s25, $0xb8;
	[tilespmem:$0x1CE00] =	vst v63  }
.Ltmp7:
0x1b5: {  	s8 =	sadd.s32 $0x2, s8;
	(pc) =	sbr.rel @p1 .LBB2_9-.Ltmp7, $4  }
0x1b6: {  	s10 =	sadd.s32 $0xFFFFFFFF, s10;
	p2 =	slt.s32 s8, $0xF8;
	_ =	swait.ge [sflag:s28], $0x2800  }
0x1b7: {  	s12 =	sand.u32 $0x1FFFFFF0, s23;
	s11 =	sshrl.u32 s11, $0x3;
	[sflag:s28] =	ssyncset.done $0x0  }
0x1b8: {  	s12 =	sadd.s32 s2, s12;
	s11 =	sadd.s32 s0, s11;
	[sflag:s28] =	ssyncadd.s32 $0xFFFFD800  }
0x1b9: {  	[tilespmem:s7], [sflag:$0x1] =	stream.linear.gather [hbm4b:s12+s7], $0x80, $0x38;
	[tilespmem:$0x1CE00] =	vst v63  }
.Ltmp8:
0x1ba: {  	_ = 	snop;
	(pc) =	sbr.rel .LBB2_10-.Ltmp8, $1  }
0x1bb: {  	_ =	sdelay $0x3  }
.LBB2_12:
0x1bc: {  	_ =	sfence.sel $0x180000  }
0x1bd: {  	[bflag:$0x0] =	sbarrier.arrive $0xFFFF  }
0x1be: {  	_ =	strace $0x90000047  }
0x1bf: {  	[bflag:$0x2] =	sbarrier.arrive $0xFFFF  }
0x1c0: {  	p0 =	sne.s32 s1, $0x0;
	s0 =	rddreg [dreg:$0x5]  }
0x1c1: {  	s0 =	sadd.s32 @!p0 $0x100000, s0  }
0x1c2: {  	[sflag:s0] =	ssyncadd.tile.s32 @!p0 $0x1;
	_ =	shalt  }
.Lfunc_end2:
_tile_overlayer_lowered:
.L_overlay_start_2:
0x1c3: {  	(tag) =	ssettag $0x2  }
0x1c4: {  	s0 =	rddreg [dreg:$0x0];
	s2 =	stileid.u32  }
0x1c5: {  	s1 =	rddreg [dreg:$0x1];
	p0 =	sne.s32 s2, $0x0  }
0x1c6: {  	s3 =	rddreg [dreg:$0x2];
	[bflag:$0x3] =	sbarrier.arrive $0xFFFF;
	s2 =	simm.s32 @!p0 $0x1C01  }
0x1c7: {  	[timem:s3], [sflag:s2] =	dma.local @!p0 [hbm:s0], s1  }
0x1c8: {  	s0 =	simm.s32 @!p0 $0x1  }
0x1c9: {  	_ =	swait.ge @!p0 [sflag:s0], s1  }
0x1ca: {  	s1 =	ssub.s32 @!p0 $0x0, s1;
	[sflag:s0] =	ssyncset.done @!p0 $0x0  }
0x1cb: {  	[sflag:s0] =	ssyncadd.s32 @!p0 s1  }
0x1cc: {  	[bflag:$0x3] =	sbarrier.arrive $0xFFFF  }
0x1cd: {  	_ =	shalt  }

</sc_bundles>
